<compile_context>
chip_gen: v7x
topology: tpu7x:2x2x1
jax: 0.10.2.dev20260603
libtpu: 0.0.44.dev20260713+nightly
codegen_flags: <defaults>
</compile_context>

<pallas_src>
import functools

import jax
import jax.numpy as jnp
from jax import lax
from jax.experimental import pallas as pl
from jax.experimental.pallas import tpu as pltpu
from jax.experimental.pallas import tpu_sc as plsc

N = 10000
E = 320000
D = 128
H = 128
C = 16
G = 16

NP = 10240
ROWS_PER_TILE = 640
CHUNK = 128
NCHUNKS = 2560
EP = NCHUNKS * CHUNK
QPT = 80
CPT_DEG = 80
RB = 1024
GRID = NP // RB

_mesh = plsc.VectorSubcoreMesh(core_axis_name="c", subcore_axis_name="s")


@functools.partial(
    pl.kernel,
    mesh=_mesh,
    out_type=jax.ShapeDtypeStruct((2, NP), jnp.float32),
    scratch_types=[
        pltpu.VMEM((CPT_DEG, CHUNK), jnp.int32),
        pltpu.VMEM((CHUNK,), jnp.float32),
        pltpu.VMEM((ROWS_PER_TILE,), jnp.float32),
        pltpu.VMEM_SHARED((NP,), jnp.float32),
        pltpu.SemaphoreType.DMA,
    ],
)
def _sc_degree(dst_hbm, ones_hbm, z640_hbm, out_hbm,
               dst_v, ones_v, stage_v, deg_sh, sem):
    c = lax.axis_index("c")
    s = lax.axis_index("s")
    wid = c * 16 + s
    row0 = s * ROWS_PER_TILE
    pltpu.sync_copy(dst_hbm.at[wid], dst_v)
    pltpu.sync_copy(ones_hbm, ones_v)
    pltpu.sync_copy(z640_hbm, stage_v)
    pltpu.sync_copy(stage_v, deg_sh.at[pl.ds(row0, ROWS_PER_TILE)])
    plsc.subcore_barrier()

    def body(b, carry):
        for u in range(8):
            pltpu.async_copy(ones_v, deg_sh.at[dst_v.at[b * 8 + u]], sem, add=True)
        for u in range(8):
            pltpu.make_async_copy(ones_v, deg_sh.at[dst_v.at[b * 8 + u]], sem).wait()
        return carry

    lax.fori_loop(0, CPT_DEG // 8, body, 0)
    plsc.subcore_barrier()
    pltpu.sync_copy(deg_sh.at[pl.ds(row0, ROWS_PER_TILE)], stage_v)
    pltpu.sync_copy(stage_v, out_hbm.at[c, pl.ds(row0, ROWS_PER_TILE)])


@functools.partial(
    pl.kernel,
    mesh=_mesh,
    out_type=jax.ShapeDtypeStruct((2, NP, H), jnp.float32),
    scratch_types=[
        pltpu.VMEM((2, CHUNK), jnp.int32),
        pltpu.VMEM((2, CHUNK), jnp.int32),
        pltpu.VMEM((CHUNK, H), jnp.float32),
        pltpu.VMEM((CHUNK, H), jnp.float32),
        pltpu.SemaphoreType.DMA,
        pltpu.SemaphoreType.DMA,
        pltpu.SemaphoreType.DMA,
        pltpu.SemaphoreType.DMA,
        pltpu.SemaphoreType.DMA,
        pltpu.SemaphoreType.DMA,
        pltpu.SemaphoreType.DMA,
        pltpu.SemaphoreType.DMA,
        pltpu.VMEM_SHARED((NP, H), jnp.float32),
    ],
)
def _sc_aggregate(hs_hbm, src_hbm, dst_hbm, z_hbm, out_hbm,
                  src2, dst2, rows0, rows1, sg0, sg1, si0, si1, sd0, sd1,
                  ss0, ss1, acc_sh):
    c = lax.axis_index("c")
    s = lax.axis_index("s")
    row0 = s * ROWS_PER_TILE
    NZ = ROWS_PER_TILE // CHUNK

    qh = QPT // 2
    base = (c * 16 + s) * QPT

    pltpu.sync_copy(z_hbm, rows0)
    for k in range(NZ):
        pltpu.sync_copy(rows0, acc_sh.at[pl.ds(row0 + k * CHUNK, CHUNK), :])
    plsc.subcore_barrier()

    def body(g, carry):
        j0 = base + 2 * g
        notlast = g < qh - 1

        pltpu.make_async_copy(src_hbm.at[base + 1], src2.at[1], si1).wait()

        @pl.when(g > 0)
        def _():
            pltpu.make_async_copy(rows1, acc_sh.at[dst2.at[1]], ss1).wait()
            pltpu.async_copy(dst_hbm.at[j0 + 1], dst2.at[1], sd1)

        pltpu.async_copy(hs_hbm.at[src2.at[1]], rows1, sg1)
        pltpu.make_async_copy(hs_hbm.at[src2.at[0]], rows0, sg0).wait()

        @pl.when(notlast)
        def _():
            pltpu.async_copy(src_hbm.at[j0 + 2], src2.at[0], si0)

        pltpu.make_async_copy(dst_hbm.at[base], dst2.at[0], sd0).wait()
        pltpu.async_copy(rows0, acc_sh.at[dst2.at[0]], ss0, add=True)

        @pl.when(notlast)
        def _():
            pltpu.make_async_copy(rows0, acc_sh.at[dst2.at[0]], ss0).wait()
            pltpu.async_copy(dst_hbm.at[j0 + 2], dst2.at[0], sd0)
            pltpu.make_async_copy(src_hbm.at[j0 + 2], src2.at[0], si0).wait()
            pltpu.async_copy(hs_hbm.at[src2.at[0]], rows0, sg0)

        pltpu.make_async_copy(hs_hbm.at[src2.at[1]], rows1, sg1).wait()
        pltpu.make_async_copy(dst_hbm.at[base + 1], dst2.at[1], sd1).wait()
        pltpu.async_copy(rows1, acc_sh.at[dst2.at[1]], ss1, add=True)

        @pl.when(notlast)
        def _():
            pltpu.async_copy(src_hbm.at[j0 + 3], src2.at[1], si1)

        return carry

    pltpu.sync_copy(src_hbm.at[base], src2.at[0])
    pltpu.async_copy(hs_hbm.at[src2.at[0]], rows0, sg0)
    pltpu.async_copy(dst_hbm.at[base], dst2.at[0], sd0)
    pltpu.async_copy(src_hbm.at[base + 1], src2.at[1], si1)
    pltpu.async_copy(dst_hbm.at[base + 1], dst2.at[1], sd1)
    lax.fori_loop(0, qh, body, 0)

    pltpu.make_async_copy(rows0, acc_sh.at[dst2.at[0]], ss0).wait()
    pltpu.make_async_copy(rows1, acc_sh.at[dst2.at[1]], ss1).wait()
    plsc.subcore_barrier()

    bufs = (rows0, rows1)
    sems = (sg0, sg1)
    for k in range(NZ):
        sl = pl.ds(row0 + k * CHUNK, CHUNK)
        if k >= 2:
            prev = pl.ds(row0 + (k - 2) * CHUNK, CHUNK)
            pltpu.make_async_copy(
                bufs[k % 2], out_hbm.at[c, prev, :], sems[k % 2]).wait()
        pltpu.sync_copy(acc_sh.at[sl, :], bufs[k % 2])
        pltpu.async_copy(bufs[k % 2], out_hbm.at[c, sl, :], sems[k % 2])
    for k in (NZ - 2, NZ - 1):
        sl = pl.ds(row0 + k * CHUNK, CHUNK)
        pltpu.make_async_copy(bufs[k % 2], out_hbm.at[c, sl, :], sems[k % 2]).wait()


def _t1_body(x_ref, w_ref, deg_ref, hs_ref):
    dinv = lax.rsqrt(deg_ref[0, :] + deg_ref[1, :] + 1.0)
    h = jnp.dot(x_ref[...], w_ref[...], preferred_element_type=jnp.float32)
    hs_ref[...] = h * dinv[:, None]


_t1 = pl.pallas_call(
    _t1_body,
    grid=(GRID,),
    in_specs=[
        pl.BlockSpec((RB, D), lambda i: (i, 0)),
        pl.BlockSpec((D, H), lambda i: (0, 0)),
        pl.BlockSpec((2, RB), lambda i: (0, i)),
    ],
    out_specs=pl.BlockSpec((RB, H), lambda i: (i, 0)),
    out_shape=jax.ShapeDtypeStruct((NP, H), jnp.float32),
)


def _t2_body(acc_ref, hs_ref, deg_ref, w_ref, b_ref, out_ref):
    dinv = lax.rsqrt(deg_ref[0, :] + deg_ref[1, :] + 1.0)
    tot = (acc_ref[0] + acc_ref[1] + hs_ref[...]) * dinv[:, None]
    h = jnp.maximum(tot + b_ref[...][None, :], 0.0)
    out_ref[...] = (
        jnp.dot(h, w_ref[...], preferred_element_type=jnp.float32) * dinv[:, None]
    )


_t2 = pl.pallas_call(
    _t2_body,
    grid=(GRID,),
    in_specs=[
        pl.BlockSpec((2, RB, H), lambda i: (0, i, 0)),
        pl.BlockSpec((RB, H), lambda i: (i, 0)),
        pl.BlockSpec((2, RB), lambda i: (0, i)),
        pl.BlockSpec((H, H), lambda i: (0, 0)),
        pl.BlockSpec((H,), lambda i: (0,)),
    ],
    out_specs=pl.BlockSpec((RB, H), lambda i: (i, 0)),
    out_shape=jax.ShapeDtypeStruct((NP, H), jnp.float32),
)


def _t3_body(acc_ref, hs_ref, deg_ref, b_ref, batch_ref, wc_ref, bc_ref,
             out_ref, hg_acc, cnt_acc):
    i = pl.program_id(0)

    @pl.when(i == 0)
    def _():
        hg_acc[...] = jnp.zeros_like(hg_acc)
        cnt_acc[...] = jnp.zeros_like(cnt_acc)

    dinv = lax.rsqrt(deg_ref[0, :] + deg_ref[1, :] + 1.0)
    tot = (acc_ref[0] + acc_ref[1] + hs_ref[...]) * dinv[:, None]
    h = jnp.maximum(tot + b_ref[...][None, :], 0.0)
    onehot = (
        batch_ref[0, 0, :][None, :]
        == lax.broadcasted_iota(jnp.int32, (G, RB), 0)
    ).astype(jnp.float32)
    hg_acc[...] += jnp.dot(onehot, h, preferred_element_type=jnp.float32)
    cnt = jnp.sum(onehot, axis=1, keepdims=True)
    cnt_acc[...] += jnp.broadcast_to(cnt, (G, H))

    @pl.when(i == GRID - 1)
    def _():
        hg = hg_acc[...] / jnp.maximum(cnt_acc[...], 1.0)
        out_ref[...] = (
            jnp.dot(hg, wc_ref[...], preferred_element_type=jnp.float32)
            + bc_ref[...][None, :]
        )


_t3 = pl.pallas_call(
    _t3_body,
    grid=(GRID,),
    in_specs=[
        pl.BlockSpec((2, RB, H), lambda i: (0, i, 0)),
        pl.BlockSpec((RB, H), lambda i: (i, 0)),
        pl.BlockSpec((2, RB), lambda i: (0, i)),
        pl.BlockSpec((H,), lambda i: (0,)),
        pl.BlockSpec((1, 1, RB), lambda i: (i, 0, 0)),
        pl.BlockSpec((H, H), lambda i: (0, 0)),
        pl.BlockSpec((H,), lambda i: (0,)),
    ],
    out_specs=pl.BlockSpec((G, H), lambda i: (0, 0)),
    out_shape=jax.ShapeDtypeStruct((G, H), jnp.float32),
    scratch_shapes=[
        pltpu.VMEM((G, H), jnp.float32),
        pltpu.VMEM((G, H), jnp.float32),
    ],
)


def kernel(x, edge_index, batch, W1, b1, W2, b2, Wc, bc):
    src = edge_index[0]
    dst = edge_index[1]
    pad_e = EP - E
    pad_dst = N + (jnp.arange(pad_e, dtype=jnp.int32) % (NP - N))
    pad_src = N + ((jnp.arange(pad_e, dtype=jnp.int32) + 97) % (NP - N))
    src_p = jnp.concatenate([src, pad_src]).reshape(NCHUNKS, CHUNK)
    dst_p = jnp.concatenate([dst, pad_dst]).reshape(NCHUNKS, CHUNK)
    dst_p32 = dst_p.reshape(32, CPT_DEG, CHUNK)
    x_p = jnp.pad(x, ((0, NP - N), (0, 0)))
    batch_p = jnp.pad(batch, (0, NP - N), constant_values=G).reshape(GRID, 1, RB)
    wc_p = jnp.pad(Wc, ((0, 0), (0, H - C)))
    bc_p = jnp.pad(bc, (0, H - C))
    ones128 = jnp.ones((CHUNK,), jnp.float32)
    z640 = jnp.zeros((ROWS_PER_TILE,), jnp.float32)
    z128 = jnp.zeros((CHUNK, H), jnp.float32)

    deg2 = _sc_degree(dst_p32, ones128, z640)
    hs1 = _t1(x_p, W1, deg2)
    acc1 = _sc_aggregate(hs1, src_p, dst_p, z128)
    hs2 = _t2(acc1, hs1, deg2, W2, b1)
    acc2 = _sc_aggregate(hs2, src_p, dst_p, z128)
    out = _t3(acc2, hs2, deg2, b2, batch_p, wc_p, bc_p)
    return out[:, :C]

# --- scband reference (transcript-rebuilt; emitter-appended) ---
"""Pipeline reference for scband-classifier-60662118089200 (READ-ONLY COPY).

The authoritative reference and input builder live on the scoring server;
editing this copy changes nothing except your own understanding.
"""

import jax, jax.numpy as jnp
import numpy as np

N = 10000
E = 320000
D = 128
H = 128
C = 16
G = 16


def setup_inputs(seed: int = 0) -> dict:
    key = jax.random.key(seed)
    ks = jax.random.split(key, 10)
    x = jax.random.normal(ks[0], (N, D), dtype=jnp.float32)
    edge_index = jax.random.randint(ks[1], (2, E), 0, N, dtype=jnp.int32)
    batch = jnp.sort(jax.random.randint(ks[2], (N,), 0, G, dtype=jnp.int32))
    W1 = jax.random.normal(ks[3], (D, H), dtype=jnp.float32) * (1.0 / np.sqrt(D))
    b1 = jnp.zeros((H,), dtype=jnp.float32)
    W2 = jax.random.normal(ks[4], (H, H), dtype=jnp.float32) * (1.0 / np.sqrt(H))
    b2 = jnp.zeros((H,), dtype=jnp.float32)
    Wc = jax.random.normal(ks[5], (H, C), dtype=jnp.float32) * (1.0 / np.sqrt(H))
    bc = jnp.zeros((C,), dtype=jnp.float32)
    return {"x": x, "edge_index": edge_index, "batch": batch,
            "W1": W1, "b1": b1, "W2": W2, "b2": b2, "Wc": Wc, "bc": bc}


def _gcn_conv(x, edge_index, W, b):
    # PyG GCNConv: add self-loops, symmetric normalization, linear then aggregate, bias after
    loop = jnp.arange(N, dtype=edge_index.dtype)
    src = jnp.concatenate([edge_index[0], loop])
    dst = jnp.concatenate([edge_index[1], loop])
    deg = jax.ops.segment_sum(jnp.ones(src.shape[0], dtype=x.dtype), dst, num_segments=N)
    dinv = jnp.where(deg > 0, deg ** -0.5, 0.0)
    norm = dinv[src] * dinv[dst]
    h = x @ W
    msg = h[src] * norm[:, None]
    out = jax.ops.segment_sum(msg, dst, num_segments=N)
    return out + b


def reference(x, edge_index, batch, W1, b1, W2, b2, Wc, bc):
    h = jax.nn.relu(_gcn_conv(x, edge_index, W1, b1))
    h = jax.nn.relu(_gcn_conv(h, edge_index, W2, b2))
    counts = jax.ops.segment_sum(jnp.ones(N, dtype=h.dtype), batch, num_segments=G)
    hg = jax.ops.segment_sum(h, batch, num_segments=G) / jnp.clip(counts, 1.0)[:, None]
    return hg @ Wc + bc

if __name__ == "__main__":
    import jax
    _d = setup_inputs()
    print(jax.jit(kernel)(*tuple(_d.values())))

</pallas_src>

<mosaic_0001>
#map = affine_map<(d0, d1) -> (0, 0)>
#map1 = affine_map<(d0, d1) -> (0, 0, 0)>
module attributes {stable_mosaic.version = 14 : i64} {
  func.func @_sc_aggregate(%arg0: i32, %arg1: i32, %arg2: memref<10240x128xf32, #tpu.memory_space<hbm>>, %arg3: memref<2560x128xi32, #tpu.memory_space<hbm>>, %arg4: memref<2560x128xi32, #tpu.memory_space<hbm>>, %arg5: memref<128x128xf32, #tpu.memory_space<hbm>>, %arg6: memref<2x10240x128xf32, #tpu.memory_space<hbm>>, %arg7: memref<2x128xi32, #tpu.memory_space<vmem>>, %arg8: memref<2x128xi32, #tpu.memory_space<vmem>>, %arg9: memref<128x128xf32, #tpu.memory_space<vmem>>, %arg10: memref<128x128xf32, #tpu.memory_space<vmem>>, %arg11: memref<!tpu.dma_semaphore, #tpu.memory_space<semaphore_mem>>, %arg12: memref<!tpu.dma_semaphore, #tpu.memory_space<semaphore_mem>>, %arg13: memref<!tpu.dma_semaphore, #tpu.memory_space<semaphore_mem>>, %arg14: memref<!tpu.dma_semaphore, #tpu.memory_space<semaphore_mem>>, %arg15: memref<!tpu.dma_semaphore, #tpu.memory_space<semaphore_mem>>, %arg16: memref<!tpu.dma_semaphore, #tpu.memory_space<semaphore_mem>>, %arg17: memref<!tpu.dma_semaphore, #tpu.memory_space<semaphore_mem>>, %arg18: memref<!tpu.dma_semaphore, #tpu.memory_space<semaphore_mem>>, %arg19: memref<10240x128xf32, #tpu.memory_space<vmem_shared>>) attributes {dimension_semantics = [#tpu.dimension_semantics<core_parallel>, #tpu.dimension_semantics<subcore_parallel>], iteration_bounds = array<i64: 2, 16>, scalar_prefetch = 0 : i64, scratch_operands = 13 : i64, tpu.core_type = #tpu.core_type<sc_vector_subcore>, window_params = [{transform_indices = #map}, {transform_indices = #map}, {transform_indices = #map}, {transform_indices = #map}, {transform_indices = #map1}]} {
    %mul3A = arith.constant 640 : i32
    %mul3A_0 = arith.muli %arg1, %mul3A : i32
    %mul3A_1 = arith.constant 16 : i32
    %mul3A_2 = arith.muli %arg0, %mul3A_1 : i32
    %add3A = arith.addi %mul3A_2, %arg1 : i32
    %mul3A_3 = arith.constant 80 : i32
    %mul3A_4 = arith.muli %add3A, %mul3A_3 : i32
    "tpu.region"() ({
      %run_scoped3A_163 = tpu.sem_alloc : memref<!tpu.dma_semaphore, #tpu.memory_space<semaphore_mem>>
      tpu.enqueue_dma source(%arg5 : memref<128x128xf32, #tpu.memory_space<hbm>>) target(%arg9 : memref<128x128xf32, #tpu.memory_space<vmem>>) target_semaphore(%run_scoped3A_163 : memref<!tpu.dma_semaphore, #tpu.memory_space<semaphore_mem>>)
      tpu.wait_dma2 semaphore(%run_scoped3A_163 : memref<!tpu.dma_semaphore, #tpu.memory_space<semaphore_mem>>) src(%arg5 : memref<128x128xf32, #tpu.memory_space<hbm>>) dst(%arg9 : memref<128x128xf32, #tpu.memory_space<vmem>>)
      tpu.yield
    }) : () -> ()
    %add3A_5 = arith.constant 0 : i32
    %add3A_6 = arith.addi %mul3A_0, %add3A_5 : i32
    "tpu.region"() ({
      %run_scoped3A_163 = tpu.sem_alloc : memref<!tpu.dma_semaphore, #tpu.memory_space<semaphore_mem>>
      %dma_start3A_164 = arith.constant 0 : i32
      %dma_start3A_165 = tpu.memref_slice %arg19[%add3A_6, %dma_start3A_164] : memref<10240x128xf32, #tpu.memory_space<vmem_shared>> -> memref<128x128xf32, #tpu.memory_space<vmem_shared>>
      %dma_start3A_166 = arith.constant 0 : i32
      %dma_start3A_167 = tpu.memref_slice %arg19[%add3A_6, %dma_start3A_166] : memref<10240x128xf32, #tpu.memory_space<vmem_shared>> -> memref<128x128xf32, #tpu.memory_space<vmem_shared>>
      tpu.enqueue_dma source(%arg9 : memref<128x128xf32, #tpu.memory_space<vmem>>) target(%dma_start3A_167 : memref<128x128xf32, #tpu.memory_space<vmem_shared>>) target_semaphore(%run_scoped3A_163 : memref<!tpu.dma_semaphore, #tpu.memory_space<semaphore_mem>>)
      %dma_wait3A_168 = arith.constant 0 : i32
      %dma_wait3A_169 = tpu.memref_slice %arg19[%add3A_6, %dma_wait3A_168] : memref<10240x128xf32, #tpu.memory_space<vmem_shared>> -> memref<128x128xf32, #tpu.memory_space<vmem_shared>>
      %dma_wait3A_170 = arith.constant 0 : i32
      %dma_wait3A_171 = tpu.memref_slice %arg19[%add3A_6, %dma_wait3A_170] : memref<10240x128xf32, #tpu.memory_space<vmem_shared>> -> memref<128x128xf32, #tpu.memory_space<vmem_shared>>
      tpu.wait_dma2 semaphore(%run_scoped3A_163 : memref<!tpu.dma_semaphore, #tpu.memory_space<semaphore_mem>>) src(%arg9 : memref<128x128xf32, #tpu.memory_space<vmem>>) dst(%dma_wait3A_171 : memref<128x128xf32, #tpu.memory_space<vmem_shared>>)
      tpu.yield
    }) : () -> ()
    %add3A_7 = arith.constant 128 : i32
    %add3A_8 = arith.addi %mul3A_0, %add3A_7 : i32
    "tpu.region"() ({
      %run_scoped3A_163 = tpu.sem_alloc : memref<!tpu.dma_semaphore, #tpu.memory_space<semaphore_mem>>
      %dma_start3A_164 = arith.constant 0 : i32
      %dma_start3A_165 = tpu.memref_slice %arg19[%add3A_8, %dma_start3A_164] : memref<10240x128xf32, #tpu.memory_space<vmem_shared>> -> memref<128x128xf32, #tpu.memory_space<vmem_shared>>
      %dma_start3A_166 = arith.constant 0 : i32
      %dma_start3A_167 = tpu.memref_slice %arg19[%add3A_8, %dma_start3A_166] : memref<10240x128xf32, #tpu.memory_space<vmem_shared>> -> memref<128x128xf32, #tpu.memory_space<vmem_shared>>
      tpu.enqueue_dma source(%arg9 : memref<128x128xf32, #tpu.memory_space<vmem>>) target(%dma_start3A_167 : memref<128x128xf32, #tpu.memory_space<vmem_shared>>) target_semaphore(%run_scoped3A_163 : memref<!tpu.dma_semaphore, #tpu.memory_space<semaphore_mem>>)
      %dma_wait3A_168 = arith.constant 0 : i32
      %dma_wait3A_169 = tpu.memref_slice %arg19[%add3A_8, %dma_wait3A_168] : memref<10240x128xf32, #tpu.memory_space<vmem_shared>> -> memref<128x128xf32, #tpu.memory_space<vmem_shared>>
      %dma_wait3A_170 = arith.constant 0 : i32
      %dma_wait3A_171 = tpu.memref_slice %arg19[%add3A_8, %dma_wait3A_170] : memref<10240x128xf32, #tpu.memory_space<vmem_shared>> -> memref<128x128xf32, #tpu.memory_space<vmem_shared>>
      tpu.wait_dma2 semaphore(%run_scoped3A_163 : memref<!tpu.dma_semaphore, #tpu.memory_space<semaphore_mem>>) src(%arg9 : memref<128x128xf32, #tpu.memory_space<vmem>>) dst(%dma_wait3A_171 : memref<128x128xf32, #tpu.memory_space<vmem_shared>>)
      tpu.yield
    }) : () -> ()
    %add3A_9 = arith.constant 256 : i32
    %add3A_10 = arith.addi %mul3A_0, %add3A_9 : i32
    "tpu.region"() ({
      %run_scoped3A_163 = tpu.sem_alloc : memref<!tpu.dma_semaphore, #tpu.memory_space<semaphore_mem>>
      %dma_start3A_164 = arith.constant 0 : i32
      %dma_start3A_165 = tpu.memref_slice %arg19[%add3A_10, %dma_start3A_164] : memref<10240x128xf32, #tpu.memory_space<vmem_shared>> -> memref<128x128xf32, #tpu.memory_space<vmem_shared>>
      %dma_start3A_166 = arith.constant 0 : i32
      %dma_start3A_167 = tpu.memref_slice %arg19[%add3A_10, %dma_start3A_166] : memref<10240x128xf32, #tpu.memory_space<vmem_shared>> -> memref<128x128xf32, #tpu.memory_space<vmem_shared>>
      tpu.enqueue_dma source(%arg9 : memref<128x128xf32, #tpu.memory_space<vmem>>) target(%dma_start3A_167 : memref<128x128xf32, #tpu.memory_space<vmem_shared>>) target_semaphore(%run_scoped3A_163 : memref<!tpu.dma_semaphore, #tpu.memory_space<semaphore_mem>>)
      %dma_wait3A_168 = arith.constant 0 : i32
      %dma_wait3A_169 = tpu.memref_slice %arg19[%add3A_10, %dma_wait3A_168] : memref<10240x128xf32, #tpu.memory_space<vmem_shared>> -> memref<128x128xf32, #tpu.memory_space<vmem_shared>>
      %dma_wait3A_170 = arith.constant 0 : i32
      %dma_wait3A_171 = tpu.memref_slice %arg19[%add3A_10, %dma_wait3A_170] : memref<10240x128xf32, #tpu.memory_space<vmem_shared>> -> memref<128x128xf32, #tpu.memory_space<vmem_shared>>
      tpu.wait_dma2 semaphore(%run_scoped3A_163 : memref<!tpu.dma_semaphore, #tpu.memory_space<semaphore_mem>>) src(%arg9 : memref<128x128xf32, #tpu.memory_space<vmem>>) dst(%dma_wait3A_171 : memref<128x128xf32, #tpu.memory_space<vmem_shared>>)
      tpu.yield
    }) : () -> ()
    %add3A_11 = arith.constant 384 : i32
    %add3A_12 = arith.addi %mul3A_0, %add3A_11 : i32
    "tpu.region"() ({
      %run_scoped3A_163 = tpu.sem_alloc : memref<!tpu.dma_semaphore, #tpu.memory_space<semaphore_mem>>
      %dma_start3A_164 = arith.constant 0 : i32
      %dma_start3A_165 = tpu.memref_slice %arg19[%add3A_12, %dma_start3A_164] : memref<10240x128xf32, #tpu.memory_space<vmem_shared>> -> memref<128x128xf32, #tpu.memory_space<vmem_shared>>
      %dma_start3A_166 = arith.constant 0 : i32
      %dma_start3A_167 = tpu.memref_slice %arg19[%add3A_12, %dma_start3A_166] : memref<10240x128xf32, #tpu.memory_space<vmem_shared>> -> memref<128x128xf32, #tpu.memory_space<vmem_shared>>
      tpu.enqueue_dma source(%arg9 : memref<128x128xf32, #tpu.memory_space<vmem>>) target(%dma_start3A_167 : memref<128x128xf32, #tpu.memory_space<vmem_shared>>) target_semaphore(%run_scoped3A_163 : memref<!tpu.dma_semaphore, #tpu.memory_space<semaphore_mem>>)
      %dma_wait3A_168 = arith.constant 0 : i32
      %dma_wait3A_169 = tpu.memref_slice %arg19[%add3A_12, %dma_wait3A_168] : memref<10240x128xf32, #tpu.memory_space<vmem_shared>> -> memref<128x128xf32, #tpu.memory_space<vmem_shared>>
      %dma_wait3A_170 = arith.constant 0 : i32
      %dma_wait3A_171 = tpu.memref_slice %arg19[%add3A_12, %dma_wait3A_170] : memref<10240x128xf32, #tpu.memory_space<vmem_shared>> -> memref<128x128xf32, #tpu.memory_space<vmem_shared>>
      tpu.wait_dma2 semaphore(%run_scoped3A_163 : memref<!tpu.dma_semaphore, #tpu.memory_space<semaphore_mem>>) src(%arg9 : memref<128x128xf32, #tpu.memory_space<vmem>>) dst(%dma_wait3A_171 : memref<128x128xf32, #tpu.memory_space<vmem_shared>>)
      tpu.yield
    }) : () -> ()
    %add3A_13 = arith.constant 512 : i32
    %add3A_14 = arith.addi %mul3A_0, %add3A_13 : i32
    "tpu.region"() ({
      %run_scoped3A_163 = tpu.sem_alloc : memref<!tpu.dma_semaphore, #tpu.memory_space<semaphore_mem>>
      %dma_start3A_164 = arith.constant 0 : i32
      %dma_start3A_165 = tpu.memref_slice %arg19[%add3A_14, %dma_start3A_164] : memref<10240x128xf32, #tpu.memory_space<vmem_shared>> -> memref<128x128xf32, #tpu.memory_space<vmem_shared>>
      %dma_start3A_166 = arith.constant 0 : i32
      %dma_start3A_167 = tpu.memref_slice %arg19[%add3A_14, %dma_start3A_166] : memref<10240x128xf32, #tpu.memory_space<vmem_shared>> -> memref<128x128xf32, #tpu.memory_space<vmem_shared>>
      tpu.enqueue_dma source(%arg9 : memref<128x128xf32, #tpu.memory_space<vmem>>) target(%dma_start3A_167 : memref<128x128xf32, #tpu.memory_space<vmem_shared>>) target_semaphore(%run_scoped3A_163 : memref<!tpu.dma_semaphore, #tpu.memory_space<semaphore_mem>>)
      %dma_wait3A_168 = arith.constant 0 : i32
      %dma_wait3A_169 = tpu.memref_slice %arg19[%add3A_14, %dma_wait3A_168] : memref<10240x128xf32, #tpu.memory_space<vmem_shared>> -> memref<128x128xf32, #tpu.memory_space<vmem_shared>>
      %dma_wait3A_170 = arith.constant 0 : i32
      %dma_wait3A_171 = tpu.memref_slice %arg19[%add3A_14, %dma_wait3A_170] : memref<10240x128xf32, #tpu.memory_space<vmem_shared>> -> memref<128x128xf32, #tpu.memory_space<vmem_shared>>
      tpu.wait_dma2 semaphore(%run_scoped3A_163 : memref<!tpu.dma_semaphore, #tpu.memory_space<semaphore_mem>>) src(%arg9 : memref<128x128xf32, #tpu.memory_space<vmem>>) dst(%dma_wait3A_171 : memref<128x128xf32, #tpu.memory_space<vmem_shared>>)
      tpu.yield
    }) : () -> ()
    %barrier3A = arith.constant 0 : index
    tpu.barrier barrier_id(%barrier3A)
    %run_scoped3A = arith.constant 0 : i32
    "tpu.region"() ({
      %run_scoped3A_163 = tpu.sem_alloc : memref<!tpu.dma_semaphore, #tpu.memory_space<semaphore_mem>>
      %dma_start3A_164 = arith.constant 0 : i32
      %dma_start3A_165 = tpu.memref_slice %arg7[%run_scoped3A, %dma_start3A_164] : memref<2x128xi32, #tpu.memory_space<vmem>> -> memref<1x128xi32, #tpu.memory_space<vmem>>
      %dma_start3A_166 = tpu.memref_squeeze %dma_start3A_165 : memref<1x128xi32, #tpu.memory_space<vmem>> -> memref<128xi32, #tpu.memory_space<vmem>>
      %dma_start3A_167 = arith.constant 0 : i32
      %dma_start3A_168 = tpu.memref_slice %arg3[%mul3A_4, %dma_start3A_167] : memref<2560x128xi32, #tpu.memory_space<hbm>> -> memref<1x128xi32, #tpu.memory_space<hbm>>
      %dma_start3A_169 = tpu.memref_squeeze %dma_start3A_168 : memref<1x128xi32, #tpu.memory_space<hbm>> -> memref<128xi32, #tpu.memory_space<hbm>>
      %dma_start3A_170 = arith.constant 0 : i32
      %dma_start3A_171 = tpu.memref_slice %arg7[%run_scoped3A, %dma_start3A_170] : memref<2x128xi32, #tpu.memory_space<vmem>> -> memref<1x128xi32, #tpu.memory_space<vmem>>
      %dma_start3A_172 = tpu.memref_squeeze %dma_start3A_171 : memref<1x128xi32, #tpu.memory_space<vmem>> -> memref<128xi32, #tpu.memory_space<vmem>>
      %dma_start3A_173 = arith.constant 0 : i32
      %dma_start3A_174 = tpu.memref_slice %arg3[%mul3A_4, %dma_start3A_173] : memref<2560x128xi32, #tpu.memory_space<hbm>> -> memref<1x128xi32, #tpu.memory_space<hbm>>
      %dma_start3A_175 = tpu.memref_squeeze %dma_start3A_174 : memref<1x128xi32, #tpu.memory_space<hbm>> -> memref<128xi32, #tpu.memory_space<hbm>>
      tpu.enqueue_dma source(%dma_start3A_175 : memref<128xi32, #tpu.memory_space<hbm>>) target(%dma_start3A_172 : memref<128xi32, #tpu.memory_space<vmem>>) target_semaphore(%run_scoped3A_163 : memref<!tpu.dma_semaphore, #tpu.memory_space<semaphore_mem>>)
      %dma_wait3A_176 = arith.constant 0 : i32
      %dma_wait3A_177 = tpu.memref_slice %arg7[%run_scoped3A, %dma_wait3A_176] : memref<2x128xi32, #tpu.memory_space<vmem>> -> memref<1x128xi32, #tpu.memory_space<vmem>>
      %dma_wait3A_178 = tpu.memref_squeeze %dma_wait3A_177 : memref<1x128xi32, #tpu.memory_space<vmem>> -> memref<128xi32, #tpu.memory_space<vmem>>
      %dma_wait3A_179 = arith.constant 0 : i32
      %dma_wait3A_180 = tpu.memref_slice %arg3[%mul3A_4, %dma_wait3A_179] : memref<2560x128xi32, #tpu.memory_space<hbm>> -> memref<1x128xi32, #tpu.memory_space<hbm>>
      %dma_wait3A_181 = tpu.memref_squeeze %dma_wait3A_180 : memref<1x128xi32, #tpu.memory_space<hbm>> -> memref<128xi32, #tpu.memory_space<hbm>>
      %dma_wait3A_182 = arith.constant 0 : i32
      %dma_wait3A_183 = tpu.memref_slice %arg7[%run_scoped3A, %dma_wait3A_182] : memref<2x128xi32, #tpu.memory_space<vmem>> -> memref<1x128xi32, #tpu.memory_space<vmem>>
      %dma_wait3A_184 = tpu.memref_squeeze %dma_wait3A_183 : memref<1x128xi32, #tpu.memory_space<vmem>> -> memref<128xi32, #tpu.memory_space<vmem>>
      %dma_wait3A_185 = arith.constant 0 : i32
      %dma_wait3A_186 = tpu.memref_slice %arg3[%mul3A_4, %dma_wait3A_185] : memref<2560x128xi32, #tpu.memory_space<hbm>> -> memref<1x128xi32, #tpu.memory_space<hbm>>
      %dma_wait3A_187 = tpu.memref_squeeze %dma_wait3A_186 : memref<1x128xi32, #tpu.memory_space<hbm>> -> memref<128xi32, #tpu.memory_space<hbm>>
      tpu.wait_dma2 semaphore(%run_scoped3A_163 : memref<!tpu.dma_semaphore, #tpu.memory_space<semaphore_mem>>) src(%dma_wait3A_187 : memref<128xi32, #tpu.memory_space<hbm>>) dst(%dma_wait3A_184 : memref<128xi32, #tpu.memory_space<vmem>>)
      tpu.yield
    }) : () -> ()
    %dma_start3A = arith.constant 0 : i32
    %dma_start3A_15 = arith.constant 0 : i32
    %dma_start3A_16 = tpu.memref_slice %arg7[%dma_start3A, %dma_start3A_15] : memref<2x128xi32, #tpu.memory_space<vmem>> -> memref<1x128xi32, #tpu.memory_space<vmem>>
    %dma_start3A_17 = tpu.memref_squeeze %dma_start3A_16 : memref<1x128xi32, #tpu.memory_space<vmem>> -> memref<128xi32, #tpu.memory_space<vmem>>
    %dma_start3A_18 = arith.constant 0 : i32
    %dma_start3A_19 = arith.constant 0 : i32
    %dma_start3A_20 = tpu.memref_slice %arg2[%dma_start3A_18, %dma_start3A_19] : memref<10240x128xf32, #tpu.memory_space<hbm>> -> memref<10240x128xf32, #tpu.memory_space<hbm>>
    tpu.enqueue_indirect_dma source(%dma_start3A_20 : memref<10240x128xf32, #tpu.memory_space<hbm>>) target(%arg9 : memref<128x128xf32, #tpu.memory_space<vmem>>) offsets(%dma_start3A_17 : memref<128xi32, #tpu.memory_space<vmem>>) semaphore(%arg11 : memref<!tpu.dma_semaphore, #tpu.memory_space<semaphore_mem>>)
    %dma_start3A_21 = arith.constant 0 : i32
    %dma_start3A_22 = arith.constant 0 : i32
    %dma_start3A_23 = tpu.memref_slice %arg8[%dma_start3A_21, %dma_start3A_22] : memref<2x128xi32, #tpu.memory_space<vmem>> -> memref<1x128xi32, #tpu.memory_space<vmem>>
    %dma_start3A_24 = tpu.memref_squeeze %dma_start3A_23 : memref<1x128xi32, #tpu.memory_space<vmem>> -> memref<128xi32, #tpu.memory_space<vmem>>
    %dma_start3A_25 = arith.constant 0 : i32
    %dma_start3A_26 = tpu.memref_slice %arg4[%mul3A_4, %dma_start3A_25] : memref<2560x128xi32, #tpu.memory_space<hbm>> -> memref<1x128xi32, #tpu.memory_space<hbm>>
    %dma_start3A_27 = tpu.memref_squeeze %dma_start3A_26 : memref<1x128xi32, #tpu.memory_space<hbm>> -> memref<128xi32, #tpu.memory_space<hbm>>
    %dma_start3A_28 = arith.constant 0 : i32
    %dma_start3A_29 = tpu.memref_slice %arg8[%dma_start3A_21, %dma_start3A_28] : memref<2x128xi32, #tpu.memory_space<vmem>> -> memref<1x128xi32, #tpu.memory_space<vmem>>
    %dma_start3A_30 = tpu.memref_squeeze %dma_start3A_29 : memref<1x128xi32, #tpu.memory_space<vmem>> -> memref<128xi32, #tpu.memory_space<vmem>>
    %dma_start3A_31 = arith.constant 0 : i32
    %dma_start3A_32 = tpu.memref_slice %arg4[%mul3A_4, %dma_start3A_31] : memref<2560x128xi32, #tpu.memory_space<hbm>> -> memref<1x128xi32, #tpu.memory_space<hbm>>
    %dma_start3A_33 = tpu.memref_squeeze %dma_start3A_32 : memref<1x128xi32, #tpu.memory_space<hbm>> -> memref<128xi32, #tpu.memory_space<hbm>>
    tpu.enqueue_dma source(%dma_start3A_33 : memref<128xi32, #tpu.memory_space<hbm>>) target(%dma_start3A_30 : memref<128xi32, #tpu.memory_space<vmem>>) target_semaphore(%arg15 : memref<!tpu.dma_semaphore, #tpu.memory_space<semaphore_mem>>)
    %add3A_34 = arith.constant 1 : i32
    %add3A_35 = arith.addi %mul3A_4, %add3A_34 : i32
    %dma_start3A_36 = arith.constant 1 : i32
    %dma_start3A_37 = arith.constant 0 : i32
    %dma_start3A_38 = tpu.memref_slice %arg7[%dma_start3A_36, %dma_start3A_37] : memref<2x128xi32, #tpu.memory_space<vmem>> -> memref<1x128xi32, #tpu.memory_space<vmem>>
    %dma_start3A_39 = tpu.memref_squeeze %dma_start3A_38 : memref<1x128xi32, #tpu.memory_space<vmem>> -> memref<128xi32, #tpu.memory_space<vmem>>
    %dma_start3A_40 = arith.constant 0 : i32
    %dma_start3A_41 = tpu.memref_slice %arg3[%add3A_35, %dma_start3A_40] : memref<2560x128xi32, #tpu.memory_space<hbm>> -> memref<1x128xi32, #tpu.memory_space<hbm>>
    %dma_start3A_42 = tpu.memref_squeeze %dma_start3A_41 : memref<1x128xi32, #tpu.memory_space<hbm>> -> memref<128xi32, #tpu.memory_space<hbm>>
    %dma_start3A_43 = arith.constant 0 : i32
    %dma_start3A_44 = tpu.memref_slice %arg7[%dma_start3A_36, %dma_start3A_43] : memref<2x128xi32, #tpu.memory_space<vmem>> -> memref<1x128xi32, #tpu.memory_space<vmem>>
    %dma_start3A_45 = tpu.memref_squeeze %dma_start3A_44 : memref<1x128xi32, #tpu.memory_space<vmem>> -> memref<128xi32, #tpu.memory_space<vmem>>
    %dma_start3A_46 = arith.constant 0 : i32
    %dma_start3A_47 = tpu.memref_slice %arg3[%add3A_35, %dma_start3A_46] : memref<2560x128xi32, #tpu.memory_space<hbm>> -> memref<1x128xi32, #tpu.memory_space<hbm>>
    %dma_start3A_48 = tpu.memref_squeeze %dma_start3A_47 : memref<1x128xi32, #tpu.memory_space<hbm>> -> memref<128xi32, #tpu.memory_space<hbm>>
    tpu.enqueue_dma source(%dma_start3A_48 : memref<128xi32, #tpu.memory_space<hbm>>) target(%dma_start3A_45 : memref<128xi32, #tpu.memory_space<vmem>>) target_semaphore(%arg14 : memref<!tpu.dma_semaphore, #tpu.memory_space<semaphore_mem>>)
    %add3A_49 = arith.constant 1 : i32
    %add3A_50 = arith.addi %mul3A_4, %add3A_49 : i32
    %dma_start3A_51 = arith.constant 1 : i32
    %dma_start3A_52 = arith.constant 0 : i32
    %dma_start3A_53 = tpu.memref_slice %arg8[%dma_start3A_51, %dma_start3A_52] : memref<2x128xi32, #tpu.memory_space<vmem>> -> memref<1x128xi32, #tpu.memory_space<vmem>>
    %dma_start3A_54 = tpu.memref_squeeze %dma_start3A_53 : memref<1x128xi32, #tpu.memory_space<vmem>> -> memref<128xi32, #tpu.memory_space<vmem>>
    %dma_start3A_55 = arith.constant 0 : i32
    %dma_start3A_56 = tpu.memref_slice %arg4[%add3A_50, %dma_start3A_55] : memref<2560x128xi32, #tpu.memory_space<hbm>> -> memref<1x128xi32, #tpu.memory_space<hbm>>
    %dma_start3A_57 = tpu.memref_squeeze %dma_start3A_56 : memref<1x128xi32, #tpu.memory_space<hbm>> -> memref<128xi32, #tpu.memory_space<hbm>>
    %dma_start3A_58 = arith.constant 0 : i32
    %dma_start3A_59 = tpu.memref_slice %arg8[%dma_start3A_51, %dma_start3A_58] : memref<2x128xi32, #tpu.memory_space<vmem>> -> memref<1x128xi32, #tpu.memory_space<vmem>>
    %dma_start3A_60 = tpu.memref_squeeze %dma_start3A_59 : memref<1x128xi32, #tpu.memory_space<vmem>> -> memref<128xi32, #tpu.memory_space<vmem>>
    %dma_start3A_61 = arith.constant 0 : i32
    %dma_start3A_62 = tpu.memref_slice %arg4[%add3A_50, %dma_start3A_61] : memref<2560x128xi32, #tpu.memory_space<hbm>> -> memref<1x128xi32, #tpu.memory_space<hbm>>
    %dma_start3A_63 = tpu.memref_squeeze %dma_start3A_62 : memref<1x128xi32, #tpu.memory_space<hbm>> -> memref<128xi32, #tpu.memory_space<hbm>>
    tpu.enqueue_dma source(%dma_start3A_63 : memref<128xi32, #tpu.memory_space<hbm>>) target(%dma_start3A_60 : memref<128xi32, #tpu.memory_space<vmem>>) target_semaphore(%arg16 : memref<!tpu.dma_semaphore, #tpu.memory_space<semaphore_mem>>)
    %scan3A = arith.constant 0 : i32
    %scan3A_64 = arith.constant 0 : i32
    %scan3A_65 = arith.constant 40 : i32
    %scan3A_66 = arith.addi %scan3A_64, %scan3A_65 : i32
    %scan3A_67 = arith.constant 1 : i32
    scf.for %scan3A_163 = %scan3A_64 to %scan3A_66 step %scan3A_67  : i32 {
      %mul3A_164 = arith.constant 2 : i32
      %mul3A_165 = arith.muli %mul3A_164, %scan3A_163 : i32
      %add3A_166 = arith.addi %mul3A_4, %mul3A_165 : i32
      %lt3A = arith.constant 39 : i32
      %lt3A_167 = arith.cmpi slt, %scan3A_163, %lt3A : i32
      %add3A_168 = arith.constant 1 : i32
      %add3A_169 = arith.addi %mul3A_4, %add3A_168 : i32
      %dma_wait3A_170 = arith.constant 1 : i32
      %dma_wait3A_171 = arith.constant 0 : i32
      %dma_wait3A_172 = tpu.memref_slice %arg7[%dma_wait3A_170, %dma_wait3A_171] : memref<2x128xi32, #tpu.memory_space<vmem>> -> memref<1x128xi32, #tpu.memory_space<vmem>>
      %dma_wait3A_173 = tpu.memref_squeeze %dma_wait3A_172 : memref<1x128xi32, #tpu.memory_space<vmem>> -> memref<128xi32, #tpu.memory_space<vmem>>
      %dma_wait3A_174 = arith.constant 0 : i32
      %dma_wait3A_175 = tpu.memref_slice %arg3[%add3A_169, %dma_wait3A_174] : memref<2560x128xi32, #tpu.memory_space<hbm>> -> memref<1x128xi32, #tpu.memory_space<hbm>>
      %dma_wait3A_176 = tpu.memref_squeeze %dma_wait3A_175 : memref<1x128xi32, #tpu.memory_space<hbm>> -> memref<128xi32, #tpu.memory_space<hbm>>
      %dma_wait3A_177 = arith.constant 0 : i32
      %dma_wait3A_178 = tpu.memref_slice %arg7[%dma_wait3A_170, %dma_wait3A_177] : memref<2x128xi32, #tpu.memory_space<vmem>> -> memref<1x128xi32, #tpu.memory_space<vmem>>
      %dma_wait3A_179 = tpu.memref_squeeze %dma_wait3A_178 : memref<1x128xi32, #tpu.memory_space<vmem>> -> memref<128xi32, #tpu.memory_space<vmem>>
      %dma_wait3A_180 = arith.constant 0 : i32
      %dma_wait3A_181 = tpu.memref_slice %arg3[%add3A_169, %dma_wait3A_180] : memref<2560x128xi32, #tpu.memory_space<hbm>> -> memref<1x128xi32, #tpu.memory_space<hbm>>
      %dma_wait3A_182 = tpu.memref_squeeze %dma_wait3A_181 : memref<1x128xi32, #tpu.memory_space<hbm>> -> memref<128xi32, #tpu.memory_space<hbm>>
      tpu.wait_dma2 semaphore(%arg14 : memref<!tpu.dma_semaphore, #tpu.memory_space<semaphore_mem>>) src(%dma_wait3A_182 : memref<128xi32, #tpu.memory_space<hbm>>) dst(%dma_wait3A_179 : memref<128xi32, #tpu.memory_space<vmem>>)
      %gt3A = arith.constant 0 : i32
      %gt3A_183 = arith.cmpi sgt, %scan3A_163, %gt3A : i32
      %convert_element_type3A = arith.extui %gt3A_183 : i1 to i32
      %cond3A = arith.constant 0 : i32
      %cond3A_184 = arith.cmpi ne, %convert_element_type3A, %cond3A : i32
      scf.if %cond3A_184 {
        %dma_wait3A_257 = arith.constant 1 : i32
        %dma_wait3A_258 = arith.constant 0 : i32
        %dma_wait3A_259 = tpu.memref_slice %arg8[%dma_wait3A_257, %dma_wait3A_258] : memref<2x128xi32, #tpu.memory_space<vmem>> -> memref<1x128xi32, #tpu.memory_space<vmem>>
        %dma_wait3A_260 = tpu.memref_squeeze %dma_wait3A_259 : memref<1x128xi32, #tpu.memory_space<vmem>> -> memref<128xi32, #tpu.memory_space<vmem>>
        %dma_wait3A_261 = arith.constant 0 : i32
        %dma_wait3A_262 = arith.constant 0 : i32
        %dma_wait3A_263 = tpu.memref_slice %arg19[%dma_wait3A_261, %dma_wait3A_262] : memref<10240x128xf32, #tpu.memory_space<vmem_shared>> -> memref<10240x128xf32, #tpu.memory_space<vmem_shared>>
        tpu.wait_indirect_dma semaphore(%arg18 : memref<!tpu.dma_semaphore, #tpu.memory_space<semaphore_mem>>) src(%arg10 : memref<128x128xf32, #tpu.memory_space<vmem>>) dst(%dma_wait3A_263 : memref<10240x128xf32, #tpu.memory_space<vmem_shared>>)
        %add3A_264 = arith.constant 1 : i32
        %add3A_265 = arith.addi %add3A_166, %add3A_264 : i32
        %dma_start3A_266 = arith.constant 1 : i32
        %dma_start3A_267 = arith.constant 0 : i32
        %dma_start3A_268 = tpu.memref_slice %arg8[%dma_start3A_266, %dma_start3A_267] : memref<2x128xi32, #tpu.memory_space<vmem>> -> memref<1x128xi32, #tpu.memory_space<vmem>>
        %dma_start3A_269 = tpu.memref_squeeze %dma_start3A_268 : memref<1x128xi32, #tpu.memory_space<vmem>> -> memref<128xi32, #tpu.memory_space<vmem>>
        %dma_start3A_270 = arith.constant 0 : i32
        %dma_start3A_271 = tpu.memref_slice %arg4[%add3A_265, %dma_start3A_270] : memref<2560x128xi32, #tpu.memory_space<hbm>> -> memref<1x128xi32, #tpu.memory_space<hbm>>
        %dma_start3A_272 = tpu.memref_squeeze %dma_start3A_271 : memref<1x128xi32, #tpu.memory_space<hbm>> -> memref<128xi32, #tpu.memory_space<hbm>>
        %dma_start3A_273 = arith.constant 0 : i32
        %dma_start3A_274 = tpu.memref_slice %arg8[%dma_start3A_266, %dma_start3A_273] : memref<2x128xi32, #tpu.memory_space<vmem>> -> memref<1x128xi32, #tpu.memory_space<vmem>>
        %dma_start3A_275 = tpu.memref_squeeze %dma_start3A_274 : memref<1x128xi32, #tpu.memory_space<vmem>> -> memref<128xi32, #tpu.memory_space<vmem>>
        %dma_start3A_276 = arith.constant 0 : i32
        %dma_start3A_277 = tpu.memref_slice %arg4[%add3A_265, %dma_start3A_276] : memref<2560x128xi32, #tpu.memory_space<hbm>> -> memref<1x128xi32, #tpu.memory_space<hbm>>
        %dma_start3A_278 = tpu.memref_squeeze %dma_start3A_277 : memref<1x128xi32, #tpu.memory_space<hbm>> -> memref<128xi32, #tpu.memory_space<hbm>>
        tpu.enqueue_dma source(%dma_start3A_278 : memref<128xi32, #tpu.memory_space<hbm>>) target(%dma_start3A_275 : memref<128xi32, #tpu.memory_space<vmem>>) target_semaphore(%arg16 : memref<!tpu.dma_semaphore, #tpu.memory_space<semaphore_mem>>)
      } else {
      }
      %dma_start3A_185 = arith.constant 1 : i32
      %dma_start3A_186 = arith.constant 0 : i32
      %dma_start3A_187 = tpu.memref_slice %arg7[%dma_start3A_185, %dma_start3A_186] : memref<2x128xi32, #tpu.memory_space<vmem>> -> memref<1x128xi32, #tpu.memory_space<vmem>>
      %dma_start3A_188 = tpu.memref_squeeze %dma_start3A_187 : memref<1x128xi32, #tpu.memory_space<vmem>> -> memref<128xi32, #tpu.memory_space<vmem>>
      %dma_start3A_189 = arith.constant 0 : i32
      %dma_start3A_190 = arith.constant 0 : i32
      %dma_start3A_191 = tpu.memref_slice %arg2[%dma_start3A_189, %dma_start3A_190] : memref<10240x128xf32, #tpu.memory_space<hbm>> -> memref<10240x128xf32, #tpu.memory_space<hbm>>
      tpu.enqueue_indirect_dma source(%dma_start3A_191 : memref<10240x128xf32, #tpu.memory_space<hbm>>) target(%arg10 : memref<128x128xf32, #tpu.memory_space<vmem>>) offsets(%dma_start3A_188 : memref<128xi32, #tpu.memory_space<vmem>>) semaphore(%arg12 : memref<!tpu.dma_semaphore, #tpu.memory_space<semaphore_mem>>)
      %dma_wait3A_192 = arith.constant 0 : i32
      %dma_wait3A_193 = arith.constant 0 : i32
      %dma_wait3A_194 = tpu.memref_slice %arg7[%dma_wait3A_192, %dma_wait3A_193] : memref<2x128xi32, #tpu.memory_space<vmem>> -> memref<1x128xi32, #tpu.memory_space<vmem>>
      %dma_wait3A_195 = tpu.memref_squeeze %dma_wait3A_194 : memref<1x128xi32, #tpu.memory_space<vmem>> -> memref<128xi32, #tpu.memory_space<vmem>>
      %dma_wait3A_196 = arith.constant 0 : i32
      %dma_wait3A_197 = arith.constant 0 : i32
      %dma_wait3A_198 = tpu.memref_slice %arg2[%dma_wait3A_196, %dma_wait3A_197] : memref<10240x128xf32, #tpu.memory_space<hbm>> -> memref<10240x128xf32, #tpu.memory_space<hbm>>
      tpu.wait_indirect_dma semaphore(%arg11 : memref<!tpu.dma_semaphore, #tpu.memory_space<semaphore_mem>>) src(%dma_wait3A_198 : memref<10240x128xf32, #tpu.memory_space<hbm>>) dst(%arg9 : memref<128x128xf32, #tpu.memory_space<vmem>>)
      %convert_element_type3A_199 = arith.extui %lt3A_167 : i1 to i32
      %cond3A_200 = arith.constant 0 : i32
      %cond3A_201 = arith.cmpi ne, %convert_element_type3A_199, %cond3A_200 : i32
      scf.if %cond3A_201 {
        %add3A_257 = arith.constant 2 : i32
        %add3A_258 = arith.addi %add3A_166, %add3A_257 : i32
        %dma_start3A_259 = arith.constant 0 : i32
        %dma_start3A_260 = arith.constant 0 : i32
        %dma_start3A_261 = tpu.memref_slice %arg7[%dma_start3A_259, %dma_start3A_260] : memref<2x128xi32, #tpu.memory_space<vmem>> -> memref<1x128xi32, #tpu.memory_space<vmem>>
        %dma_start3A_262 = tpu.memref_squeeze %dma_start3A_261 : memref<1x128xi32, #tpu.memory_space<vmem>> -> memref<128xi32, #tpu.memory_space<vmem>>
        %dma_start3A_263 = arith.constant 0 : i32
        %dma_start3A_264 = tpu.memref_slice %arg3[%add3A_258, %dma_start3A_263] : memref<2560x128xi32, #tpu.memory_space<hbm>> -> memref<1x128xi32, #tpu.memory_space<hbm>>
        %dma_start3A_265 = tpu.memref_squeeze %dma_start3A_264 : memref<1x128xi32, #tpu.memory_space<hbm>> -> memref<128xi32, #tpu.memory_space<hbm>>
        %dma_start3A_266 = arith.constant 0 : i32
        %dma_start3A_267 = tpu.memref_slice %arg7[%dma_start3A_259, %dma_start3A_266] : memref<2x128xi32, #tpu.memory_space<vmem>> -> memref<1x128xi32, #tpu.memory_space<vmem>>
        %dma_start3A_268 = tpu.memref_squeeze %dma_start3A_267 : memref<1x128xi32, #tpu.memory_space<vmem>> -> memref<128xi32, #tpu.memory_space<vmem>>
        %dma_start3A_269 = arith.constant 0 : i32
        %dma_start3A_270 = tpu.memref_slice %arg3[%add3A_258, %dma_start3A_269] : memref<2560x128xi32, #tpu.memory_space<hbm>> -> memref<1x128xi32, #tpu.memory_space<hbm>>
        %dma_start3A_271 = tpu.memref_squeeze %dma_start3A_270 : memref<1x128xi32, #tpu.memory_space<hbm>> -> memref<128xi32, #tpu.memory_space<hbm>>
        tpu.enqueue_dma source(%dma_start3A_271 : memref<128xi32, #tpu.memory_space<hbm>>) target(%dma_start3A_268 : memref<128xi32, #tpu.memory_space<vmem>>) target_semaphore(%arg13 : memref<!tpu.dma_semaphore, #tpu.memory_space<semaphore_mem>>)
      } else {
      }
      %dma_wait3A_202 = arith.constant 0 : i32
      %dma_wait3A_203 = arith.constant 0 : i32
      %dma_wait3A_204 = tpu.memref_slice %arg8[%dma_wait3A_202, %dma_wait3A_203] : memref<2x128xi32, #tpu.memory_space<vmem>> -> memref<1x128xi32, #tpu.memory_space<vmem>>
      %dma_wait3A_205 = tpu.memref_squeeze %dma_wait3A_204 : memref<1x128xi32, #tpu.memory_space<vmem>> -> memref<128xi32, #tpu.memory_space<vmem>>
      %dma_wait3A_206 = arith.constant 0 : i32
      %dma_wait3A_207 = tpu.memref_slice %arg4[%mul3A_4, %dma_wait3A_206] : memref<2560x128xi32, #tpu.memory_space<hbm>> -> memref<1x128xi32, #tpu.memory_space<hbm>>
      %dma_wait3A_208 = tpu.memref_squeeze %dma_wait3A_207 : memref<1x128xi32, #tpu.memory_space<hbm>> -> memref<128xi32, #tpu.memory_space<hbm>>
      %dma_wait3A_209 = arith.constant 0 : i32
      %dma_wait3A_210 = tpu.memref_slice %arg8[%dma_wait3A_202, %dma_wait3A_209] : memref<2x128xi32, #tpu.memory_space<vmem>> -> memref<1x128xi32, #tpu.memory_space<vmem>>
      %dma_wait3A_211 = tpu.memref_squeeze %dma_wait3A_210 : memref<1x128xi32, #tpu.memory_space<vmem>> -> memref<128xi32, #tpu.memory_space<vmem>>
      %dma_wait3A_212 = arith.constant 0 : i32
      %dma_wait3A_213 = tpu.memref_slice %arg4[%mul3A_4, %dma_wait3A_212] : memref<2560x128xi32, #tpu.memory_space<hbm>> -> memref<1x128xi32, #tpu.memory_space<hbm>>
      %dma_wait3A_214 = tpu.memref_squeeze %dma_wait3A_213 : memref<1x128xi32, #tpu.memory_space<hbm>> -> memref<128xi32, #tpu.memory_space<hbm>>
      tpu.wait_dma2 semaphore(%arg15 : memref<!tpu.dma_semaphore, #tpu.memory_space<semaphore_mem>>) src(%dma_wait3A_214 : memref<128xi32, #tpu.memory_space<hbm>>) dst(%dma_wait3A_211 : memref<128xi32, #tpu.memory_space<vmem>>)
      %dma_start3A_215 = arith.constant 0 : i32
      %dma_start3A_216 = arith.constant 0 : i32
      %dma_start3A_217 = tpu.memref_slice %arg8[%dma_start3A_215, %dma_start3A_216] : memref<2x128xi32, #tpu.memory_space<vmem>> -> memref<1x128xi32, #tpu.memory_space<vmem>>
      %dma_start3A_218 = tpu.memref_squeeze %dma_start3A_217 : memref<1x128xi32, #tpu.memory_space<vmem>> -> memref<128xi32, #tpu.memory_space<vmem>>
      %dma_start3A_219 = arith.constant 0 : i32
      %dma_start3A_220 = arith.constant 0 : i32
      %dma_start3A_221 = tpu.memref_slice %arg19[%dma_start3A_219, %dma_start3A_220] : memref<10240x128xf32, #tpu.memory_space<vmem_shared>> -> memref<10240x128xf32, #tpu.memory_space<vmem_shared>>
      tpu.enqueue_indirect_dma source(%arg9 : memref<128x128xf32, #tpu.memory_space<vmem>>) target(%dma_start3A_221 : memref<10240x128xf32, #tpu.memory_space<vmem_shared>>) offsets(%dma_start3A_218 : memref<128xi32, #tpu.memory_space<vmem>>) semaphore(%arg17 : memref<!tpu.dma_semaphore, #tpu.memory_space<semaphore_mem>>) {add = true}
      %convert_element_type3A_222 = arith.extui %lt3A_167 : i1 to i32
      %cond3A_223 = arith.constant 0 : i32
      %cond3A_224 = arith.cmpi ne, %convert_element_type3A_222, %cond3A_223 : i32
      scf.if %cond3A_224 {
        %dma_wait3A_257 = arith.constant 0 : i32
        %dma_wait3A_258 = arith.constant 0 : i32
        %dma_wait3A_259 = tpu.memref_slice %arg8[%dma_wait3A_257, %dma_wait3A_258] : memref<2x128xi32, #tpu.memory_space<vmem>> -> memref<1x128xi32, #tpu.memory_space<vmem>>
        %dma_wait3A_260 = tpu.memref_squeeze %dma_wait3A_259 : memref<1x128xi32, #tpu.memory_space<vmem>> -> memref<128xi32, #tpu.memory_space<vmem>>
        %dma_wait3A_261 = arith.constant 0 : i32
        %dma_wait3A_262 = arith.constant 0 : i32
        %dma_wait3A_263 = tpu.memref_slice %arg19[%dma_wait3A_261, %dma_wait3A_262] : memref<10240x128xf32, #tpu.memory_space<vmem_shared>> -> memref<10240x128xf32, #tpu.memory_space<vmem_shared>>
        tpu.wait_indirect_dma semaphore(%arg17 : memref<!tpu.dma_semaphore, #tpu.memory_space<semaphore_mem>>) src(%arg9 : memref<128x128xf32, #tpu.memory_space<vmem>>) dst(%dma_wait3A_263 : memref<10240x128xf32, #tpu.memory_space<vmem_shared>>)
        %add3A_264 = arith.constant 2 : i32
        %add3A_265 = arith.addi %add3A_166, %add3A_264 : i32
        %dma_start3A_266 = arith.constant 0 : i32
        %dma_start3A_267 = arith.constant 0 : i32
        %dma_start3A_268 = tpu.memref_slice %arg8[%dma_start3A_266, %dma_start3A_267] : memref<2x128xi32, #tpu.memory_space<vmem>> -> memref<1x128xi32, #tpu.memory_space<vmem>>
        %dma_start3A_269 = tpu.memref_squeeze %dma_start3A_268 : memref<1x128xi32, #tpu.memory_space<vmem>> -> memref<128xi32, #tpu.memory_space<vmem>>
        %dma_start3A_270 = arith.constant 0 : i32
        %dma_start3A_271 = tpu.memref_slice %arg4[%add3A_265, %dma_start3A_270] : memref<2560x128xi32, #tpu.memory_space<hbm>> -> memref<1x128xi32, #tpu.memory_space<hbm>>
        %dma_start3A_272 = tpu.memref_squeeze %dma_start3A_271 : memref<1x128xi32, #tpu.memory_space<hbm>> -> memref<128xi32, #tpu.memory_space<hbm>>
        %dma_start3A_273 = arith.constant 0 : i32
        %dma_start3A_274 = tpu.memref_slice %arg8[%dma_start3A_266, %dma_start3A_273] : memref<2x128xi32, #tpu.memory_space<vmem>> -> memref<1x128xi32, #tpu.memory_space<vmem>>
        %dma_start3A_275 = tpu.memref_squeeze %dma_start3A_274 : memref<1x128xi32, #tpu.memory_space<vmem>> -> memref<128xi32, #tpu.memory_space<vmem>>
        %dma_start3A_276 = arith.constant 0 : i32
        %dma_start3A_277 = tpu.memref_slice %arg4[%add3A_265, %dma_start3A_276] : memref<2560x128xi32, #tpu.memory_space<hbm>> -> memref<1x128xi32, #tpu.memory_space<hbm>>
        %dma_start3A_278 = tpu.memref_squeeze %dma_start3A_277 : memref<1x128xi32, #tpu.memory_space<hbm>> -> memref<128xi32, #tpu.memory_space<hbm>>
        tpu.enqueue_dma source(%dma_start3A_278 : memref<128xi32, #tpu.memory_space<hbm>>) target(%dma_start3A_275 : memref<128xi32, #tpu.memory_space<vmem>>) target_semaphore(%arg15 : memref<!tpu.dma_semaphore, #tpu.memory_space<semaphore_mem>>)
        %add3A_279 = arith.constant 2 : i32
        %add3A_280 = arith.addi %add3A_166, %add3A_279 : i32
        %dma_wait3A_281 = arith.constant 0 : i32
        %dma_wait3A_282 = arith.constant 0 : i32
        %dma_wait3A_283 = tpu.memref_slice %arg7[%dma_wait3A_281, %dma_wait3A_282] : memref<2x128xi32, #tpu.memory_space<vmem>> -> memref<1x128xi32, #tpu.memory_space<vmem>>
        %dma_wait3A_284 = tpu.memref_squeeze %dma_wait3A_283 : memref<1x128xi32, #tpu.memory_space<vmem>> -> memref<128xi32, #tpu.memory_space<vmem>>
        %dma_wait3A_285 = arith.constant 0 : i32
        %dma_wait3A_286 = tpu.memref_slice %arg3[%add3A_280, %dma_wait3A_285] : memref<2560x128xi32, #tpu.memory_space<hbm>> -> memref<1x128xi32, #tpu.memory_space<hbm>>
        %dma_wait3A_287 = tpu.memref_squeeze %dma_wait3A_286 : memref<1x128xi32, #tpu.memory_space<hbm>> -> memref<128xi32, #tpu.memory_space<hbm>>
        %dma_wait3A_288 = arith.constant 0 : i32
        %dma_wait3A_289 = tpu.memref_slice %arg7[%dma_wait3A_281, %dma_wait3A_288] : memref<2x128xi32, #tpu.memory_space<vmem>> -> memref<1x128xi32, #tpu.memory_space<vmem>>
        %dma_wait3A_290 = tpu.memref_squeeze %dma_wait3A_289 : memref<1x128xi32, #tpu.memory_space<vmem>> -> memref<128xi32, #tpu.memory_space<vmem>>
        %dma_wait3A_291 = arith.constant 0 : i32
        %dma_wait3A_292 = tpu.memref_slice %arg3[%add3A_280, %dma_wait3A_291] : memref<2560x128xi32, #tpu.memory_space<hbm>> -> memref<1x128xi32, #tpu.memory_space<hbm>>
        %dma_wait3A_293 = tpu.memref_squeeze %dma_wait3A_292 : memref<1x128xi32, #tpu.memory_space<hbm>> -> memref<128xi32, #tpu.memory_space<hbm>>
        tpu.wait_dma2 semaphore(%arg13 : memref<!tpu.dma_semaphore, #tpu.memory_space<semaphore_mem>>) src(%dma_wait3A_293 : memref<128xi32, #tpu.memory_space<hbm>>) dst(%dma_wait3A_290 : memref<128xi32, #tpu.memory_space<vmem>>)
        %dma_start3A_294 = arith.constant 0 : i32
        %dma_start3A_295 = arith.constant 0 : i32
        %dma_start3A_296 = tpu.memref_slice %arg7[%dma_start3A_294, %dma_start3A_295] : memref<2x128xi32, #tpu.memory_space<vmem>> -> memref<1x128xi32, #tpu.memory_space<vmem>>
        %dma_start3A_297 = tpu.memref_squeeze %dma_start3A_296 : memref<1x128xi32, #tpu.memory_space<vmem>> -> memref<128xi32, #tpu.memory_space<vmem>>
        %dma_start3A_298 = arith.constant 0 : i32
        %dma_start3A_299 = arith.constant 0 : i32
        %dma_start3A_300 = tpu.memref_slice %arg2[%dma_start3A_298, %dma_start3A_299] : memref<10240x128xf32, #tpu.memory_space<hbm>> -> memref<10240x128xf32, #tpu.memory_space<hbm>>
        tpu.enqueue_indirect_dma source(%dma_start3A_300 : memref<10240x128xf32, #tpu.memory_space<hbm>>) target(%arg9 : memref<128x128xf32, #tpu.memory_space<vmem>>) offsets(%dma_start3A_297 : memref<128xi32, #tpu.memory_space<vmem>>) semaphore(%arg11 : memref<!tpu.dma_semaphore, #tpu.memory_space<semaphore_mem>>)
      } else {
      }
      %dma_wait3A_225 = arith.constant 1 : i32
      %dma_wait3A_226 = arith.constant 0 : i32
      %dma_wait3A_227 = tpu.memref_slice %arg7[%dma_wait3A_225, %dma_wait3A_226] : memref<2x128xi32, #tpu.memory_space<vmem>> -> memref<1x128xi32, #tpu.memory_space<vmem>>
      %dma_wait3A_228 = tpu.memref_squeeze %dma_wait3A_227 : memref<1x128xi32, #tpu.memory_space<vmem>> -> memref<128xi32, #tpu.memory_space<vmem>>
      %dma_wait3A_229 = arith.constant 0 : i32
      %dma_wait3A_230 = arith.constant 0 : i32
      %dma_wait3A_231 = tpu.memref_slice %arg2[%dma_wait3A_229, %dma_wait3A_230] : memref<10240x128xf32, #tpu.memory_space<hbm>> -> memref<10240x128xf32, #tpu.memory_space<hbm>>
      tpu.wait_indirect_dma semaphore(%arg12 : memref<!tpu.dma_semaphore, #tpu.memory_space<semaphore_mem>>) src(%dma_wait3A_231 : memref<10240x128xf32, #tpu.memory_space<hbm>>) dst(%arg10 : memref<128x128xf32, #tpu.memory_space<vmem>>)
      %add3A_232 = arith.constant 1 : i32
      %add3A_233 = arith.addi %mul3A_4, %add3A_232 : i32
      %dma_wait3A_234 = arith.constant 1 : i32
      %dma_wait3A_235 = arith.constant 0 : i32
      %dma_wait3A_236 = tpu.memref_slice %arg8[%dma_wait3A_234, %dma_wait3A_235] : memref<2x128xi32, #tpu.memory_space<vmem>> -> memref<1x128xi32, #tpu.memory_space<vmem>>
      %dma_wait3A_237 = tpu.memref_squeeze %dma_wait3A_236 : memref<1x128xi32, #tpu.memory_space<vmem>> -> memref<128xi32, #tpu.memory_space<vmem>>
      %dma_wait3A_238 = arith.constant 0 : i32
      %dma_wait3A_239 = tpu.memref_slice %arg4[%add3A_233, %dma_wait3A_238] : memref<2560x128xi32, #tpu.memory_space<hbm>> -> memref<1x128xi32, #tpu.memory_space<hbm>>
      %dma_wait3A_240 = tpu.memref_squeeze %dma_wait3A_239 : memref<1x128xi32, #tpu.memory_space<hbm>> -> memref<128xi32, #tpu.memory_space<hbm>>
      %dma_wait3A_241 = arith.constant 0 : i32
      %dma_wait3A_242 = tpu.memref_slice %arg8[%dma_wait3A_234, %dma_wait3A_241] : memref<2x128xi32, #tpu.memory_space<vmem>> -> memref<1x128xi32, #tpu.memory_space<vmem>>
      %dma_wait3A_243 = tpu.memref_squeeze %dma_wait3A_242 : memref<1x128xi32, #tpu.memory_space<vmem>> -> memref<128xi32, #tpu.memory_space<vmem>>
      %dma_wait3A_244 = arith.constant 0 : i32
      %dma_wait3A_245 = tpu.memref_slice %arg4[%add3A_233, %dma_wait3A_244] : memref<2560x128xi32, #tpu.memory_space<hbm>> -> memref<1x128xi32, #tpu.memory_space<hbm>>
      %dma_wait3A_246 = tpu.memref_squeeze %dma_wait3A_245 : memref<1x128xi32, #tpu.memory_space<hbm>> -> memref<128xi32, #tpu.memory_space<hbm>>
      tpu.wait_dma2 semaphore(%arg16 : memref<!tpu.dma_semaphore, #tpu.memory_space<semaphore_mem>>) src(%dma_wait3A_246 : memref<128xi32, #tpu.memory_space<hbm>>) dst(%dma_wait3A_243 : memref<128xi32, #tpu.memory_space<vmem>>)
      %dma_start3A_247 = arith.constant 1 : i32
      %dma_start3A_248 = arith.constant 0 : i32
      %dma_start3A_249 = tpu.memref_slice %arg8[%dma_start3A_247, %dma_start3A_248] : memref<2x128xi32, #tpu.memory_space<vmem>> -> memref<1x128xi32, #tpu.memory_space<vmem>>
      %dma_start3A_250 = tpu.memref_squeeze %dma_start3A_249 : memref<1x128xi32, #tpu.memory_space<vmem>> -> memref<128xi32, #tpu.memory_space<vmem>>
      %dma_start3A_251 = arith.constant 0 : i32
      %dma_start3A_252 = arith.constant 0 : i32
      %dma_start3A_253 = tpu.memref_slice %arg19[%dma_start3A_251, %dma_start3A_252] : memref<10240x128xf32, #tpu.memory_space<vmem_shared>> -> memref<10240x128xf32, #tpu.memory_space<vmem_shared>>
      tpu.enqueue_indirect_dma source(%arg10 : memref<128x128xf32, #tpu.memory_space<vmem>>) target(%dma_start3A_253 : memref<10240x128xf32, #tpu.memory_space<vmem_shared>>) offsets(%dma_start3A_250 : memref<128xi32, #tpu.memory_space<vmem>>) semaphore(%arg18 : memref<!tpu.dma_semaphore, #tpu.memory_space<semaphore_mem>>) {add = true}
      %convert_element_type3A_254 = arith.extui %lt3A_167 : i1 to i32
      %cond3A_255 = arith.constant 0 : i32
      %cond3A_256 = arith.cmpi ne, %convert_element_type3A_254, %cond3A_255 : i32
      scf.if %cond3A_256 {
        %add3A_257 = arith.constant 3 : i32
        %add3A_258 = arith.addi %add3A_166, %add3A_257 : i32
        %dma_start3A_259 = arith.constant 1 : i32
        %dma_start3A_260 = arith.constant 0 : i32
        %dma_start3A_261 = tpu.memref_slice %arg7[%dma_start3A_259, %dma_start3A_260] : memref<2x128xi32, #tpu.memory_space<vmem>> -> memref<1x128xi32, #tpu.memory_space<vmem>>
        %dma_start3A_262 = tpu.memref_squeeze %dma_start3A_261 : memref<1x128xi32, #tpu.memory_space<vmem>> -> memref<128xi32, #tpu.memory_space<vmem>>
        %dma_start3A_263 = arith.constant 0 : i32
        %dma_start3A_264 = tpu.memref_slice %arg3[%add3A_258, %dma_start3A_263] : memref<2560x128xi32, #tpu.memory_space<hbm>> -> memref<1x128xi32, #tpu.memory_space<hbm>>
        %dma_start3A_265 = tpu.memref_squeeze %dma_start3A_264 : memref<1x128xi32, #tpu.memory_space<hbm>> -> memref<128xi32, #tpu.memory_space<hbm>>
        %dma_start3A_266 = arith.constant 0 : i32
        %dma_start3A_267 = tpu.memref_slice %arg7[%dma_start3A_259, %dma_start3A_266] : memref<2x128xi32, #tpu.memory_space<vmem>> -> memref<1x128xi32, #tpu.memory_space<vmem>>
        %dma_start3A_268 = tpu.memref_squeeze %dma_start3A_267 : memref<1x128xi32, #tpu.memory_space<vmem>> -> memref<128xi32, #tpu.memory_space<vmem>>
        %dma_start3A_269 = arith.constant 0 : i32
        %dma_start3A_270 = tpu.memref_slice %arg3[%add3A_258, %dma_start3A_269] : memref<2560x128xi32, #tpu.memory_space<hbm>> -> memref<1x128xi32, #tpu.memory_space<hbm>>
        %dma_start3A_271 = tpu.memref_squeeze %dma_start3A_270 : memref<1x128xi32, #tpu.memory_space<hbm>> -> memref<128xi32, #tpu.memory_space<hbm>>
        tpu.enqueue_dma source(%dma_start3A_271 : memref<128xi32, #tpu.memory_space<hbm>>) target(%dma_start3A_268 : memref<128xi32, #tpu.memory_space<vmem>>) target_semaphore(%arg14 : memref<!tpu.dma_semaphore, #tpu.memory_space<semaphore_mem>>)
      } else {
      }
    }
    %scan3A_68 = arith.constant 40 : i32
    %dma_wait3A = arith.constant 0 : i32
    %dma_wait3A_69 = arith.constant 0 : i32
    %dma_wait3A_70 = tpu.memref_slice %arg8[%dma_wait3A, %dma_wait3A_69] : memref<2x128xi32, #tpu.memory_space<vmem>> -> memref<1x128xi32, #tpu.memory_space<vmem>>
    %dma_wait3A_71 = tpu.memref_squeeze %dma_wait3A_70 : memref<1x128xi32, #tpu.memory_space<vmem>> -> memref<128xi32, #tpu.memory_space<vmem>>
    %dma_wait3A_72 = arith.constant 0 : i32
    %dma_wait3A_73 = arith.constant 0 : i32
    %dma_wait3A_74 = tpu.memref_slice %arg19[%dma_wait3A_72, %dma_wait3A_73] : memref<10240x128xf32, #tpu.memory_space<vmem_shared>> -> memref<10240x128xf32, #tpu.memory_space<vmem_shared>>
    tpu.wait_indirect_dma semaphore(%arg17 : memref<!tpu.dma_semaphore, #tpu.memory_space<semaphore_mem>>) src(%arg9 : memref<128x128xf32, #tpu.memory_space<vmem>>) dst(%dma_wait3A_74 : memref<10240x128xf32, #tpu.memory_space<vmem_shared>>)
    %dma_wait3A_75 = arith.constant 1 : i32
    %dma_wait3A_76 = arith.constant 0 : i32
    %dma_wait3A_77 = tpu.memref_slice %arg8[%dma_wait3A_75, %dma_wait3A_76] : memref<2x128xi32, #tpu.memory_space<vmem>> -> memref<1x128xi32, #tpu.memory_space<vmem>>
    %dma_wait3A_78 = tpu.memref_squeeze %dma_wait3A_77 : memref<1x128xi32, #tpu.memory_space<vmem>> -> memref<128xi32, #tpu.memory_space<vmem>>
    %dma_wait3A_79 = arith.constant 0 : i32
    %dma_wait3A_80 = arith.constant 0 : i32
    %dma_wait3A_81 = tpu.memref_slice %arg19[%dma_wait3A_79, %dma_wait3A_80] : memref<10240x128xf32, #tpu.memory_space<vmem_shared>> -> memref<10240x128xf32, #tpu.memory_space<vmem_shared>>
    tpu.wait_indirect_dma semaphore(%arg18 : memref<!tpu.dma_semaphore, #tpu.memory_space<semaphore_mem>>) src(%arg10 : memref<128x128xf32, #tpu.memory_space<vmem>>) dst(%dma_wait3A_81 : memref<10240x128xf32, #tpu.memory_space<vmem_shared>>)
    %barrier3A_82 = arith.constant 0 : index
    tpu.barrier barrier_id(%barrier3A_82)
    %add3A_83 = arith.constant 0 : i32
    %add3A_84 = arith.addi %mul3A_0, %add3A_83 : i32
    "tpu.region"() ({
      %run_scoped3A_163 = tpu.sem_alloc : memref<!tpu.dma_semaphore, #tpu.memory_space<semaphore_mem>>
      %dma_start3A_164 = arith.constant 0 : i32
      %dma_start3A_165 = tpu.memref_slice %arg19[%add3A_84, %dma_start3A_164] : memref<10240x128xf32, #tpu.memory_space<vmem_shared>> -> memref<128x128xf32, #tpu.memory_space<vmem_shared>>
      %dma_start3A_166 = arith.constant 0 : i32
      %dma_start3A_167 = tpu.memref_slice %arg19[%add3A_84, %dma_start3A_166] : memref<10240x128xf32, #tpu.memory_space<vmem_shared>> -> memref<128x128xf32, #tpu.memory_space<vmem_shared>>
      tpu.enqueue_dma source(%dma_start3A_167 : memref<128x128xf32, #tpu.memory_space<vmem_shared>>) target(%arg9 : memref<128x128xf32, #tpu.memory_space<vmem>>) target_semaphore(%run_scoped3A_163 : memref<!tpu.dma_semaphore, #tpu.memory_space<semaphore_mem>>)
      %dma_wait3A_168 = arith.constant 0 : i32
      %dma_wait3A_169 = tpu.memref_slice %arg19[%add3A_84, %dma_wait3A_168] : memref<10240x128xf32, #tpu.memory_space<vmem_shared>> -> memref<128x128xf32, #tpu.memory_space<vmem_shared>>
      %dma_wait3A_170 = arith.constant 0 : i32
      %dma_wait3A_171 = tpu.memref_slice %arg19[%add3A_84, %dma_wait3A_170] : memref<10240x128xf32, #tpu.memory_space<vmem_shared>> -> memref<128x128xf32, #tpu.memory_space<vmem_shared>>
      tpu.wait_dma2 semaphore(%run_scoped3A_163 : memref<!tpu.dma_semaphore, #tpu.memory_space<semaphore_mem>>) src(%dma_wait3A_171 : memref<128x128xf32, #tpu.memory_space<vmem_shared>>) dst(%arg9 : memref<128x128xf32, #tpu.memory_space<vmem>>)
      tpu.yield
    }) : () -> ()
    %dma_start3A_85 = arith.constant 0 : i32
    %dma_start3A_86 = tpu.memref_slice %arg6[%arg0, %add3A_84, %dma_start3A_85] : memref<2x10240x128xf32, #tpu.memory_space<hbm>> -> memref<1x128x128xf32, #tpu.memory_space<hbm>>
    %dma_start3A_87 = tpu.memref_squeeze %dma_start3A_86 : memref<1x128x128xf32, #tpu.memory_space<hbm>> -> memref<128x128xf32, #tpu.memory_space<hbm>>
    %dma_start3A_88 = arith.constant 0 : i32
    %dma_start3A_89 = tpu.memref_slice %arg6[%arg0, %add3A_84, %dma_start3A_88] : memref<2x10240x128xf32, #tpu.memory_space<hbm>> -> memref<1x128x128xf32, #tpu.memory_space<hbm>>
    %dma_start3A_90 = tpu.memref_squeeze %dma_start3A_89 : memref<1x128x128xf32, #tpu.memory_space<hbm>> -> memref<128x128xf32, #tpu.memory_space<hbm>>
    tpu.enqueue_dma source(%arg9 : memref<128x128xf32, #tpu.memory_space<vmem>>) target(%dma_start3A_90 : memref<128x128xf32, #tpu.memory_space<hbm>>) target_semaphore(%arg11 : memref<!tpu.dma_semaphore, #tpu.memory_space<semaphore_mem>>)
    %add3A_91 = arith.constant 128 : i32
    %add3A_92 = arith.addi %mul3A_0, %add3A_91 : i32
    "tpu.region"() ({
      %run_scoped3A_163 = tpu.sem_alloc : memref<!tpu.dma_semaphore, #tpu.memory_space<semaphore_mem>>
      %dma_start3A_164 = arith.constant 0 : i32
      %dma_start3A_165 = tpu.memref_slice %arg19[%add3A_92, %dma_start3A_164] : memref<10240x128xf32, #tpu.memory_space<vmem_shared>> -> memref<128x128xf32, #tpu.memory_space<vmem_shared>>
      %dma_start3A_166 = arith.constant 0 : i32
      %dma_start3A_167 = tpu.memref_slice %arg19[%add3A_92, %dma_start3A_166] : memref<10240x128xf32, #tpu.memory_space<vmem_shared>> -> memref<128x128xf32, #tpu.memory_space<vmem_shared>>
      tpu.enqueue_dma source(%dma_start3A_167 : memref<128x128xf32, #tpu.memory_space<vmem_shared>>) target(%arg10 : memref<128x128xf32, #tpu.memory_space<vmem>>) target_semaphore(%run_scoped3A_163 : memref<!tpu.dma_semaphore, #tpu.memory_space<semaphore_mem>>)
      %dma_wait3A_168 = arith.constant 0 : i32
      %dma_wait3A_169 = tpu.memref_slice %arg19[%add3A_92, %dma_wait3A_168] : memref<10240x128xf32, #tpu.memory_space<vmem_shared>> -> memref<128x128xf32, #tpu.memory_space<vmem_shared>>
      %dma_wait3A_170 = arith.constant 0 : i32
      %dma_wait3A_171 = tpu.memref_slice %arg19[%add3A_92, %dma_wait3A_170] : memref<10240x128xf32, #tpu.memory_space<vmem_shared>> -> memref<128x128xf32, #tpu.memory_space<vmem_shared>>
      tpu.wait_dma2 semaphore(%run_scoped3A_163 : memref<!tpu.dma_semaphore, #tpu.memory_space<semaphore_mem>>) src(%dma_wait3A_171 : memref<128x128xf32, #tpu.memory_space<vmem_shared>>) dst(%arg10 : memref<128x128xf32, #tpu.memory_space<vmem>>)
      tpu.yield
    }) : () -> ()
    %dma_start3A_93 = arith.constant 0 : i32
    %dma_start3A_94 = tpu.memref_slice %arg6[%arg0, %add3A_92, %dma_start3A_93] : memref<2x10240x128xf32, #tpu.memory_space<hbm>> -> memref<1x128x128xf32, #tpu.memory_space<hbm>>
    %dma_start3A_95 = tpu.memref_squeeze %dma_start3A_94 : memref<1x128x128xf32, #tpu.memory_space<hbm>> -> memref<128x128xf32, #tpu.memory_space<hbm>>
    %dma_start3A_96 = arith.constant 0 : i32
    %dma_start3A_97 = tpu.memref_slice %arg6[%arg0, %add3A_92, %dma_start3A_96] : memref<2x10240x128xf32, #tpu.memory_space<hbm>> -> memref<1x128x128xf32, #tpu.memory_space<hbm>>
    %dma_start3A_98 = tpu.memref_squeeze %dma_start3A_97 : memref<1x128x128xf32, #tpu.memory_space<hbm>> -> memref<128x128xf32, #tpu.memory_space<hbm>>
    tpu.enqueue_dma source(%arg10 : memref<128x128xf32, #tpu.memory_space<vmem>>) target(%dma_start3A_98 : memref<128x128xf32, #tpu.memory_space<hbm>>) target_semaphore(%arg12 : memref<!tpu.dma_semaphore, #tpu.memory_space<semaphore_mem>>)
    %add3A_99 = arith.constant 256 : i32
    %add3A_100 = arith.addi %mul3A_0, %add3A_99 : i32
    %add3A_101 = arith.constant 0 : i32
    %add3A_102 = arith.addi %mul3A_0, %add3A_101 : i32
    %dma_wait3A_103 = arith.constant 0 : i32
    %dma_wait3A_104 = tpu.memref_slice %arg6[%arg0, %add3A_102, %dma_wait3A_103] : memref<2x10240x128xf32, #tpu.memory_space<hbm>> -> memref<1x128x128xf32, #tpu.memory_space<hbm>>
    %dma_wait3A_105 = tpu.memref_squeeze %dma_wait3A_104 : memref<1x128x128xf32, #tpu.memory_space<hbm>> -> memref<128x128xf32, #tpu.memory_space<hbm>>
    %dma_wait3A_106 = arith.constant 0 : i32
    %dma_wait3A_107 = tpu.memref_slice %arg6[%arg0, %add3A_102, %dma_wait3A_106] : memref<2x10240x128xf32, #tpu.memory_space<hbm>> -> memref<1x128x128xf32, #tpu.memory_space<hbm>>
    %dma_wait3A_108 = tpu.memref_squeeze %dma_wait3A_107 : memref<1x128x128xf32, #tpu.memory_space<hbm>> -> memref<128x128xf32, #tpu.memory_space<hbm>>
    tpu.wait_dma2 semaphore(%arg11 : memref<!tpu.dma_semaphore, #tpu.memory_space<semaphore_mem>>) src(%arg9 : memref<128x128xf32, #tpu.memory_space<vmem>>) dst(%dma_wait3A_108 : memref<128x128xf32, #tpu.memory_space<hbm>>)
    "tpu.region"() ({
      %run_scoped3A_163 = tpu.sem_alloc : memref<!tpu.dma_semaphore, #tpu.memory_space<semaphore_mem>>
      %dma_start3A_164 = arith.constant 0 : i32
      %dma_start3A_165 = tpu.memref_slice %arg19[%add3A_100, %dma_start3A_164] : memref<10240x128xf32, #tpu.memory_space<vmem_shared>> -> memref<128x128xf32, #tpu.memory_space<vmem_shared>>
      %dma_start3A_166 = arith.constant 0 : i32
      %dma_start3A_167 = tpu.memref_slice %arg19[%add3A_100, %dma_start3A_166] : memref<10240x128xf32, #tpu.memory_space<vmem_shared>> -> memref<128x128xf32, #tpu.memory_space<vmem_shared>>
      tpu.enqueue_dma source(%dma_start3A_167 : memref<128x128xf32, #tpu.memory_space<vmem_shared>>) target(%arg9 : memref<128x128xf32, #tpu.memory_space<vmem>>) target_semaphore(%run_scoped3A_163 : memref<!tpu.dma_semaphore, #tpu.memory_space<semaphore_mem>>)
      %dma_wait3A_168 = arith.constant 0 : i32
      %dma_wait3A_169 = tpu.memref_slice %arg19[%add3A_100, %dma_wait3A_168] : memref<10240x128xf32, #tpu.memory_space<vmem_shared>> -> memref<128x128xf32, #tpu.memory_space<vmem_shared>>
      %dma_wait3A_170 = arith.constant 0 : i32
      %dma_wait3A_171 = tpu.memref_slice %arg19[%add3A_100, %dma_wait3A_170] : memref<10240x128xf32, #tpu.memory_space<vmem_shared>> -> memref<128x128xf32, #tpu.memory_space<vmem_shared>>
      tpu.wait_dma2 semaphore(%run_scoped3A_163 : memref<!tpu.dma_semaphore, #tpu.memory_space<semaphore_mem>>) src(%dma_wait3A_171 : memref<128x128xf32, #tpu.memory_space<vmem_shared>>) dst(%arg9 : memref<128x128xf32, #tpu.memory_space<vmem>>)
      tpu.yield
    }) : () -> ()
    %dma_start3A_109 = arith.constant 0 : i32
    %dma_start3A_110 = tpu.memref_slice %arg6[%arg0, %add3A_100, %dma_start3A_109] : memref<2x10240x128xf32, #tpu.memory_space<hbm>> -> memref<1x128x128xf32, #tpu.memory_space<hbm>>
    %dma_start3A_111 = tpu.memref_squeeze %dma_start3A_110 : memref<1x128x128xf32, #tpu.memory_space<hbm>> -> memref<128x128xf32, #tpu.memory_space<hbm>>
    %dma_start3A_112 = arith.constant 0 : i32
    %dma_start3A_113 = tpu.memref_slice %arg6[%arg0, %add3A_100, %dma_start3A_112] : memref<2x10240x128xf32, #tpu.memory_space<hbm>> -> memref<1x128x128xf32, #tpu.memory_space<hbm>>
    %dma_start3A_114 = tpu.memref_squeeze %dma_start3A_113 : memref<1x128x128xf32, #tpu.memory_space<hbm>> -> memref<128x128xf32, #tpu.memory_space<hbm>>
    tpu.enqueue_dma source(%arg9 : memref<128x128xf32, #tpu.memory_space<vmem>>) target(%dma_start3A_114 : memref<128x128xf32, #tpu.memory_space<hbm>>) target_semaphore(%arg11 : memref<!tpu.dma_semaphore, #tpu.memory_space<semaphore_mem>>)
    %add3A_115 = arith.constant 384 : i32
    %add3A_116 = arith.addi %mul3A_0, %add3A_115 : i32
    %add3A_117 = arith.constant 128 : i32
    %add3A_118 = arith.addi %mul3A_0, %add3A_117 : i32
    %dma_wait3A_119 = arith.constant 0 : i32
    %dma_wait3A_120 = tpu.memref_slice %arg6[%arg0, %add3A_118, %dma_wait3A_119] : memref<2x10240x128xf32, #tpu.memory_space<hbm>> -> memref<1x128x128xf32, #tpu.memory_space<hbm>>
    %dma_wait3A_121 = tpu.memref_squeeze %dma_wait3A_120 : memref<1x128x128xf32, #tpu.memory_space<hbm>> -> memref<128x128xf32, #tpu.memory_space<hbm>>
    %dma_wait3A_122 = arith.constant 0 : i32
    %dma_wait3A_123 = tpu.memref_slice %arg6[%arg0, %add3A_118, %dma_wait3A_122] : memref<2x10240x128xf32, #tpu.memory_space<hbm>> -> memref<1x128x128xf32, #tpu.memory_space<hbm>>
    %dma_wait3A_124 = tpu.memref_squeeze %dma_wait3A_123 : memref<1x128x128xf32, #tpu.memory_space<hbm>> -> memref<128x128xf32, #tpu.memory_space<hbm>>
    tpu.wait_dma2 semaphore(%arg12 : memref<!tpu.dma_semaphore, #tpu.memory_space<semaphore_mem>>) src(%arg10 : memref<128x128xf32, #tpu.memory_space<vmem>>) dst(%dma_wait3A_124 : memref<128x128xf32, #tpu.memory_space<hbm>>)
    "tpu.region"() ({
      %run_scoped3A_163 = tpu.sem_alloc : memref<!tpu.dma_semaphore, #tpu.memory_space<semaphore_mem>>
      %dma_start3A_164 = arith.constant 0 : i32
      %dma_start3A_165 = tpu.memref_slice %arg19[%add3A_116, %dma_start3A_164] : memref<10240x128xf32, #tpu.memory_space<vmem_shared>> -> memref<128x128xf32, #tpu.memory_space<vmem_shared>>
      %dma_start3A_166 = arith.constant 0 : i32
      %dma_start3A_167 = tpu.memref_slice %arg19[%add3A_116, %dma_start3A_166] : memref<10240x128xf32, #tpu.memory_space<vmem_shared>> -> memref<128x128xf32, #tpu.memory_space<vmem_shared>>
      tpu.enqueue_dma source(%dma_start3A_167 : memref<128x128xf32, #tpu.memory_space<vmem_shared>>) target(%arg10 : memref<128x128xf32, #tpu.memory_space<vmem>>) target_semaphore(%run_scoped3A_163 : memref<!tpu.dma_semaphore, #tpu.memory_space<semaphore_mem>>)
      %dma_wait3A_168 = arith.constant 0 : i32
      %dma_wait3A_169 = tpu.memref_slice %arg19[%add3A_116, %dma_wait3A_168] : memref<10240x128xf32, #tpu.memory_space<vmem_shared>> -> memref<128x128xf32, #tpu.memory_space<vmem_shared>>
      %dma_wait3A_170 = arith.constant 0 : i32
      %dma_wait3A_171 = tpu.memref_slice %arg19[%add3A_116, %dma_wait3A_170] : memref<10240x128xf32, #tpu.memory_space<vmem_shared>> -> memref<128x128xf32, #tpu.memory_space<vmem_shared>>
      tpu.wait_dma2 semaphore(%run_scoped3A_163 : memref<!tpu.dma_semaphore, #tpu.memory_space<semaphore_mem>>) src(%dma_wait3A_171 : memref<128x128xf32, #tpu.memory_space<vmem_shared>>) dst(%arg10 : memref<128x128xf32, #tpu.memory_space<vmem>>)
      tpu.yield
    }) : () -> ()
    %dma_start3A_125 = arith.constant 0 : i32
    %dma_start3A_126 = tpu.memref_slice %arg6[%arg0, %add3A_116, %dma_start3A_125] : memref<2x10240x128xf32, #tpu.memory_space<hbm>> -> memref<1x128x128xf32, #tpu.memory_space<hbm>>
    %dma_start3A_127 = tpu.memref_squeeze %dma_start3A_126 : memref<1x128x128xf32, #tpu.memory_space<hbm>> -> memref<128x128xf32, #tpu.memory_space<hbm>>
    %dma_start3A_128 = arith.constant 0 : i32
    %dma_start3A_129 = tpu.memref_slice %arg6[%arg0, %add3A_116, %dma_start3A_128] : memref<2x10240x128xf32, #tpu.memory_space<hbm>> -> memref<1x128x128xf32, #tpu.memory_space<hbm>>
    %dma_start3A_130 = tpu.memref_squeeze %dma_start3A_129 : memref<1x128x128xf32, #tpu.memory_space<hbm>> -> memref<128x128xf32, #tpu.memory_space<hbm>>
    tpu.enqueue_dma source(%arg10 : memref<128x128xf32, #tpu.memory_space<vmem>>) target(%dma_start3A_130 : memref<128x128xf32, #tpu.memory_space<hbm>>) target_semaphore(%arg12 : memref<!tpu.dma_semaphore, #tpu.memory_space<semaphore_mem>>)
    %add3A_131 = arith.constant 512 : i32
    %add3A_132 = arith.addi %mul3A_0, %add3A_131 : i32
    %add3A_133 = arith.constant 256 : i32
    %add3A_134 = arith.addi %mul3A_0, %add3A_133 : i32
    %dma_wait3A_135 = arith.constant 0 : i32
    %dma_wait3A_136 = tpu.memref_slice %arg6[%arg0, %add3A_134, %dma_wait3A_135] : memref<2x10240x128xf32, #tpu.memory_space<hbm>> -> memref<1x128x128xf32, #tpu.memory_space<hbm>>
    %dma_wait3A_137 = tpu.memref_squeeze %dma_wait3A_136 : memref<1x128x128xf32, #tpu.memory_space<hbm>> -> memref<128x128xf32, #tpu.memory_space<hbm>>
    %dma_wait3A_138 = arith.constant 0 : i32
    %dma_wait3A_139 = tpu.memref_slice %arg6[%arg0, %add3A_134, %dma_wait3A_138] : memref<2x10240x128xf32, #tpu.memory_space<hbm>> -> memref<1x128x128xf32, #tpu.memory_space<hbm>>
    %dma_wait3A_140 = tpu.memref_squeeze %dma_wait3A_139 : memref<1x128x128xf32, #tpu.memory_space<hbm>> -> memref<128x128xf32, #tpu.memory_space<hbm>>
    tpu.wait_dma2 semaphore(%arg11 : memref<!tpu.dma_semaphore, #tpu.memory_space<semaphore_mem>>) src(%arg9 : memref<128x128xf32, #tpu.memory_space<vmem>>) dst(%dma_wait3A_140 : memref<128x128xf32, #tpu.memory_space<hbm>>)
    "tpu.region"() ({
      %run_scoped3A_163 = tpu.sem_alloc : memref<!tpu.dma_semaphore, #tpu.memory_space<semaphore_mem>>
      %dma_start3A_164 = arith.constant 0 : i32
      %dma_start3A_165 = tpu.memref_slice %arg19[%add3A_132, %dma_start3A_164] : memref<10240x128xf32, #tpu.memory_space<vmem_shared>> -> memref<128x128xf32, #tpu.memory_space<vmem_shared>>
      %dma_start3A_166 = arith.constant 0 : i32
      %dma_start3A_167 = tpu.memref_slice %arg19[%add3A_132, %dma_start3A_166] : memref<10240x128xf32, #tpu.memory_space<vmem_shared>> -> memref<128x128xf32, #tpu.memory_space<vmem_shared>>
      tpu.enqueue_dma source(%dma_start3A_167 : memref<128x128xf32, #tpu.memory_space<vmem_shared>>) target(%arg9 : memref<128x128xf32, #tpu.memory_space<vmem>>) target_semaphore(%run_scoped3A_163 : memref<!tpu.dma_semaphore, #tpu.memory_space<semaphore_mem>>)
      %dma_wait3A_168 = arith.constant 0 : i32
      %dma_wait3A_169 = tpu.memref_slice %arg19[%add3A_132, %dma_wait3A_168] : memref<10240x128xf32, #tpu.memory_space<vmem_shared>> -> memref<128x128xf32, #tpu.memory_space<vmem_shared>>
      %dma_wait3A_170 = arith.constant 0 : i32
      %dma_wait3A_171 = tpu.memref_slice %arg19[%add3A_132, %dma_wait3A_170] : memref<10240x128xf32, #tpu.memory_space<vmem_shared>> -> memref<128x128xf32, #tpu.memory_space<vmem_shared>>
      tpu.wait_dma2 semaphore(%run_scoped3A_163 : memref<!tpu.dma_semaphore, #tpu.memory_space<semaphore_mem>>) src(%dma_wait3A_171 : memref<128x128xf32, #tpu.memory_space<vmem_shared>>) dst(%arg9 : memref<128x128xf32, #tpu.memory_space<vmem>>)
      tpu.yield
    }) : () -> ()
    %dma_start3A_141 = arith.constant 0 : i32
    %dma_start3A_142 = tpu.memref_slice %arg6[%arg0, %add3A_132, %dma_start3A_141] : memref<2x10240x128xf32, #tpu.memory_space<hbm>> -> memref<1x128x128xf32, #tpu.memory_space<hbm>>
    %dma_start3A_143 = tpu.memref_squeeze %dma_start3A_142 : memref<1x128x128xf32, #tpu.memory_space<hbm>> -> memref<128x128xf32, #tpu.memory_space<hbm>>
    %dma_start3A_144 = arith.constant 0 : i32
    %dma_start3A_145 = tpu.memref_slice %arg6[%arg0, %add3A_132, %dma_start3A_144] : memref<2x10240x128xf32, #tpu.memory_space<hbm>> -> memref<1x128x128xf32, #tpu.memory_space<hbm>>
    %dma_start3A_146 = tpu.memref_squeeze %dma_start3A_145 : memref<1x128x128xf32, #tpu.memory_space<hbm>> -> memref<128x128xf32, #tpu.memory_space<hbm>>
    tpu.enqueue_dma source(%arg9 : memref<128x128xf32, #tpu.memory_space<vmem>>) target(%dma_start3A_146 : memref<128x128xf32, #tpu.memory_space<hbm>>) target_semaphore(%arg11 : memref<!tpu.dma_semaphore, #tpu.memory_space<semaphore_mem>>)
    %add3A_147 = arith.constant 384 : i32
    %add3A_148 = arith.addi %mul3A_0, %add3A_147 : i32
    %dma_wait3A_149 = arith.constant 0 : i32
    %dma_wait3A_150 = tpu.memref_slice %arg6[%arg0, %add3A_148, %dma_wait3A_149] : memref<2x10240x128xf32, #tpu.memory_space<hbm>> -> memref<1x128x128xf32, #tpu.memory_space<hbm>>
    %dma_wait3A_151 = tpu.memref_squeeze %dma_wait3A_150 : memref<1x128x128xf32, #tpu.memory_space<hbm>> -> memref<128x128xf32, #tpu.memory_space<hbm>>
    %dma_wait3A_152 = arith.constant 0 : i32
    %dma_wait3A_153 = tpu.memref_slice %arg6[%arg0, %add3A_148, %dma_wait3A_152] : memref<2x10240x128xf32, #tpu.memory_space<hbm>> -> memref<1x128x128xf32, #tpu.memory_space<hbm>>
    %dma_wait3A_154 = tpu.memref_squeeze %dma_wait3A_153 : memref<1x128x128xf32, #tpu.memory_space<hbm>> -> memref<128x128xf32, #tpu.memory_space<hbm>>
    tpu.wait_dma2 semaphore(%arg12 : memref<!tpu.dma_semaphore, #tpu.memory_space<semaphore_mem>>) src(%arg10 : memref<128x128xf32, #tpu.memory_space<vmem>>) dst(%dma_wait3A_154 : memref<128x128xf32, #tpu.memory_space<hbm>>)
    %add3A_155 = arith.constant 512 : i32
    %add3A_156 = arith.addi %mul3A_0, %add3A_155 : i32
    %dma_wait3A_157 = arith.constant 0 : i32
    %dma_wait3A_158 = tpu.memref_slice %arg6[%arg0, %add3A_156, %dma_wait3A_157] : memref<2x10240x128xf32, #tpu.memory_space<hbm>> -> memref<1x128x128xf32, #tpu.memory_space<hbm>>
    %dma_wait3A_159 = tpu.memref_squeeze %dma_wait3A_158 : memref<1x128x128xf32, #tpu.memory_space<hbm>> -> memref<128x128xf32, #tpu.memory_space<hbm>>
    %dma_wait3A_160 = arith.constant 0 : i32
    %dma_wait3A_161 = tpu.memref_slice %arg6[%arg0, %add3A_156, %dma_wait3A_160] : memref<2x10240x128xf32, #tpu.memory_space<hbm>> -> memref<1x128x128xf32, #tpu.memory_space<hbm>>
    %dma_wait3A_162 = tpu.memref_squeeze %dma_wait3A_161 : memref<1x128x128xf32, #tpu.memory_space<hbm>> -> memref<128x128xf32, #tpu.memory_space<hbm>>
    tpu.wait_dma2 semaphore(%arg11 : memref<!tpu.dma_semaphore, #tpu.memory_space<semaphore_mem>>) src(%arg9 : memref<128x128xf32, #tpu.memory_space<vmem>>) dst(%dma_wait3A_162 : memref<128x128xf32, #tpu.memory_space<hbm>>)
    return
  }
}

#map = affine_map<(d0, d1) -> (0, 0, 0)>
#map1 = affine_map<(d0, d1) -> (0)>
#map2 = affine_map<(d0, d1) -> (0, 0)>
module attributes {stable_mosaic.version = 14 : i64} {
  func.func @_sc_degree(%arg0: i32, %arg1: i32, %arg2: memref<32x80x128xi32, #tpu.memory_space<hbm>>, %arg3: memref<128xf32, #tpu.memory_space<hbm>>, %arg4: memref<640xf32, #tpu.memory_space<hbm>>, %arg5: memref<2x10240xf32, #tpu.memory_space<hbm>>, %arg6: memref<80x128xi32, #tpu.memory_space<vmem>>, %arg7: memref<128xf32, #tpu.memory_space<vmem>>, %arg8: memref<640xf32, #tpu.memory_space<vmem>>, %arg9: memref<10240xf32, #tpu.memory_space<vmem_shared>>, %arg10: memref<!tpu.dma_semaphore, #tpu.memory_space<semaphore_mem>>) attributes {dimension_semantics = [#tpu.dimension_semantics<core_parallel>, #tpu.dimension_semantics<subcore_parallel>], iteration_bounds = array<i64: 2, 16>, scalar_prefetch = 0 : i64, scratch_operands = 5 : i64, tpu.core_type = #tpu.core_type<sc_vector_subcore>, window_params = [{transform_indices = #map}, {transform_indices = #map1}, {transform_indices = #map1}, {transform_indices = #map2}]} {
    %mul3A = arith.constant 16 : i32
    %mul3A_0 = arith.muli %arg0, %mul3A : i32
    %add3A = arith.addi %mul3A_0, %arg1 : i32
    %mul3A_1 = arith.constant 640 : i32
    %mul3A_2 = arith.muli %arg1, %mul3A_1 : i32
    "tpu.region"() ({
      %run_scoped3A = tpu.sem_alloc : memref<!tpu.dma_semaphore, #tpu.memory_space<semaphore_mem>>
      %dma_start3A = arith.constant 0 : i32
      %dma_start3A_9 = arith.constant 0 : i32
      %dma_start3A_10 = tpu.memref_slice %arg2[%add3A, %dma_start3A, %dma_start3A_9] : memref<32x80x128xi32, #tpu.memory_space<hbm>> -> memref<1x80x128xi32, #tpu.memory_space<hbm>>
      %dma_start3A_11 = tpu.memref_squeeze %dma_start3A_10 : memref<1x80x128xi32, #tpu.memory_space<hbm>> -> memref<80x128xi32, #tpu.memory_space<hbm>>
      %dma_start3A_12 = arith.constant 0 : i32
      %dma_start3A_13 = arith.constant 0 : i32
      %dma_start3A_14 = tpu.memref_slice %arg2[%add3A, %dma_start3A_12, %dma_start3A_13] : memref<32x80x128xi32, #tpu.memory_space<hbm>> -> memref<1x80x128xi32, #tpu.memory_space<hbm>>
      %dma_start3A_15 = tpu.memref_squeeze %dma_start3A_14 : memref<1x80x128xi32, #tpu.memory_space<hbm>> -> memref<80x128xi32, #tpu.memory_space<hbm>>
      tpu.enqueue_dma source(%dma_start3A_15 : memref<80x128xi32, #tpu.memory_space<hbm>>) target(%arg6 : memref<80x128xi32, #tpu.memory_space<vmem>>) target_semaphore(%run_scoped3A : memref<!tpu.dma_semaphore, #tpu.memory_space<semaphore_mem>>)
      %dma_wait3A = arith.constant 0 : i32
      %dma_wait3A_16 = arith.constant 0 : i32
      %dma_wait3A_17 = tpu.memref_slice %arg2[%add3A, %dma_wait3A, %dma_wait3A_16] : memref<32x80x128xi32, #tpu.memory_space<hbm>> -> memref<1x80x128xi32, #tpu.memory_space<hbm>>
      %dma_wait3A_18 = tpu.memref_squeeze %dma_wait3A_17 : memref<1x80x128xi32, #tpu.memory_space<hbm>> -> memref<80x128xi32, #tpu.memory_space<hbm>>
      %dma_wait3A_19 = arith.constant 0 : i32
      %dma_wait3A_20 = arith.constant 0 : i32
      %dma_wait3A_21 = tpu.memref_slice %arg2[%add3A, %dma_wait3A_19, %dma_wait3A_20] : memref<32x80x128xi32, #tpu.memory_space<hbm>> -> memref<1x80x128xi32, #tpu.memory_space<hbm>>
      %dma_wait3A_22 = tpu.memref_squeeze %dma_wait3A_21 : memref<1x80x128xi32, #tpu.memory_space<hbm>> -> memref<80x128xi32, #tpu.memory_space<hbm>>
      tpu.wait_dma2 semaphore(%run_scoped3A : memref<!tpu.dma_semaphore, #tpu.memory_space<semaphore_mem>>) src(%dma_wait3A_22 : memref<80x128xi32, #tpu.memory_space<hbm>>) dst(%arg6 : memref<80x128xi32, #tpu.memory_space<vmem>>)
      tpu.yield
    }) : () -> ()
    "tpu.region"() ({
      %run_scoped3A = tpu.sem_alloc : memref<!tpu.dma_semaphore, #tpu.memory_space<semaphore_mem>>
      tpu.enqueue_dma source(%arg3 : memref<128xf32, #tpu.memory_space<hbm>>) target(%arg7 : memref<128xf32, #tpu.memory_space<vmem>>) target_semaphore(%run_scoped3A : memref<!tpu.dma_semaphore, #tpu.memory_space<semaphore_mem>>)
      tpu.wait_dma2 semaphore(%run_scoped3A : memref<!tpu.dma_semaphore, #tpu.memory_space<semaphore_mem>>) src(%arg3 : memref<128xf32, #tpu.memory_space<hbm>>) dst(%arg7 : memref<128xf32, #tpu.memory_space<vmem>>)
      tpu.yield
    }) : () -> ()
    "tpu.region"() ({
      %run_scoped3A = tpu.sem_alloc : memref<!tpu.dma_semaphore, #tpu.memory_space<semaphore_mem>>
      tpu.enqueue_dma source(%arg4 : memref<640xf32, #tpu.memory_space<hbm>>) target(%arg8 : memref<640xf32, #tpu.memory_space<vmem>>) target_semaphore(%run_scoped3A : memref<!tpu.dma_semaphore, #tpu.memory_space<semaphore_mem>>)
      tpu.wait_dma2 semaphore(%run_scoped3A : memref<!tpu.dma_semaphore, #tpu.memory_space<semaphore_mem>>) src(%arg4 : memref<640xf32, #tpu.memory_space<hbm>>) dst(%arg8 : memref<640xf32, #tpu.memory_space<vmem>>)
      tpu.yield
    }) : () -> ()
    "tpu.region"() ({
      %run_scoped3A = tpu.sem_alloc : memref<!tpu.dma_semaphore, #tpu.memory_space<semaphore_mem>>
      %dma_start3A = tpu.memref_slice %arg9[%mul3A_2] : memref<10240xf32, #tpu.memory_space<vmem_shared>> -> memref<640xf32, #tpu.memory_space<vmem_shared>>
      %dma_start3A_9 = tpu.memref_slice %arg9[%mul3A_2] : memref<10240xf32, #tpu.memory_space<vmem_shared>> -> memref<640xf32, #tpu.memory_space<vmem_shared>>
      tpu.enqueue_dma source(%arg8 : memref<640xf32, #tpu.memory_space<vmem>>) target(%dma_start3A_9 : memref<640xf32, #tpu.memory_space<vmem_shared>>) target_semaphore(%run_scoped3A : memref<!tpu.dma_semaphore, #tpu.memory_space<semaphore_mem>>)
      %dma_wait3A = tpu.memref_slice %arg9[%mul3A_2] : memref<10240xf32, #tpu.memory_space<vmem_shared>> -> memref<640xf32, #tpu.memory_space<vmem_shared>>
      %dma_wait3A_10 = tpu.memref_slice %arg9[%mul3A_2] : memref<10240xf32, #tpu.memory_space<vmem_shared>> -> memref<640xf32, #tpu.memory_space<vmem_shared>>
      tpu.wait_dma2 semaphore(%run_scoped3A : memref<!tpu.dma_semaphore, #tpu.memory_space<semaphore_mem>>) src(%arg8 : memref<640xf32, #tpu.memory_space<vmem>>) dst(%dma_wait3A_10 : memref<640xf32, #tpu.memory_space<vmem_shared>>)
      tpu.yield
    }) : () -> ()
    %barrier3A = arith.constant 0 : index
    tpu.barrier barrier_id(%barrier3A)
    %scan3A = arith.constant 0 : i32
    %scan3A_3 = arith.constant 0 : i32
    %scan3A_4 = arith.constant 10 : i32
    %scan3A_5 = arith.addi %scan3A_3, %scan3A_4 : i32
    %scan3A_6 = arith.constant 1 : i32
    scf.for %scan3A_9 = %scan3A_3 to %scan3A_5 step %scan3A_6  : i32 {
      %mul3A_10 = arith.constant 8 : i32
      %mul3A_11 = arith.muli %scan3A_9, %mul3A_10 : i32
      %add3A_12 = arith.constant 0 : i32
      %add3A_13 = arith.addi %mul3A_11, %add3A_12 : i32
      %dma_start3A = arith.constant 0 : i32
      %dma_start3A_14 = tpu.memref_slice %arg6[%add3A_13, %dma_start3A] : memref<80x128xi32, #tpu.memory_space<vmem>> -> memref<1x128xi32, #tpu.memory_space<vmem>>
      %dma_start3A_15 = tpu.memref_squeeze %dma_start3A_14 : memref<1x128xi32, #tpu.memory_space<vmem>> -> memref<128xi32, #tpu.memory_space<vmem>>
      %dma_start3A_16 = arith.constant 0 : i32
      %dma_start3A_17 = tpu.memref_slice %arg9[%dma_start3A_16] : memref<10240xf32, #tpu.memory_space<vmem_shared>> -> memref<10240xf32, #tpu.memory_space<vmem_shared>>
      tpu.enqueue_indirect_dma source(%arg7 : memref<128xf32, #tpu.memory_space<vmem>>) target(%dma_start3A_17 : memref<10240xf32, #tpu.memory_space<vmem_shared>>) offsets(%dma_start3A_15 : memref<128xi32, #tpu.memory_space<vmem>>) semaphore(%arg10 : memref<!tpu.dma_semaphore, #tpu.memory_space<semaphore_mem>>) {add = true}
      %mul3A_18 = arith.constant 8 : i32
      %mul3A_19 = arith.muli %scan3A_9, %mul3A_18 : i32
      %add3A_20 = arith.constant 1 : i32
      %add3A_21 = arith.addi %mul3A_19, %add3A_20 : i32
      %dma_start3A_22 = arith.constant 0 : i32
      %dma_start3A_23 = tpu.memref_slice %arg6[%add3A_21, %dma_start3A_22] : memref<80x128xi32, #tpu.memory_space<vmem>> -> memref<1x128xi32, #tpu.memory_space<vmem>>
      %dma_start3A_24 = tpu.memref_squeeze %dma_start3A_23 : memref<1x128xi32, #tpu.memory_space<vmem>> -> memref<128xi32, #tpu.memory_space<vmem>>
      %dma_start3A_25 = arith.constant 0 : i32
      %dma_start3A_26 = tpu.memref_slice %arg9[%dma_start3A_25] : memref<10240xf32, #tpu.memory_space<vmem_shared>> -> memref<10240xf32, #tpu.memory_space<vmem_shared>>
      tpu.enqueue_indirect_dma source(%arg7 : memref<128xf32, #tpu.memory_space<vmem>>) target(%dma_start3A_26 : memref<10240xf32, #tpu.memory_space<vmem_shared>>) offsets(%dma_start3A_24 : memref<128xi32, #tpu.memory_space<vmem>>) semaphore(%arg10 : memref<!tpu.dma_semaphore, #tpu.memory_space<semaphore_mem>>) {add = true}
      %mul3A_27 = arith.constant 8 : i32
      %mul3A_28 = arith.muli %scan3A_9, %mul3A_27 : i32
      %add3A_29 = arith.constant 2 : i32
      %add3A_30 = arith.addi %mul3A_28, %add3A_29 : i32
      %dma_start3A_31 = arith.constant 0 : i32
      %dma_start3A_32 = tpu.memref_slice %arg6[%add3A_30, %dma_start3A_31] : memref<80x128xi32, #tpu.memory_space<vmem>> -> memref<1x128xi32, #tpu.memory_space<vmem>>
      %dma_start3A_33 = tpu.memref_squeeze %dma_start3A_32 : memref<1x128xi32, #tpu.memory_space<vmem>> -> memref<128xi32, #tpu.memory_space<vmem>>
      %dma_start3A_34 = arith.constant 0 : i32
      %dma_start3A_35 = tpu.memref_slice %arg9[%dma_start3A_34] : memref<10240xf32, #tpu.memory_space<vmem_shared>> -> memref<10240xf32, #tpu.memory_space<vmem_shared>>
      tpu.enqueue_indirect_dma source(%arg7 : memref<128xf32, #tpu.memory_space<vmem>>) target(%dma_start3A_35 : memref<10240xf32, #tpu.memory_space<vmem_shared>>) offsets(%dma_start3A_33 : memref<128xi32, #tpu.memory_space<vmem>>) semaphore(%arg10 : memref<!tpu.dma_semaphore, #tpu.memory_space<semaphore_mem>>) {add = true}
      %mul3A_36 = arith.constant 8 : i32
      %mul3A_37 = arith.muli %scan3A_9, %mul3A_36 : i32
      %add3A_38 = arith.constant 3 : i32
      %add3A_39 = arith.addi %mul3A_37, %add3A_38 : i32
      %dma_start3A_40 = arith.constant 0 : i32
      %dma_start3A_41 = tpu.memref_slice %arg6[%add3A_39, %dma_start3A_40] : memref<80x128xi32, #tpu.memory_space<vmem>> -> memref<1x128xi32, #tpu.memory_space<vmem>>
      %dma_start3A_42 = tpu.memref_squeeze %dma_start3A_41 : memref<1x128xi32, #tpu.memory_space<vmem>> -> memref<128xi32, #tpu.memory_space<vmem>>
      %dma_start3A_43 = arith.constant 0 : i32
      %dma_start3A_44 = tpu.memref_slice %arg9[%dma_start3A_43] : memref<10240xf32, #tpu.memory_space<vmem_shared>> -> memref<10240xf32, #tpu.memory_space<vmem_shared>>
      tpu.enqueue_indirect_dma source(%arg7 : memref<128xf32, #tpu.memory_space<vmem>>) target(%dma_start3A_44 : memref<10240xf32, #tpu.memory_space<vmem_shared>>) offsets(%dma_start3A_42 : memref<128xi32, #tpu.memory_space<vmem>>) semaphore(%arg10 : memref<!tpu.dma_semaphore, #tpu.memory_space<semaphore_mem>>) {add = true}
      %mul3A_45 = arith.constant 8 : i32
      %mul3A_46 = arith.muli %scan3A_9, %mul3A_45 : i32
      %add3A_47 = arith.constant 4 : i32
      %add3A_48 = arith.addi %mul3A_46, %add3A_47 : i32
      %dma_start3A_49 = arith.constant 0 : i32
      %dma_start3A_50 = tpu.memref_slice %arg6[%add3A_48, %dma_start3A_49] : memref<80x128xi32, #tpu.memory_space<vmem>> -> memref<1x128xi32, #tpu.memory_space<vmem>>
      %dma_start3A_51 = tpu.memref_squeeze %dma_start3A_50 : memref<1x128xi32, #tpu.memory_space<vmem>> -> memref<128xi32, #tpu.memory_space<vmem>>
      %dma_start3A_52 = arith.constant 0 : i32
      %dma_start3A_53 = tpu.memref_slice %arg9[%dma_start3A_52] : memref<10240xf32, #tpu.memory_space<vmem_shared>> -> memref<10240xf32, #tpu.memory_space<vmem_shared>>
      tpu.enqueue_indirect_dma source(%arg7 : memref<128xf32, #tpu.memory_space<vmem>>) target(%dma_start3A_53 : memref<10240xf32, #tpu.memory_space<vmem_shared>>) offsets(%dma_start3A_51 : memref<128xi32, #tpu.memory_space<vmem>>) semaphore(%arg10 : memref<!tpu.dma_semaphore, #tpu.memory_space<semaphore_mem>>) {add = true}
      %mul3A_54 = arith.constant 8 : i32
      %mul3A_55 = arith.muli %scan3A_9, %mul3A_54 : i32
      %add3A_56 = arith.constant 5 : i32
      %add3A_57 = arith.addi %mul3A_55, %add3A_56 : i32
      %dma_start3A_58 = arith.constant 0 : i32
      %dma_start3A_59 = tpu.memref_slice %arg6[%add3A_57, %dma_start3A_58] : memref<80x128xi32, #tpu.memory_space<vmem>> -> memref<1x128xi32, #tpu.memory_space<vmem>>
      %dma_start3A_60 = tpu.memref_squeeze %dma_start3A_59 : memref<1x128xi32, #tpu.memory_space<vmem>> -> memref<128xi32, #tpu.memory_space<vmem>>
      %dma_start3A_61 = arith.constant 0 : i32
      %dma_start3A_62 = tpu.memref_slice %arg9[%dma_start3A_61] : memref<10240xf32, #tpu.memory_space<vmem_shared>> -> memref<10240xf32, #tpu.memory_space<vmem_shared>>
      tpu.enqueue_indirect_dma source(%arg7 : memref<128xf32, #tpu.memory_space<vmem>>) target(%dma_start3A_62 : memref<10240xf32, #tpu.memory_space<vmem_shared>>) offsets(%dma_start3A_60 : memref<128xi32, #tpu.memory_space<vmem>>) semaphore(%arg10 : memref<!tpu.dma_semaphore, #tpu.memory_space<semaphore_mem>>) {add = true}
      %mul3A_63 = arith.constant 8 : i32
      %mul3A_64 = arith.muli %scan3A_9, %mul3A_63 : i32
      %add3A_65 = arith.constant 6 : i32
      %add3A_66 = arith.addi %mul3A_64, %add3A_65 : i32
      %dma_start3A_67 = arith.constant 0 : i32
      %dma_start3A_68 = tpu.memref_slice %arg6[%add3A_66, %dma_start3A_67] : memref<80x128xi32, #tpu.memory_space<vmem>> -> memref<1x128xi32, #tpu.memory_space<vmem>>
      %dma_start3A_69 = tpu.memref_squeeze %dma_start3A_68 : memref<1x128xi32, #tpu.memory_space<vmem>> -> memref<128xi32, #tpu.memory_space<vmem>>
      %dma_start3A_70 = arith.constant 0 : i32
      %dma_start3A_71 = tpu.memref_slice %arg9[%dma_start3A_70] : memref<10240xf32, #tpu.memory_space<vmem_shared>> -> memref<10240xf32, #tpu.memory_space<vmem_shared>>
      tpu.enqueue_indirect_dma source(%arg7 : memref<128xf32, #tpu.memory_space<vmem>>) target(%dma_start3A_71 : memref<10240xf32, #tpu.memory_space<vmem_shared>>) offsets(%dma_start3A_69 : memref<128xi32, #tpu.memory_space<vmem>>) semaphore(%arg10 : memref<!tpu.dma_semaphore, #tpu.memory_space<semaphore_mem>>) {add = true}
      %mul3A_72 = arith.constant 8 : i32
      %mul3A_73 = arith.muli %scan3A_9, %mul3A_72 : i32
      %add3A_74 = arith.constant 7 : i32
      %add3A_75 = arith.addi %mul3A_73, %add3A_74 : i32
      %dma_start3A_76 = arith.constant 0 : i32
      %dma_start3A_77 = tpu.memref_slice %arg6[%add3A_75, %dma_start3A_76] : memref<80x128xi32, #tpu.memory_space<vmem>> -> memref<1x128xi32, #tpu.memory_space<vmem>>
      %dma_start3A_78 = tpu.memref_squeeze %dma_start3A_77 : memref<1x128xi32, #tpu.memory_space<vmem>> -> memref<128xi32, #tpu.memory_space<vmem>>
      %dma_start3A_79 = arith.constant 0 : i32
      %dma_start3A_80 = tpu.memref_slice %arg9[%dma_start3A_79] : memref<10240xf32, #tpu.memory_space<vmem_shared>> -> memref<10240xf32, #tpu.memory_space<vmem_shared>>
      tpu.enqueue_indirect_dma source(%arg7 : memref<128xf32, #tpu.memory_space<vmem>>) target(%dma_start3A_80 : memref<10240xf32, #tpu.memory_space<vmem_shared>>) offsets(%dma_start3A_78 : memref<128xi32, #tpu.memory_space<vmem>>) semaphore(%arg10 : memref<!tpu.dma_semaphore, #tpu.memory_space<semaphore_mem>>) {add = true}
      %mul3A_81 = arith.constant 8 : i32
      %mul3A_82 = arith.muli %scan3A_9, %mul3A_81 : i32
      %add3A_83 = arith.constant 0 : i32
      %add3A_84 = arith.addi %mul3A_82, %add3A_83 : i32
      %dma_wait3A = arith.constant 0 : i32
      %dma_wait3A_85 = tpu.memref_slice %arg6[%add3A_84, %dma_wait3A] : memref<80x128xi32, #tpu.memory_space<vmem>> -> memref<1x128xi32, #tpu.memory_space<vmem>>
      %dma_wait3A_86 = tpu.memref_squeeze %dma_wait3A_85 : memref<1x128xi32, #tpu.memory_space<vmem>> -> memref<128xi32, #tpu.memory_space<vmem>>
      %dma_wait3A_87 = arith.constant 0 : i32
      %dma_wait3A_88 = tpu.memref_slice %arg9[%dma_wait3A_87] : memref<10240xf32, #tpu.memory_space<vmem_shared>> -> memref<10240xf32, #tpu.memory_space<vmem_shared>>
      tpu.wait_indirect_dma semaphore(%arg10 : memref<!tpu.dma_semaphore, #tpu.memory_space<semaphore_mem>>) src(%arg7 : memref<128xf32, #tpu.memory_space<vmem>>) dst(%dma_wait3A_88 : memref<10240xf32, #tpu.memory_space<vmem_shared>>)
      %mul3A_89 = arith.constant 8 : i32
      %mul3A_90 = arith.muli %scan3A_9, %mul3A_89 : i32
      %add3A_91 = arith.constant 1 : i32
      %add3A_92 = arith.addi %mul3A_90, %add3A_91 : i32
      %dma_wait3A_93 = arith.constant 0 : i32
      %dma_wait3A_94 = tpu.memref_slice %arg6[%add3A_92, %dma_wait3A_93] : memref<80x128xi32, #tpu.memory_space<vmem>> -> memref<1x128xi32, #tpu.memory_space<vmem>>
      %dma_wait3A_95 = tpu.memref_squeeze %dma_wait3A_94 : memref<1x128xi32, #tpu.memory_space<vmem>> -> memref<128xi32, #tpu.memory_space<vmem>>
      %dma_wait3A_96 = arith.constant 0 : i32
      %dma_wait3A_97 = tpu.memref_slice %arg9[%dma_wait3A_96] : memref<10240xf32, #tpu.memory_space<vmem_shared>> -> memref<10240xf32, #tpu.memory_space<vmem_shared>>
      tpu.wait_indirect_dma semaphore(%arg10 : memref<!tpu.dma_semaphore, #tpu.memory_space<semaphore_mem>>) src(%arg7 : memref<128xf32, #tpu.memory_space<vmem>>) dst(%dma_wait3A_97 : memref<10240xf32, #tpu.memory_space<vmem_shared>>)
      %mul3A_98 = arith.constant 8 : i32
      %mul3A_99 = arith.muli %scan3A_9, %mul3A_98 : i32
      %add3A_100 = arith.constant 2 : i32
      %add3A_101 = arith.addi %mul3A_99, %add3A_100 : i32
      %dma_wait3A_102 = arith.constant 0 : i32
      %dma_wait3A_103 = tpu.memref_slice %arg6[%add3A_101, %dma_wait3A_102] : memref<80x128xi32, #tpu.memory_space<vmem>> -> memref<1x128xi32, #tpu.memory_space<vmem>>
      %dma_wait3A_104 = tpu.memref_squeeze %dma_wait3A_103 : memref<1x128xi32, #tpu.memory_space<vmem>> -> memref<128xi32, #tpu.memory_space<vmem>>
      %dma_wait3A_105 = arith.constant 0 : i32
      %dma_wait3A_106 = tpu.memref_slice %arg9[%dma_wait3A_105] : memref<10240xf32, #tpu.memory_space<vmem_shared>> -> memref<10240xf32, #tpu.memory_space<vmem_shared>>
      tpu.wait_indirect_dma semaphore(%arg10 : memref<!tpu.dma_semaphore, #tpu.memory_space<semaphore_mem>>) src(%arg7 : memref<128xf32, #tpu.memory_space<vmem>>) dst(%dma_wait3A_106 : memref<10240xf32, #tpu.memory_space<vmem_shared>>)
      %mul3A_107 = arith.constant 8 : i32
      %mul3A_108 = arith.muli %scan3A_9, %mul3A_107 : i32
      %add3A_109 = arith.constant 3 : i32
      %add3A_110 = arith.addi %mul3A_108, %add3A_109 : i32
      %dma_wait3A_111 = arith.constant 0 : i32
      %dma_wait3A_112 = tpu.memref_slice %arg6[%add3A_110, %dma_wait3A_111] : memref<80x128xi32, #tpu.memory_space<vmem>> -> memref<1x128xi32, #tpu.memory_space<vmem>>
      %dma_wait3A_113 = tpu.memref_squeeze %dma_wait3A_112 : memref<1x128xi32, #tpu.memory_space<vmem>> -> memref<128xi32, #tpu.memory_space<vmem>>
      %dma_wait3A_114 = arith.constant 0 : i32
      %dma_wait3A_115 = tpu.memref_slice %arg9[%dma_wait3A_114] : memref<10240xf32, #tpu.memory_space<vmem_shared>> -> memref<10240xf32, #tpu.memory_space<vmem_shared>>
      tpu.wait_indirect_dma semaphore(%arg10 : memref<!tpu.dma_semaphore, #tpu.memory_space<semaphore_mem>>) src(%arg7 : memref<128xf32, #tpu.memory_space<vmem>>) dst(%dma_wait3A_115 : memref<10240xf32, #tpu.memory_space<vmem_shared>>)
      %mul3A_116 = arith.constant 8 : i32
      %mul3A_117 = arith.muli %scan3A_9, %mul3A_116 : i32
      %add3A_118 = arith.constant 4 : i32
      %add3A_119 = arith.addi %mul3A_117, %add3A_118 : i32
      %dma_wait3A_120 = arith.constant 0 : i32
      %dma_wait3A_121 = tpu.memref_slice %arg6[%add3A_119, %dma_wait3A_120] : memref<80x128xi32, #tpu.memory_space<vmem>> -> memref<1x128xi32, #tpu.memory_space<vmem>>
      %dma_wait3A_122 = tpu.memref_squeeze %dma_wait3A_121 : memref<1x128xi32, #tpu.memory_space<vmem>> -> memref<128xi32, #tpu.memory_space<vmem>>
      %dma_wait3A_123 = arith.constant 0 : i32
      %dma_wait3A_124 = tpu.memref_slice %arg9[%dma_wait3A_123] : memref<10240xf32, #tpu.memory_space<vmem_shared>> -> memref<10240xf32, #tpu.memory_space<vmem_shared>>
      tpu.wait_indirect_dma semaphore(%arg10 : memref<!tpu.dma_semaphore, #tpu.memory_space<semaphore_mem>>) src(%arg7 : memref<128xf32, #tpu.memory_space<vmem>>) dst(%dma_wait3A_124 : memref<10240xf32, #tpu.memory_space<vmem_shared>>)
      %mul3A_125 = arith.constant 8 : i32
      %mul3A_126 = arith.muli %scan3A_9, %mul3A_125 : i32
      %add3A_127 = arith.constant 5 : i32
      %add3A_128 = arith.addi %mul3A_126, %add3A_127 : i32
      %dma_wait3A_129 = arith.constant 0 : i32
      %dma_wait3A_130 = tpu.memref_slice %arg6[%add3A_128, %dma_wait3A_129] : memref<80x128xi32, #tpu.memory_space<vmem>> -> memref<1x128xi32, #tpu.memory_space<vmem>>
      %dma_wait3A_131 = tpu.memref_squeeze %dma_wait3A_130 : memref<1x128xi32, #tpu.memory_space<vmem>> -> memref<128xi32, #tpu.memory_space<vmem>>
      %dma_wait3A_132 = arith.constant 0 : i32
      %dma_wait3A_133 = tpu.memref_slice %arg9[%dma_wait3A_132] : memref<10240xf32, #tpu.memory_space<vmem_shared>> -> memref<10240xf32, #tpu.memory_space<vmem_shared>>
      tpu.wait_indirect_dma semaphore(%arg10 : memref<!tpu.dma_semaphore, #tpu.memory_space<semaphore_mem>>) src(%arg7 : memref<128xf32, #tpu.memory_space<vmem>>) dst(%dma_wait3A_133 : memref<10240xf32, #tpu.memory_space<vmem_shared>>)
      %mul3A_134 = arith.constant 8 : i32
      %mul3A_135 = arith.muli %scan3A_9, %mul3A_134 : i32
      %add3A_136 = arith.constant 6 : i32
      %add3A_137 = arith.addi %mul3A_135, %add3A_136 : i32
      %dma_wait3A_138 = arith.constant 0 : i32
      %dma_wait3A_139 = tpu.memref_slice %arg6[%add3A_137, %dma_wait3A_138] : memref<80x128xi32, #tpu.memory_space<vmem>> -> memref<1x128xi32, #tpu.memory_space<vmem>>
      %dma_wait3A_140 = tpu.memref_squeeze %dma_wait3A_139 : memref<1x128xi32, #tpu.memory_space<vmem>> -> memref<128xi32, #tpu.memory_space<vmem>>
      %dma_wait3A_141 = arith.constant 0 : i32
      %dma_wait3A_142 = tpu.memref_slice %arg9[%dma_wait3A_141] : memref<10240xf32, #tpu.memory_space<vmem_shared>> -> memref<10240xf32, #tpu.memory_space<vmem_shared>>
      tpu.wait_indirect_dma semaphore(%arg10 : memref<!tpu.dma_semaphore, #tpu.memory_space<semaphore_mem>>) src(%arg7 : memref<128xf32, #tpu.memory_space<vmem>>) dst(%dma_wait3A_142 : memref<10240xf32, #tpu.memory_space<vmem_shared>>)
      %mul3A_143 = arith.constant 8 : i32
      %mul3A_144 = arith.muli %scan3A_9, %mul3A_143 : i32
      %add3A_145 = arith.constant 7 : i32
      %add3A_146 = arith.addi %mul3A_144, %add3A_145 : i32
      %dma_wait3A_147 = arith.constant 0 : i32
      %dma_wait3A_148 = tpu.memref_slice %arg6[%add3A_146, %dma_wait3A_147] : memref<80x128xi32, #tpu.memory_space<vmem>> -> memref<1x128xi32, #tpu.memory_space<vmem>>
      %dma_wait3A_149 = tpu.memref_squeeze %dma_wait3A_148 : memref<1x128xi32, #tpu.memory_space<vmem>> -> memref<128xi32, #tpu.memory_space<vmem>>
      %dma_wait3A_150 = arith.constant 0 : i32
      %dma_wait3A_151 = tpu.memref_slice %arg9[%dma_wait3A_150] : memref<10240xf32, #tpu.memory_space<vmem_shared>> -> memref<10240xf32, #tpu.memory_space<vmem_shared>>
      tpu.wait_indirect_dma semaphore(%arg10 : memref<!tpu.dma_semaphore, #tpu.memory_space<semaphore_mem>>) src(%arg7 : memref<128xf32, #tpu.memory_space<vmem>>) dst(%dma_wait3A_151 : memref<10240xf32, #tpu.memory_space<vmem_shared>>)
    }
    %scan3A_7 = arith.constant 10 : i32
    %barrier3A_8 = arith.constant 0 : index
    tpu.barrier barrier_id(%barrier3A_8)
    "tpu.region"() ({
      %run_scoped3A = tpu.sem_alloc : memref<!tpu.dma_semaphore, #tpu.memory_space<semaphore_mem>>
      %dma_start3A = tpu.memref_slice %arg9[%mul3A_2] : memref<10240xf32, #tpu.memory_space<vmem_shared>> -> memref<640xf32, #tpu.memory_space<vmem_shared>>
      %dma_start3A_9 = tpu.memref_slice %arg9[%mul3A_2] : memref<10240xf32, #tpu.memory_space<vmem_shared>> -> memref<640xf32, #tpu.memory_space<vmem_shared>>
      tpu.enqueue_dma source(%dma_start3A_9 : memref<640xf32, #tpu.memory_space<vmem_shared>>) target(%arg8 : memref<640xf32, #tpu.memory_space<vmem>>) target_semaphore(%run_scoped3A : memref<!tpu.dma_semaphore, #tpu.memory_space<semaphore_mem>>)
      %dma_wait3A = tpu.memref_slice %arg9[%mul3A_2] : memref<10240xf32, #tpu.memory_space<vmem_shared>> -> memref<640xf32, #tpu.memory_space<vmem_shared>>
      %dma_wait3A_10 = tpu.memref_slice %arg9[%mul3A_2] : memref<10240xf32, #tpu.memory_space<vmem_shared>> -> memref<640xf32, #tpu.memory_space<vmem_shared>>
      tpu.wait_dma2 semaphore(%run_scoped3A : memref<!tpu.dma_semaphore, #tpu.memory_space<semaphore_mem>>) src(%dma_wait3A_10 : memref<640xf32, #tpu.memory_space<vmem_shared>>) dst(%arg8 : memref<640xf32, #tpu.memory_space<vmem>>)
      tpu.yield
    }) : () -> ()
    "tpu.region"() ({
      %run_scoped3A = tpu.sem_alloc : memref<!tpu.dma_semaphore, #tpu.memory_space<semaphore_mem>>
      %dma_start3A = tpu.memref_slice %arg5[%arg0, %mul3A_2] : memref<2x10240xf32, #tpu.memory_space<hbm>> -> memref<1x640xf32, #tpu.memory_space<hbm>>
      %dma_start3A_9 = tpu.memref_squeeze %dma_start3A : memref<1x640xf32, #tpu.memory_space<hbm>> -> memref<640xf32, #tpu.memory_space<hbm>>
      %dma_start3A_10 = tpu.memref_slice %arg5[%arg0, %mul3A_2] : memref<2x10240xf32, #tpu.memory_space<hbm>> -> memref<1x640xf32, #tpu.memory_space<hbm>>
      %dma_start3A_11 = tpu.memref_squeeze %dma_start3A_10 : memref<1x640xf32, #tpu.memory_space<hbm>> -> memref<640xf32, #tpu.memory_space<hbm>>
      tpu.enqueue_dma source(%arg8 : memref<640xf32, #tpu.memory_space<vmem>>) target(%dma_start3A_11 : memref<640xf32, #tpu.memory_space<hbm>>) target_semaphore(%run_scoped3A : memref<!tpu.dma_semaphore, #tpu.memory_space<semaphore_mem>>)
      %dma_wait3A = tpu.memref_slice %arg5[%arg0, %mul3A_2] : memref<2x10240xf32, #tpu.memory_space<hbm>> -> memref<1x640xf32, #tpu.memory_space<hbm>>
      %dma_wait3A_12 = tpu.memref_squeeze %dma_wait3A : memref<1x640xf32, #tpu.memory_space<hbm>> -> memref<640xf32, #tpu.memory_space<hbm>>
      %dma_wait3A_13 = tpu.memref_slice %arg5[%arg0, %mul3A_2] : memref<2x10240xf32, #tpu.memory_space<hbm>> -> memref<1x640xf32, #tpu.memory_space<hbm>>
      %dma_wait3A_14 = tpu.memref_squeeze %dma_wait3A_13 : memref<1x640xf32, #tpu.memory_space<hbm>> -> memref<640xf32, #tpu.memory_space<hbm>>
      tpu.wait_dma2 semaphore(%run_scoped3A : memref<!tpu.dma_semaphore, #tpu.memory_space<semaphore_mem>>) src(%arg8 : memref<640xf32, #tpu.memory_space<vmem>>) dst(%dma_wait3A_14 : memref<640xf32, #tpu.memory_space<hbm>>)
      tpu.yield
    }) : () -> ()
    return
  }
}

#map = affine_map<(d0, d1) -> (0, 0)>
#map1 = affine_map<(d0, d1) -> (0, 0, 0)>
module attributes {stable_mosaic.version = 14 : i64} {
  func.func @_sc_aggregate(%arg0: i32, %arg1: i32, %arg2: memref<10240x128xf32, #tpu.memory_space<hbm>>, %arg3: memref<2560x128xi32, #tpu.memory_space<hbm>>, %arg4: memref<2560x128xi32, #tpu.memory_space<hbm>>, %arg5: memref<128x128xf32, #tpu.memory_space<hbm>>, %arg6: memref<2x10240x128xf32, #tpu.memory_space<hbm>>, %arg7: memref<2x128xi32, #tpu.memory_space<vmem>>, %arg8: memref<2x128xi32, #tpu.memory_space<vmem>>, %arg9: memref<128x128xf32, #tpu.memory_space<vmem>>, %arg10: memref<128x128xf32, #tpu.memory_space<vmem>>, %arg11: memref<!tpu.dma_semaphore, #tpu.memory_space<semaphore_mem>>, %arg12: memref<!tpu.dma_semaphore, #tpu.memory_space<semaphore_mem>>, %arg13: memref<!tpu.dma_semaphore, #tpu.memory_space<semaphore_mem>>, %arg14: memref<!tpu.dma_semaphore, #tpu.memory_space<semaphore_mem>>, %arg15: memref<!tpu.dma_semaphore, #tpu.memory_space<semaphore_mem>>, %arg16: memref<!tpu.dma_semaphore, #tpu.memory_space<semaphore_mem>>, %arg17: memref<!tpu.dma_semaphore, #tpu.memory_space<semaphore_mem>>, %arg18: memref<!tpu.dma_semaphore, #tpu.memory_space<semaphore_mem>>, %arg19: memref<10240x128xf32, #tpu.memory_space<vmem_shared>>) attributes {dimension_semantics = [#tpu.dimension_semantics<core_parallel>, #tpu.dimension_semantics<subcore_parallel>], iteration_bounds = array<i64: 2, 16>, scalar_prefetch = 0 : i64, scratch_operands = 13 : i64, tpu.core_type = #tpu.core_type<sc_vector_subcore>, window_params = [{transform_indices = #map}, {transform_indices = #map}, {transform_indices = #map}, {transform_indices = #map}, {transform_indices = #map1}]} {
    %mul3A = arith.constant 640 : i32
    %mul3A_0 = arith.muli %arg1, %mul3A : i32
    %mul3A_1 = arith.constant 16 : i32
    %mul3A_2 = arith.muli %arg0, %mul3A_1 : i32
    %add3A = arith.addi %mul3A_2, %arg1 : i32
    %mul3A_3 = arith.constant 80 : i32
    %mul3A_4 = arith.muli %add3A, %mul3A_3 : i32
    "tpu.region"() ({
      %run_scoped3A_163 = tpu.sem_alloc : memref<!tpu.dma_semaphore, #tpu.memory_space<semaphore_mem>>
      tpu.enqueue_dma source(%arg5 : memref<128x128xf32, #tpu.memory_space<hbm>>) target(%arg9 : memref<128x128xf32, #tpu.memory_space<vmem>>) target_semaphore(%run_scoped3A_163 : memref<!tpu.dma_semaphore, #tpu.memory_space<semaphore_mem>>)
      tpu.wait_dma2 semaphore(%run_scoped3A_163 : memref<!tpu.dma_semaphore, #tpu.memory_space<semaphore_mem>>) src(%arg5 : memref<128x128xf32, #tpu.memory_space<hbm>>) dst(%arg9 : memref<128x128xf32, #tpu.memory_space<vmem>>)
      tpu.yield
    }) : () -> ()
    %add3A_5 = arith.constant 0 : i32
    %add3A_6 = arith.addi %mul3A_0, %add3A_5 : i32
    "tpu.region"() ({
      %run_scoped3A_163 = tpu.sem_alloc : memref<!tpu.dma_semaphore, #tpu.memory_space<semaphore_mem>>
      %dma_start3A_164 = arith.constant 0 : i32
      %dma_start3A_165 = tpu.memref_slice %arg19[%add3A_6, %dma_start3A_164] : memref<10240x128xf32, #tpu.memory_space<vmem_shared>> -> memref<128x128xf32, #tpu.memory_space<vmem_shared>>
      %dma_start3A_166 = arith.constant 0 : i32
      %dma_start3A_167 = tpu.memref_slice %arg19[%add3A_6, %dma_start3A_166] : memref<10240x128xf32, #tpu.memory_space<vmem_shared>> -> memref<128x128xf32, #tpu.memory_space<vmem_shared>>
      tpu.enqueue_dma source(%arg9 : memref<128x128xf32, #tpu.memory_space<vmem>>) target(%dma_start3A_167 : memref<128x128xf32, #tpu.memory_space<vmem_shared>>) target_semaphore(%run_scoped3A_163 : memref<!tpu.dma_semaphore, #tpu.memory_space<semaphore_mem>>)
      %dma_wait3A_168 = arith.constant 0 : i32
      %dma_wait3A_169 = tpu.memref_slice %arg19[%add3A_6, %dma_wait3A_168] : memref<10240x128xf32, #tpu.memory_space<vmem_shared>> -> memref<128x128xf32, #tpu.memory_space<vmem_shared>>
      %dma_wait3A_170 = arith.constant 0 : i32
      %dma_wait3A_171 = tpu.memref_slice %arg19[%add3A_6, %dma_wait3A_170] : memref<10240x128xf32, #tpu.memory_space<vmem_shared>> -> memref<128x128xf32, #tpu.memory_space<vmem_shared>>
      tpu.wait_dma2 semaphore(%run_scoped3A_163 : memref<!tpu.dma_semaphore, #tpu.memory_space<semaphore_mem>>) src(%arg9 : memref<128x128xf32, #tpu.memory_space<vmem>>) dst(%dma_wait3A_171 : memref<128x128xf32, #tpu.memory_space<vmem_shared>>)
      tpu.yield
    }) : () -> ()
    %add3A_7 = arith.constant 128 : i32
    %add3A_8 = arith.addi %mul3A_0, %add3A_7 : i32
    "tpu.region"() ({
      %run_scoped3A_163 = tpu.sem_alloc : memref<!tpu.dma_semaphore, #tpu.memory_space<semaphore_mem>>
      %dma_start3A_164 = arith.constant 0 : i32
      %dma_start3A_165 = tpu.memref_slice %arg19[%add3A_8, %dma_start3A_164] : memref<10240x128xf32, #tpu.memory_space<vmem_shared>> -> memref<128x128xf32, #tpu.memory_space<vmem_shared>>
      %dma_start3A_166 = arith.constant 0 : i32
      %dma_start3A_167 = tpu.memref_slice %arg19[%add3A_8, %dma_start3A_166] : memref<10240x128xf32, #tpu.memory_space<vmem_shared>> -> memref<128x128xf32, #tpu.memory_space<vmem_shared>>
      tpu.enqueue_dma source(%arg9 : memref<128x128xf32, #tpu.memory_space<vmem>>) target(%dma_start3A_167 : memref<128x128xf32, #tpu.memory_space<vmem_shared>>) target_semaphore(%run_scoped3A_163 : memref<!tpu.dma_semaphore, #tpu.memory_space<semaphore_mem>>)
      %dma_wait3A_168 = arith.constant 0 : i32
      %dma_wait3A_169 = tpu.memref_slice %arg19[%add3A_8, %dma_wait3A_168] : memref<10240x128xf32, #tpu.memory_space<vmem_shared>> -> memref<128x128xf32, #tpu.memory_space<vmem_shared>>
      %dma_wait3A_170 = arith.constant 0 : i32
      %dma_wait3A_171 = tpu.memref_slice %arg19[%add3A_8, %dma_wait3A_170] : memref<10240x128xf32, #tpu.memory_space<vmem_shared>> -> memref<128x128xf32, #tpu.memory_space<vmem_shared>>
      tpu.wait_dma2 semaphore(%run_scoped3A_163 : memref<!tpu.dma_semaphore, #tpu.memory_space<semaphore_mem>>) src(%arg9 : memref<128x128xf32, #tpu.memory_space<vmem>>) dst(%dma_wait3A_171 : memref<128x128xf32, #tpu.memory_space<vmem_shared>>)
      tpu.yield
    }) : () -> ()
    %add3A_9 = arith.constant 256 : i32
    %add3A_10 = arith.addi %mul3A_0, %add3A_9 : i32
    "tpu.region"() ({
      %run_scoped3A_163 = tpu.sem_alloc : memref<!tpu.dma_semaphore, #tpu.memory_space<semaphore_mem>>
      %dma_start3A_164 = arith.constant 0 : i32
      %dma_start3A_165 = tpu.memref_slice %arg19[%add3A_10, %dma_start3A_164] : memref<10240x128xf32, #tpu.memory_space<vmem_shared>> -> memref<128x128xf32, #tpu.memory_space<vmem_shared>>
      %dma_start3A_166 = arith.constant 0 : i32
      %dma_start3A_167 = tpu.memref_slice %arg19[%add3A_10, %dma_start3A_166] : memref<10240x128xf32, #tpu.memory_space<vmem_shared>> -> memref<128x128xf32, #tpu.memory_space<vmem_shared>>
      tpu.enqueue_dma source(%arg9 : memref<128x128xf32, #tpu.memory_space<vmem>>) target(%dma_start3A_167 : memref<128x128xf32, #tpu.memory_space<vmem_shared>>) target_semaphore(%run_scoped3A_163 : memref<!tpu.dma_semaphore, #tpu.memory_space<semaphore_mem>>)
      %dma_wait3A_168 = arith.constant 0 : i32
      %dma_wait3A_169 = tpu.memref_slice %arg19[%add3A_10, %dma_wait3A_168] : memref<10240x128xf32, #tpu.memory_space<vmem_shared>> -> memref<128x128xf32, #tpu.memory_space<vmem_shared>>
      %dma_wait3A_170 = arith.constant 0 : i32
      %dma_wait3A_171 = tpu.memref_slice %arg19[%add3A_10, %dma_wait3A_170] : memref<10240x128xf32, #tpu.memory_space<vmem_shared>> -> memref<128x128xf32, #tpu.memory_space<vmem_shared>>
      tpu.wait_dma2 semaphore(%run_scoped3A_163 : memref<!tpu.dma_semaphore, #tpu.memory_space<semaphore_mem>>) src(%arg9 : memref<128x128xf32, #tpu.memory_space<vmem>>) dst(%dma_wait3A_171 : memref<128x128xf32, #tpu.memory_space<vmem_shared>>)
      tpu.yield
    }) : () -> ()
    %add3A_11 = arith.constant 384 : i32
    %add3A_12 = arith.addi %mul3A_0, %add3A_11 : i32
    "tpu.region"() ({
      %run_scoped3A_163 = tpu.sem_alloc : memref<!tpu.dma_semaphore, #tpu.memory_space<semaphore_mem>>
      %dma_start3A_164 = arith.constant 0 : i32
      %dma_start3A_165 = tpu.memref_slice %arg19[%add3A_12, %dma_start3A_164] : memref<10240x128xf32, #tpu.memory_space<vmem_shared>> -> memref<128x128xf32, #tpu.memory_space<vmem_shared>>
      %dma_start3A_166 = arith.constant 0 : i32
      %dma_start3A_167 = tpu.memref_slice %arg19[%add3A_12, %dma_start3A_166] : memref<10240x128xf32, #tpu.memory_space<vmem_shared>> -> memref<128x128xf32, #tpu.memory_space<vmem_shared>>
      tpu.enqueue_dma source(%arg9 : memref<128x128xf32, #tpu.memory_space<vmem>>) target(%dma_start3A_167 : memref<128x128xf32, #tpu.memory_space<vmem_shared>>) target_semaphore(%run_scoped3A_163 : memref<!tpu.dma_semaphore, #tpu.memory_space<semaphore_mem>>)
      %dma_wait3A_168 = arith.constant 0 : i32
      %dma_wait3A_169 = tpu.memref_slice %arg19[%add3A_12, %dma_wait3A_168] : memref<10240x128xf32, #tpu.memory_space<vmem_shared>> -> memref<128x128xf32, #tpu.memory_space<vmem_shared>>
      %dma_wait3A_170 = arith.constant 0 : i32
      %dma_wait3A_171 = tpu.memref_slice %arg19[%add3A_12, %dma_wait3A_170] : memref<10240x128xf32, #tpu.memory_space<vmem_shared>> -> memref<128x128xf32, #tpu.memory_space<vmem_shared>>
      tpu.wait_dma2 semaphore(%run_scoped3A_163 : memref<!tpu.dma_semaphore, #tpu.memory_space<semaphore_mem>>) src(%arg9 : memref<128x128xf32, #tpu.memory_space<vmem>>) dst(%dma_wait3A_171 : memref<128x128xf32, #tpu.memory_space<vmem_shared>>)
      tpu.yield
    }) : () -> ()
    %add3A_13 = arith.constant 512 : i32
    %add3A_14 = arith.addi %mul3A_0, %add3A_13 : i32
    "tpu.region"() ({
      %run_scoped3A_163 = tpu.sem_alloc : memref<!tpu.dma_semaphore, #tpu.memory_space<semaphore_mem>>
      %dma_start3A_164 = arith.constant 0 : i32
      %dma_start3A_165 = tpu.memref_slice %arg19[%add3A_14, %dma_start3A_164] : memref<10240x128xf32, #tpu.memory_space<vmem_shared>> -> memref<128x128xf32, #tpu.memory_space<vmem_shared>>
      %dma_start3A_166 = arith.constant 0 : i32
      %dma_start3A_167 = tpu.memref_slice %arg19[%add3A_14, %dma_start3A_166] : memref<10240x128xf32, #tpu.memory_space<vmem_shared>> -> memref<128x128xf32, #tpu.memory_space<vmem_shared>>
      tpu.enqueue_dma source(%arg9 : memref<128x128xf32, #tpu.memory_space<vmem>>) target(%dma_start3A_167 : memref<128x128xf32, #tpu.memory_space<vmem_shared>>) target_semaphore(%run_scoped3A_163 : memref<!tpu.dma_semaphore, #tpu.memory_space<semaphore_mem>>)
      %dma_wait3A_168 = arith.constant 0 : i32
      %dma_wait3A_169 = tpu.memref_slice %arg19[%add3A_14, %dma_wait3A_168] : memref<10240x128xf32, #tpu.memory_space<vmem_shared>> -> memref<128x128xf32, #tpu.memory_space<vmem_shared>>
      %dma_wait3A_170 = arith.constant 0 : i32
      %dma_wait3A_171 = tpu.memref_slice %arg19[%add3A_14, %dma_wait3A_170] : memref<10240x128xf32, #tpu.memory_space<vmem_shared>> -> memref<128x128xf32, #tpu.memory_space<vmem_shared>>
      tpu.wait_dma2 semaphore(%run_scoped3A_163 : memref<!tpu.dma_semaphore, #tpu.memory_space<semaphore_mem>>) src(%arg9 : memref<128x128xf32, #tpu.memory_space<vmem>>) dst(%dma_wait3A_171 : memref<128x128xf32, #tpu.memory_space<vmem_shared>>)
      tpu.yield
    }) : () -> ()
    %barrier3A = arith.constant 0 : index
    tpu.barrier barrier_id(%barrier3A)
    %run_scoped3A = arith.constant 0 : i32
    "tpu.region"() ({
      %run_scoped3A_163 = tpu.sem_alloc : memref<!tpu.dma_semaphore, #tpu.memory_space<semaphore_mem>>
      %dma_start3A_164 = arith.constant 0 : i32
      %dma_start3A_165 = tpu.memref_slice %arg7[%run_scoped3A, %dma_start3A_164] : memref<2x128xi32, #tpu.memory_space<vmem>> -> memref<1x128xi32, #tpu.memory_space<vmem>>
      %dma_start3A_166 = tpu.memref_squeeze %dma_start3A_165 : memref<1x128xi32, #tpu.memory_space<vmem>> -> memref<128xi32, #tpu.memory_space<vmem>>
      %dma_start3A_167 = arith.constant 0 : i32
      %dma_start3A_168 = tpu.memref_slice %arg3[%mul3A_4, %dma_start3A_167] : memref<2560x128xi32, #tpu.memory_space<hbm>> -> memref<1x128xi32, #tpu.memory_space<hbm>>
      %dma_start3A_169 = tpu.memref_squeeze %dma_start3A_168 : memref<1x128xi32, #tpu.memory_space<hbm>> -> memref<128xi32, #tpu.memory_space<hbm>>
      %dma_start3A_170 = arith.constant 0 : i32
      %dma_start3A_171 = tpu.memref_slice %arg7[%run_scoped3A, %dma_start3A_170] : memref<2x128xi32, #tpu.memory_space<vmem>> -> memref<1x128xi32, #tpu.memory_space<vmem>>
      %dma_start3A_172 = tpu.memref_squeeze %dma_start3A_171 : memref<1x128xi32, #tpu.memory_space<vmem>> -> memref<128xi32, #tpu.memory_space<vmem>>
      %dma_start3A_173 = arith.constant 0 : i32
      %dma_start3A_174 = tpu.memref_slice %arg3[%mul3A_4, %dma_start3A_173] : memref<2560x128xi32, #tpu.memory_space<hbm>> -> memref<1x128xi32, #tpu.memory_space<hbm>>
      %dma_start3A_175 = tpu.memref_squeeze %dma_start3A_174 : memref<1x128xi32, #tpu.memory_space<hbm>> -> memref<128xi32, #tpu.memory_space<hbm>>
      tpu.enqueue_dma source(%dma_start3A_175 : memref<128xi32, #tpu.memory_space<hbm>>) target(%dma_start3A_172 : memref<128xi32, #tpu.memory_space<vmem>>) target_semaphore(%run_scoped3A_163 : memref<!tpu.dma_semaphore, #tpu.memory_space<semaphore_mem>>)
      %dma_wait3A_176 = arith.constant 0 : i32
      %dma_wait3A_177 = tpu.memref_slice %arg7[%run_scoped3A, %dma_wait3A_176] : memref<2x128xi32, #tpu.memory_space<vmem>> -> memref<1x128xi32, #tpu.memory_space<vmem>>
      %dma_wait3A_178 = tpu.memref_squeeze %dma_wait3A_177 : memref<1x128xi32, #tpu.memory_space<vmem>> -> memref<128xi32, #tpu.memory_space<vmem>>
      %dma_wait3A_179 = arith.constant 0 : i32
      %dma_wait3A_180 = tpu.memref_slice %arg3[%mul3A_4, %dma_wait3A_179] : memref<2560x128xi32, #tpu.memory_space<hbm>> -> memref<1x128xi32, #tpu.memory_space<hbm>>
      %dma_wait3A_181 = tpu.memref_squeeze %dma_wait3A_180 : memref<1x128xi32, #tpu.memory_space<hbm>> -> memref<128xi32, #tpu.memory_space<hbm>>
      %dma_wait3A_182 = arith.constant 0 : i32
      %dma_wait3A_183 = tpu.memref_slice %arg7[%run_scoped3A, %dma_wait3A_182] : memref<2x128xi32, #tpu.memory_space<vmem>> -> memref<1x128xi32, #tpu.memory_space<vmem>>
      %dma_wait3A_184 = tpu.memref_squeeze %dma_wait3A_183 : memref<1x128xi32, #tpu.memory_space<vmem>> -> memref<128xi32, #tpu.memory_space<vmem>>
      %dma_wait3A_185 = arith.constant 0 : i32
      %dma_wait3A_186 = tpu.memref_slice %arg3[%mul3A_4, %dma_wait3A_185] : memref<2560x128xi32, #tpu.memory_space<hbm>> -> memref<1x128xi32, #tpu.memory_space<hbm>>
      %dma_wait3A_187 = tpu.memref_squeeze %dma_wait3A_186 : memref<1x128xi32, #tpu.memory_space<hbm>> -> memref<128xi32, #tpu.memory_space<hbm>>
      tpu.wait_dma2 semaphore(%run_scoped3A_163 : memref<!tpu.dma_semaphore, #tpu.memory_space<semaphore_mem>>) src(%dma_wait3A_187 : memref<128xi32, #tpu.memory_space<hbm>>) dst(%dma_wait3A_184 : memref<128xi32, #tpu.memory_space<vmem>>)
      tpu.yield
    }) : () -> ()
    %dma_start3A = arith.constant 0 : i32
    %dma_start3A_15 = arith.constant 0 : i32
    %dma_start3A_16 = tpu.memref_slice %arg7[%dma_start3A, %dma_start3A_15] : memref<2x128xi32, #tpu.memory_space<vmem>> -> memref<1x128xi32, #tpu.memory_space<vmem>>
    %dma_start3A_17 = tpu.memref_squeeze %dma_start3A_16 : memref<1x128xi32, #tpu.memory_space<vmem>> -> memref<128xi32, #tpu.memory_space<vmem>>
    %dma_start3A_18 = arith.constant 0 : i32
    %dma_start3A_19 = arith.constant 0 : i32
    %dma_start3A_20 = tpu.memref_slice %arg2[%dma_start3A_18, %dma_start3A_19] : memref<10240x128xf32, #tpu.memory_space<hbm>> -> memref<10240x128xf32, #tpu.memory_space<hbm>>
    tpu.enqueue_indirect_dma source(%dma_start3A_20 : memref<10240x128xf32, #tpu.memory_space<hbm>>) target(%arg9 : memref<128x128xf32, #tpu.memory_space<vmem>>) offsets(%dma_start3A_17 : memref<128xi32, #tpu.memory_space<vmem>>) semaphore(%arg11 : memref<!tpu.dma_semaphore, #tpu.memory_space<semaphore_mem>>)
    %dma_start3A_21 = arith.constant 0 : i32
    %dma_start3A_22 = arith.constant 0 : i32
    %dma_start3A_23 = tpu.memref_slice %arg8[%dma_start3A_21, %dma_start3A_22] : memref<2x128xi32, #tpu.memory_space<vmem>> -> memref<1x128xi32, #tpu.memory_space<vmem>>
    %dma_start3A_24 = tpu.memref_squeeze %dma_start3A_23 : memref<1x128xi32, #tpu.memory_space<vmem>> -> memref<128xi32, #tpu.memory_space<vmem>>
    %dma_start3A_25 = arith.constant 0 : i32
    %dma_start3A_26 = tpu.memref_slice %arg4[%mul3A_4, %dma_start3A_25] : memref<2560x128xi32, #tpu.memory_space<hbm>> -> memref<1x128xi32, #tpu.memory_space<hbm>>
    %dma_start3A_27 = tpu.memref_squeeze %dma_start3A_26 : memref<1x128xi32, #tpu.memory_space<hbm>> -> memref<128xi32, #tpu.memory_space<hbm>>
    %dma_start3A_28 = arith.constant 0 : i32
    %dma_start3A_29 = tpu.memref_slice %arg8[%dma_start3A_21, %dma_start3A_28] : memref<2x128xi32, #tpu.memory_space<vmem>> -> memref<1x128xi32, #tpu.memory_space<vmem>>
    %dma_start3A_30 = tpu.memref_squeeze %dma_start3A_29 : memref<1x128xi32, #tpu.memory_space<vmem>> -> memref<128xi32, #tpu.memory_space<vmem>>
    %dma_start3A_31 = arith.constant 0 : i32
    %dma_start3A_32 = tpu.memref_slice %arg4[%mul3A_4, %dma_start3A_31] : memref<2560x128xi32, #tpu.memory_space<hbm>> -> memref<1x128xi32, #tpu.memory_space<hbm>>
    %dma_start3A_33 = tpu.memref_squeeze %dma_start3A_32 : memref<1x128xi32, #tpu.memory_space<hbm>> -> memref<128xi32, #tpu.memory_space<hbm>>
    tpu.enqueue_dma source(%dma_start3A_33 : memref<128xi32, #tpu.memory_space<hbm>>) target(%dma_start3A_30 : memref<128xi32, #tpu.memory_space<vmem>>) target_semaphore(%arg15 : memref<!tpu.dma_semaphore, #tpu.memory_space<semaphore_mem>>)
    %add3A_34 = arith.constant 1 : i32
    %add3A_35 = arith.addi %mul3A_4, %add3A_34 : i32
    %dma_start3A_36 = arith.constant 1 : i32
    %dma_start3A_37 = arith.constant 0 : i32
    %dma_start3A_38 = tpu.memref_slice %arg7[%dma_start3A_36, %dma_start3A_37] : memref<2x128xi32, #tpu.memory_space<vmem>> -> memref<1x128xi32, #tpu.memory_space<vmem>>
    %dma_start3A_39 = tpu.memref_squeeze %dma_start3A_38 : memref<1x128xi32, #tpu.memory_space<vmem>> -> memref<128xi32, #tpu.memory_space<vmem>>
    %dma_start3A_40 = arith.constant 0 : i32
    %dma_start3A_41 = tpu.memref_slice %arg3[%add3A_35, %dma_start3A_40] : memref<2560x128xi32, #tpu.memory_space<hbm>> -> memref<1x128xi32, #tpu.memory_space<hbm>>
    %dma_start3A_42 = tpu.memref_squeeze %dma_start3A_41 : memref<1x128xi32, #tpu.memory_space<hbm>> -> memref<128xi32, #tpu.memory_space<hbm>>
    %dma_start3A_43 = arith.constant 0 : i32
    %dma_start3A_44 = tpu.memref_slice %arg7[%dma_start3A_36, %dma_start3A_43] : memref<2x128xi32, #tpu.memory_space<vmem>> -> memref<1x128xi32, #tpu.memory_space<vmem>>
    %dma_start3A_45 = tpu.memref_squeeze %dma_start3A_44 : memref<1x128xi32, #tpu.memory_space<vmem>> -> memref<128xi32, #tpu.memory_space<vmem>>
    %dma_start3A_46 = arith.constant 0 : i32
    %dma_start3A_47 = tpu.memref_slice %arg3[%add3A_35, %dma_start3A_46] : memref<2560x128xi32, #tpu.memory_space<hbm>> -> memref<1x128xi32, #tpu.memory_space<hbm>>
    %dma_start3A_48 = tpu.memref_squeeze %dma_start3A_47 : memref<1x128xi32, #tpu.memory_space<hbm>> -> memref<128xi32, #tpu.memory_space<hbm>>
    tpu.enqueue_dma source(%dma_start3A_48 : memref<128xi32, #tpu.memory_space<hbm>>) target(%dma_start3A_45 : memref<128xi32, #tpu.memory_space<vmem>>) target_semaphore(%arg14 : memref<!tpu.dma_semaphore, #tpu.memory_space<semaphore_mem>>)
    %add3A_49 = arith.constant 1 : i32
    %add3A_50 = arith.addi %mul3A_4, %add3A_49 : i32
    %dma_start3A_51 = arith.constant 1 : i32
    %dma_start3A_52 = arith.constant 0 : i32
    %dma_start3A_53 = tpu.memref_slice %arg8[%dma_start3A_51, %dma_start3A_52] : memref<2x128xi32, #tpu.memory_space<vmem>> -> memref<1x128xi32, #tpu.memory_space<vmem>>
    %dma_start3A_54 = tpu.memref_squeeze %dma_start3A_53 : memref<1x128xi32, #tpu.memory_space<vmem>> -> memref<128xi32, #tpu.memory_space<vmem>>
    %dma_start3A_55 = arith.constant 0 : i32
    %dma_start3A_56 = tpu.memref_slice %arg4[%add3A_50, %dma_start3A_55] : memref<2560x128xi32, #tpu.memory_space<hbm>> -> memref<1x128xi32, #tpu.memory_space<hbm>>
    %dma_start3A_57 = tpu.memref_squeeze %dma_start3A_56 : memref<1x128xi32, #tpu.memory_space<hbm>> -> memref<128xi32, #tpu.memory_space<hbm>>
    %dma_start3A_58 = arith.constant 0 : i32
    %dma_start3A_59 = tpu.memref_slice %arg8[%dma_start3A_51, %dma_start3A_58] : memref<2x128xi32, #tpu.memory_space<vmem>> -> memref<1x128xi32, #tpu.memory_space<vmem>>
    %dma_start3A_60 = tpu.memref_squeeze %dma_start3A_59 : memref<1x128xi32, #tpu.memory_space<vmem>> -> memref<128xi32, #tpu.memory_space<vmem>>
    %dma_start3A_61 = arith.constant 0 : i32
    %dma_start3A_62 = tpu.memref_slice %arg4[%add3A_50, %dma_start3A_61] : memref<2560x128xi32, #tpu.memory_space<hbm>> -> memref<1x128xi32, #tpu.memory_space<hbm>>
    %dma_start3A_63 = tpu.memref_squeeze %dma_start3A_62 : memref<1x128xi32, #tpu.memory_space<hbm>> -> memref<128xi32, #tpu.memory_space<hbm>>
    tpu.enqueue_dma source(%dma_start3A_63 : memref<128xi32, #tpu.memory_space<hbm>>) target(%dma_start3A_60 : memref<128xi32, #tpu.memory_space<vmem>>) target_semaphore(%arg16 : memref<!tpu.dma_semaphore, #tpu.memory_space<semaphore_mem>>)
    %scan3A = arith.constant 0 : i32
    %scan3A_64 = arith.constant 0 : i32
    %scan3A_65 = arith.constant 40 : i32
    %scan3A_66 = arith.addi %scan3A_64, %scan3A_65 : i32
    %scan3A_67 = arith.constant 1 : i32
    scf.for %scan3A_163 = %scan3A_64 to %scan3A_66 step %scan3A_67  : i32 {
      %mul3A_164 = arith.constant 2 : i32
      %mul3A_165 = arith.muli %mul3A_164, %scan3A_163 : i32
      %add3A_166 = arith.addi %mul3A_4, %mul3A_165 : i32
      %lt3A = arith.constant 39 : i32
      %lt3A_167 = arith.cmpi slt, %scan3A_163, %lt3A : i32
      %add3A_168 = arith.constant 1 : i32
      %add3A_169 = arith.addi %mul3A_4, %add3A_168 : i32
      %dma_wait3A_170 = arith.constant 1 : i32
      %dma_wait3A_171 = arith.constant 0 : i32
      %dma_wait3A_172 = tpu.memref_slice %arg7[%dma_wait3A_170, %dma_wait3A_171] : memref<2x128xi32, #tpu.memory_space<vmem>> -> memref<1x128xi32, #tpu.memory_space<vmem>>
      %dma_wait3A_173 = tpu.memref_squeeze %dma_wait3A_172 : memref<1x128xi32, #tpu.memory_space<vmem>> -> memref<128xi32, #tpu.memory_space<vmem>>
      %dma_wait3A_174 = arith.constant 0 : i32
      %dma_wait3A_175 = tpu.memref_slice %arg3[%add3A_169, %dma_wait3A_174] : memref<2560x128xi32, #tpu.memory_space<hbm>> -> memref<1x128xi32, #tpu.memory_space<hbm>>
      %dma_wait3A_176 = tpu.memref_squeeze %dma_wait3A_175 : memref<1x128xi32, #tpu.memory_space<hbm>> -> memref<128xi32, #tpu.memory_space<hbm>>
      %dma_wait3A_177 = arith.constant 0 : i32
      %dma_wait3A_178 = tpu.memref_slice %arg7[%dma_wait3A_170, %dma_wait3A_177] : memref<2x128xi32, #tpu.memory_space<vmem>> -> memref<1x128xi32, #tpu.memory_space<vmem>>
      %dma_wait3A_179 = tpu.memref_squeeze %dma_wait3A_178 : memref<1x128xi32, #tpu.memory_space<vmem>> -> memref<128xi32, #tpu.memory_space<vmem>>
      %dma_wait3A_180 = arith.constant 0 : i32
      %dma_wait3A_181 = tpu.memref_slice %arg3[%add3A_169, %dma_wait3A_180] : memref<2560x128xi32, #tpu.memory_space<hbm>> -> memref<1x128xi32, #tpu.memory_space<hbm>>
      %dma_wait3A_182 = tpu.memref_squeeze %dma_wait3A_181 : memref<1x128xi32, #tpu.memory_space<hbm>> -> memref<128xi32, #tpu.memory_space<hbm>>
      tpu.wait_dma2 semaphore(%arg14 : memref<!tpu.dma_semaphore, #tpu.memory_space<semaphore_mem>>) src(%dma_wait3A_182 : memref<128xi32, #tpu.memory_space<hbm>>) dst(%dma_wait3A_179 : memref<128xi32, #tpu.memory_space<vmem>>)
      %gt3A = arith.constant 0 : i32
      %gt3A_183 = arith.cmpi sgt, %scan3A_163, %gt3A : i32
      %convert_element_type3A = arith.extui %gt3A_183 : i1 to i32
      %cond3A = arith.constant 0 : i32
      %cond3A_184 = arith.cmpi ne, %convert_element_type3A, %cond3A : i32
      scf.if %cond3A_184 {
        %dma_wait3A_257 = arith.constant 1 : i32
        %dma_wait3A_258 = arith.constant 0 : i32
        %dma_wait3A_259 = tpu.memref_slice %arg8[%dma_wait3A_257, %dma_wait3A_258] : memref<2x128xi32, #tpu.memory_space<vmem>> -> memref<1x128xi32, #tpu.memory_space<vmem>>
        %dma_wait3A_260 = tpu.memref_squeeze %dma_wait3A_259 : memref<1x128xi32, #tpu.memory_space<vmem>> -> memref<128xi32, #tpu.memory_space<vmem>>
        %dma_wait3A_261 = arith.constant 0 : i32
        %dma_wait3A_262 = arith.constant 0 : i32
        %dma_wait3A_263 = tpu.memref_slice %arg19[%dma_wait3A_261, %dma_wait3A_262] : memref<10240x128xf32, #tpu.memory_space<vmem_shared>> -> memref<10240x128xf32, #tpu.memory_space<vmem_shared>>
        tpu.wait_indirect_dma semaphore(%arg18 : memref<!tpu.dma_semaphore, #tpu.memory_space<semaphore_mem>>) src(%arg10 : memref<128x128xf32, #tpu.memory_space<vmem>>) dst(%dma_wait3A_263 : memref<10240x128xf32, #tpu.memory_space<vmem_shared>>)
        %add3A_264 = arith.constant 1 : i32
        %add3A_265 = arith.addi %add3A_166, %add3A_264 : i32
        %dma_start3A_266 = arith.constant 1 : i32
        %dma_start3A_267 = arith.constant 0 : i32
        %dma_start3A_268 = tpu.memref_slice %arg8[%dma_start3A_266, %dma_start3A_267] : memref<2x128xi32, #tpu.memory_space<vmem>> -> memref<1x128xi32, #tpu.memory_space<vmem>>
        %dma_start3A_269 = tpu.memref_squeeze %dma_start3A_268 : memref<1x128xi32, #tpu.memory_space<vmem>> -> memref<128xi32, #tpu.memory_space<vmem>>
        %dma_start3A_270 = arith.constant 0 : i32
        %dma_start3A_271 = tpu.memref_slice %arg4[%add3A_265, %dma_start3A_270] : memref<2560x128xi32, #tpu.memory_space<hbm>> -> memref<1x128xi32, #tpu.memory_space<hbm>>
        %dma_start3A_272 = tpu.memref_squeeze %dma_start3A_271 : memref<1x128xi32, #tpu.memory_space<hbm>> -> memref<128xi32, #tpu.memory_space<hbm>>
        %dma_start3A_273 = arith.constant 0 : i32
        %dma_start3A_274 = tpu.memref_slice %arg8[%dma_start3A_266, %dma_start3A_273] : memref<2x128xi32, #tpu.memory_space<vmem>> -> memref<1x128xi32, #tpu.memory_space<vmem>>
        %dma_start3A_275 = tpu.memref_squeeze %dma_start3A_274 : memref<1x128xi32, #tpu.memory_space<vmem>> -> memref<128xi32, #tpu.memory_space<vmem>>
        %dma_start3A_276 = arith.constant 0 : i32
        %dma_start3A_277 = tpu.memref_slice %arg4[%add3A_265, %dma_start3A_276] : memref<2560x128xi32, #tpu.memory_space<hbm>> -> memref<1x128xi32, #tpu.memory_space<hbm>>
        %dma_start3A_278 = tpu.memref_squeeze %dma_start3A_277 : memref<1x128xi32, #tpu.memory_space<hbm>> -> memref<128xi32, #tpu.memory_space<hbm>>
        tpu.enqueue_dma source(%dma_start3A_278 : memref<128xi32, #tpu.memory_space<hbm>>) target(%dma_start3A_275 : memref<128xi32, #tpu.memory_space<vmem>>) target_semaphore(%arg16 : memref<!tpu.dma_semaphore, #tpu.memory_space<semaphore_mem>>)
      } else {
      }
      %dma_start3A_185 = arith.constant 1 : i32
      %dma_start3A_186 = arith.constant 0 : i32
      %dma_start3A_187 = tpu.memref_slice %arg7[%dma_start3A_185, %dma_start3A_186] : memref<2x128xi32, #tpu.memory_space<vmem>> -> memref<1x128xi32, #tpu.memory_space<vmem>>
      %dma_start3A_188 = tpu.memref_squeeze %dma_start3A_187 : memref<1x128xi32, #tpu.memory_space<vmem>> -> memref<128xi32, #tpu.memory_space<vmem>>
      %dma_start3A_189 = arith.constant 0 : i32
      %dma_start3A_190 = arith.constant 0 : i32
      %dma_start3A_191 = tpu.memref_slice %arg2[%dma_start3A_189, %dma_start3A_190] : memref<10240x128xf32, #tpu.memory_space<hbm>> -> memref<10240x128xf32, #tpu.memory_space<hbm>>
      tpu.enqueue_indirect_dma source(%dma_start3A_191 : memref<10240x128xf32, #tpu.memory_space<hbm>>) target(%arg10 : memref<128x128xf32, #tpu.memory_space<vmem>>) offsets(%dma_start3A_188 : memref<128xi32, #tpu.memory_space<vmem>>) semaphore(%arg12 : memref<!tpu.dma_semaphore, #tpu.memory_space<semaphore_mem>>)
      %dma_wait3A_192 = arith.constant 0 : i32
      %dma_wait3A_193 = arith.constant 0 : i32
      %dma_wait3A_194 = tpu.memref_slice %arg7[%dma_wait3A_192, %dma_wait3A_193] : memref<2x128xi32, #tpu.memory_space<vmem>> -> memref<1x128xi32, #tpu.memory_space<vmem>>
      %dma_wait3A_195 = tpu.memref_squeeze %dma_wait3A_194 : memref<1x128xi32, #tpu.memory_space<vmem>> -> memref<128xi32, #tpu.memory_space<vmem>>
      %dma_wait3A_196 = arith.constant 0 : i32
      %dma_wait3A_197 = arith.constant 0 : i32
      %dma_wait3A_198 = tpu.memref_slice %arg2[%dma_wait3A_196, %dma_wait3A_197] : memref<10240x128xf32, #tpu.memory_space<hbm>> -> memref<10240x128xf32, #tpu.memory_space<hbm>>
      tpu.wait_indirect_dma semaphore(%arg11 : memref<!tpu.dma_semaphore, #tpu.memory_space<semaphore_mem>>) src(%dma_wait3A_198 : memref<10240x128xf32, #tpu.memory_space<hbm>>) dst(%arg9 : memref<128x128xf32, #tpu.memory_space<vmem>>)
      %convert_element_type3A_199 = arith.extui %lt3A_167 : i1 to i32
      %cond3A_200 = arith.constant 0 : i32
      %cond3A_201 = arith.cmpi ne, %convert_element_type3A_199, %cond3A_200 : i32
      scf.if %cond3A_201 {
        %add3A_257 = arith.constant 2 : i32
        %add3A_258 = arith.addi %add3A_166, %add3A_257 : i32
        %dma_start3A_259 = arith.constant 0 : i32
        %dma_start3A_260 = arith.constant 0 : i32
        %dma_start3A_261 = tpu.memref_slice %arg7[%dma_start3A_259, %dma_start3A_260] : memref<2x128xi32, #tpu.memory_space<vmem>> -> memref<1x128xi32, #tpu.memory_space<vmem>>
        %dma_start3A_262 = tpu.memref_squeeze %dma_start3A_261 : memref<1x128xi32, #tpu.memory_space<vmem>> -> memref<128xi32, #tpu.memory_space<vmem>>
        %dma_start3A_263 = arith.constant 0 : i32
        %dma_start3A_264 = tpu.memref_slice %arg3[%add3A_258, %dma_start3A_263] : memref<2560x128xi32, #tpu.memory_space<hbm>> -> memref<1x128xi32, #tpu.memory_space<hbm>>
        %dma_start3A_265 = tpu.memref_squeeze %dma_start3A_264 : memref<1x128xi32, #tpu.memory_space<hbm>> -> memref<128xi32, #tpu.memory_space<hbm>>
        %dma_start3A_266 = arith.constant 0 : i32
        %dma_start3A_267 = tpu.memref_slice %arg7[%dma_start3A_259, %dma_start3A_266] : memref<2x128xi32, #tpu.memory_space<vmem>> -> memref<1x128xi32, #tpu.memory_space<vmem>>
        %dma_start3A_268 = tpu.memref_squeeze %dma_start3A_267 : memref<1x128xi32, #tpu.memory_space<vmem>> -> memref<128xi32, #tpu.memory_space<vmem>>
        %dma_start3A_269 = arith.constant 0 : i32
        %dma_start3A_270 = tpu.memref_slice %arg3[%add3A_258, %dma_start3A_269] : memref<2560x128xi32, #tpu.memory_space<hbm>> -> memref<1x128xi32, #tpu.memory_space<hbm>>
        %dma_start3A_271 = tpu.memref_squeeze %dma_start3A_270 : memref<1x128xi32, #tpu.memory_space<hbm>> -> memref<128xi32, #tpu.memory_space<hbm>>
        tpu.enqueue_dma source(%dma_start3A_271 : memref<128xi32, #tpu.memory_space<hbm>>) target(%dma_start3A_268 : memref<128xi32, #tpu.memory_space<vmem>>) target_semaphore(%arg13 : memref<!tpu.dma_semaphore, #tpu.memory_space<semaphore_mem>>)
      } else {
      }
      %dma_wait3A_202 = arith.constant 0 : i32
      %dma_wait3A_203 = arith.constant 0 : i32
      %dma_wait3A_204 = tpu.memref_slice %arg8[%dma_wait3A_202, %dma_wait3A_203] : memref<2x128xi32, #tpu.memory_space<vmem>> -> memref<1x128xi32, #tpu.memory_space<vmem>>
      %dma_wait3A_205 = tpu.memref_squeeze %dma_wait3A_204 : memref<1x128xi32, #tpu.memory_space<vmem>> -> memref<128xi32, #tpu.memory_space<vmem>>
      %dma_wait3A_206 = arith.constant 0 : i32
      %dma_wait3A_207 = tpu.memref_slice %arg4[%mul3A_4, %dma_wait3A_206] : memref<2560x128xi32, #tpu.memory_space<hbm>> -> memref<1x128xi32, #tpu.memory_space<hbm>>
      %dma_wait3A_208 = tpu.memref_squeeze %dma_wait3A_207 : memref<1x128xi32, #tpu.memory_space<hbm>> -> memref<128xi32, #tpu.memory_space<hbm>>
      %dma_wait3A_209 = arith.constant 0 : i32
      %dma_wait3A_210 = tpu.memref_slice %arg8[%dma_wait3A_202, %dma_wait3A_209] : memref<2x128xi32, #tpu.memory_space<vmem>> -> memref<1x128xi32, #tpu.memory_space<vmem>>
      %dma_wait3A_211 = tpu.memref_squeeze %dma_wait3A_210 : memref<1x128xi32, #tpu.memory_space<vmem>> -> memref<128xi32, #tpu.memory_space<vmem>>
      %dma_wait3A_212 = arith.constant 0 : i32
      %dma_wait3A_213 = tpu.memref_slice %arg4[%mul3A_4, %dma_wait3A_212] : memref<2560x128xi32, #tpu.memory_space<hbm>> -> memref<1x128xi32, #tpu.memory_space<hbm>>
      %dma_wait3A_214 = tpu.memref_squeeze %dma_wait3A_213 : memref<1x128xi32, #tpu.memory_space<hbm>> -> memref<128xi32, #tpu.memory_space<hbm>>
      tpu.wait_dma2 semaphore(%arg15 : memref<!tpu.dma_semaphore, #tpu.memory_space<semaphore_mem>>) src(%dma_wait3A_214 : memref<128xi32, #tpu.memory_space<hbm>>) dst(%dma_wait3A_211 : memref<128xi32, #tpu.memory_space<vmem>>)
      %dma_start3A_215 = arith.constant 0 : i32
      %dma_start3A_216 = arith.constant 0 : i32
      %dma_start3A_217 = tpu.memref_slice %arg8[%dma_start3A_215, %dma_start3A_216] : memref<2x128xi32, #tpu.memory_space<vmem>> -> memref<1x128xi32, #tpu.memory_space<vmem>>
      %dma_start3A_218 = tpu.memref_squeeze %dma_start3A_217 : memref<1x128xi32, #tpu.memory_space<vmem>> -> memref<128xi32, #tpu.memory_space<vmem>>
      %dma_start3A_219 = arith.constant 0 : i32
      %dma_start3A_220 = arith.constant 0 : i32
      %dma_start3A_221 = tpu.memref_slice %arg19[%dma_start3A_219, %dma_start3A_220] : memref<10240x128xf32, #tpu.memory_space<vmem_shared>> -> memref<10240x128xf32, #tpu.memory_space<vmem_shared>>
      tpu.enqueue_indirect_dma source(%arg9 : memref<128x128xf32, #tpu.memory_space<vmem>>) target(%dma_start3A_221 : memref<10240x128xf32, #tpu.memory_space<vmem_shared>>) offsets(%dma_start3A_218 : memref<128xi32, #tpu.memory_space<vmem>>) semaphore(%arg17 : memref<!tpu.dma_semaphore, #tpu.memory_space<semaphore_mem>>) {add = true}
      %convert_element_type3A_222 = arith.extui %lt3A_167 : i1 to i32
      %cond3A_223 = arith.constant 0 : i32
      %cond3A_224 = arith.cmpi ne, %convert_element_type3A_222, %cond3A_223 : i32
      scf.if %cond3A_224 {
        %dma_wait3A_257 = arith.constant 0 : i32
        %dma_wait3A_258 = arith.constant 0 : i32
        %dma_wait3A_259 = tpu.memref_slice %arg8[%dma_wait3A_257, %dma_wait3A_258] : memref<2x128xi32, #tpu.memory_space<vmem>> -> memref<1x128xi32, #tpu.memory_space<vmem>>
        %dma_wait3A_260 = tpu.memref_squeeze %dma_wait3A_259 : memref<1x128xi32, #tpu.memory_space<vmem>> -> memref<128xi32, #tpu.memory_space<vmem>>
        %dma_wait3A_261 = arith.constant 0 : i32
        %dma_wait3A_262 = arith.constant 0 : i32
        %dma_wait3A_263 = tpu.memref_slice %arg19[%dma_wait3A_261, %dma_wait3A_262] : memref<10240x128xf32, #tpu.memory_space<vmem_shared>> -> memref<10240x128xf32, #tpu.memory_space<vmem_shared>>
        tpu.wait_indirect_dma semaphore(%arg17 : memref<!tpu.dma_semaphore, #tpu.memory_space<semaphore_mem>>) src(%arg9 : memref<128x128xf32, #tpu.memory_space<vmem>>) dst(%dma_wait3A_263 : memref<10240x128xf32, #tpu.memory_space<vmem_shared>>)
        %add3A_264 = arith.constant 2 : i32
        %add3A_265 = arith.addi %add3A_166, %add3A_264 : i32
        %dma_start3A_266 = arith.constant 0 : i32
        %dma_start3A_267 = arith.constant 0 : i32
        %dma_start3A_268 = tpu.memref_slice %arg8[%dma_start3A_266, %dma_start3A_267] : memref<2x128xi32, #tpu.memory_space<vmem>> -> memref<1x128xi32, #tpu.memory_space<vmem>>
        %dma_start3A_269 = tpu.memref_squeeze %dma_start3A_268 : memref<1x128xi32, #tpu.memory_space<vmem>> -> memref<128xi32, #tpu.memory_space<vmem>>
        %dma_start3A_270 = arith.constant 0 : i32
        %dma_start3A_271 = tpu.memref_slice %arg4[%add3A_265, %dma_start3A_270] : memref<2560x128xi32, #tpu.memory_space<hbm>> -> memref<1x128xi32, #tpu.memory_space<hbm>>
        %dma_start3A_272 = tpu.memref_squeeze %dma_start3A_271 : memref<1x128xi32, #tpu.memory_space<hbm>> -> memref<128xi32, #tpu.memory_space<hbm>>
        %dma_start3A_273 = arith.constant 0 : i32
        %dma_start3A_274 = tpu.memref_slice %arg8[%dma_start3A_266, %dma_start3A_273] : memref<2x128xi32, #tpu.memory_space<vmem>> -> memref<1x128xi32, #tpu.memory_space<vmem>>
        %dma_start3A_275 = tpu.memref_squeeze %dma_start3A_274 : memref<1x128xi32, #tpu.memory_space<vmem>> -> memref<128xi32, #tpu.memory_space<vmem>>
        %dma_start3A_276 = arith.constant 0 : i32
        %dma_start3A_277 = tpu.memref_slice %arg4[%add3A_265, %dma_start3A_276] : memref<2560x128xi32, #tpu.memory_space<hbm>> -> memref<1x128xi32, #tpu.memory_space<hbm>>
        %dma_start3A_278 = tpu.memref_squeeze %dma_start3A_277 : memref<1x128xi32, #tpu.memory_space<hbm>> -> memref<128xi32, #tpu.memory_space<hbm>>
        tpu.enqueue_dma source(%dma_start3A_278 : memref<128xi32, #tpu.memory_space<hbm>>) target(%dma_start3A_275 : memref<128xi32, #tpu.memory_space<vmem>>) target_semaphore(%arg15 : memref<!tpu.dma_semaphore, #tpu.memory_space<semaphore_mem>>)
        %add3A_279 = arith.constant 2 : i32
        %add3A_280 = arith.addi %add3A_166, %add3A_279 : i32
        %dma_wait3A_281 = arith.constant 0 : i32
        %dma_wait3A_282 = arith.constant 0 : i32
        %dma_wait3A_283 = tpu.memref_slice %arg7[%dma_wait3A_281, %dma_wait3A_282] : memref<2x128xi32, #tpu.memory_space<vmem>> -> memref<1x128xi32, #tpu.memory_space<vmem>>
        %dma_wait3A_284 = tpu.memref_squeeze %dma_wait3A_283 : memref<1x128xi32, #tpu.memory_space<vmem>> -> memref<128xi32, #tpu.memory_space<vmem>>
        %dma_wait3A_285 = arith.constant 0 : i32
        %dma_wait3A_286 = tpu.memref_slice %arg3[%add3A_280, %dma_wait3A_285] : memref<2560x128xi32, #tpu.memory_space<hbm>> -> memref<1x128xi32, #tpu.memory_space<hbm>>
        %dma_wait3A_287 = tpu.memref_squeeze %dma_wait3A_286 : memref<1x128xi32, #tpu.memory_space<hbm>> -> memref<128xi32, #tpu.memory_space<hbm>>
        %dma_wait3A_288 = arith.constant 0 : i32
        %dma_wait3A_289 = tpu.memref_slice %arg7[%dma_wait3A_281, %dma_wait3A_288] : memref<2x128xi32, #tpu.memory_space<vmem>> -> memref<1x128xi32, #tpu.memory_space<vmem>>
        %dma_wait3A_290 = tpu.memref_squeeze %dma_wait3A_289 : memref<1x128xi32, #tpu.memory_space<vmem>> -> memref<128xi32, #tpu.memory_space<vmem>>
        %dma_wait3A_291 = arith.constant 0 : i32
        %dma_wait3A_292 = tpu.memref_slice %arg3[%add3A_280, %dma_wait3A_291] : memref<2560x128xi32, #tpu.memory_space<hbm>> -> memref<1x128xi32, #tpu.memory_space<hbm>>
        %dma_wait3A_293 = tpu.memref_squeeze %dma_wait3A_292 : memref<1x128xi32, #tpu.memory_space<hbm>> -> memref<128xi32, #tpu.memory_space<hbm>>
        tpu.wait_dma2 semaphore(%arg13 : memref<!tpu.dma_semaphore, #tpu.memory_space<semaphore_mem>>) src(%dma_wait3A_293 : memref<128xi32, #tpu.memory_space<hbm>>) dst(%dma_wait3A_290 : memref<128xi32, #tpu.memory_space<vmem>>)
        %dma_start3A_294 = arith.constant 0 : i32
        %dma_start3A_295 = arith.constant 0 : i32
        %dma_start3A_296 = tpu.memref_slice %arg7[%dma_start3A_294, %dma_start3A_295] : memref<2x128xi32, #tpu.memory_space<vmem>> -> memref<1x128xi32, #tpu.memory_space<vmem>>
        %dma_start3A_297 = tpu.memref_squeeze %dma_start3A_296 : memref<1x128xi32, #tpu.memory_space<vmem>> -> memref<128xi32, #tpu.memory_space<vmem>>
        %dma_start3A_298 = arith.constant 0 : i32
        %dma_start3A_299 = arith.constant 0 : i32
        %dma_start3A_300 = tpu.memref_slice %arg2[%dma_start3A_298, %dma_start3A_299] : memref<10240x128xf32, #tpu.memory_space<hbm>> -> memref<10240x128xf32, #tpu.memory_space<hbm>>
        tpu.enqueue_indirect_dma source(%dma_start3A_300 : memref<10240x128xf32, #tpu.memory_space<hbm>>) target(%arg9 : memref<128x128xf32, #tpu.memory_space<vmem>>) offsets(%dma_start3A_297 : memref<128xi32, #tpu.memory_space<vmem>>) semaphore(%arg11 : memref<!tpu.dma_semaphore, #tpu.memory_space<semaphore_mem>>)
      } else {
      }
      %dma_wait3A_225 = arith.constant 1 : i32
      %dma_wait3A_226 = arith.constant 0 : i32
      %dma_wait3A_227 = tpu.memref_slice %arg7[%dma_wait3A_225, %dma_wait3A_226] : memref<2x128xi32, #tpu.memory_space<vmem>> -> memref<1x128xi32, #tpu.memory_space<vmem>>
      %dma_wait3A_228 = tpu.memref_squeeze %dma_wait3A_227 : memref<1x128xi32, #tpu.memory_space<vmem>> -> memref<128xi32, #tpu.memory_space<vmem>>
      %dma_wait3A_229 = arith.constant 0 : i32
      %dma_wait3A_230 = arith.constant 0 : i32
      %dma_wait3A_231 = tpu.memref_slice %arg2[%dma_wait3A_229, %dma_wait3A_230] : memref<10240x128xf32, #tpu.memory_space<hbm>> -> memref<10240x128xf32, #tpu.memory_space<hbm>>
      tpu.wait_indirect_dma semaphore(%arg12 : memref<!tpu.dma_semaphore, #tpu.memory_space<semaphore_mem>>) src(%dma_wait3A_231 : memref<10240x128xf32, #tpu.memory_space<hbm>>) dst(%arg10 : memref<128x128xf32, #tpu.memory_space<vmem>>)
      %add3A_232 = arith.constant 1 : i32
      %add3A_233 = arith.addi %mul3A_4, %add3A_232 : i32
      %dma_wait3A_234 = arith.constant 1 : i32
      %dma_wait3A_235 = arith.constant 0 : i32
      %dma_wait3A_236 = tpu.memref_slice %arg8[%dma_wait3A_234, %dma_wait3A_235] : memref<2x128xi32, #tpu.memory_space<vmem>> -> memref<1x128xi32, #tpu.memory_space<vmem>>
      %dma_wait3A_237 = tpu.memref_squeeze %dma_wait3A_236 : memref<1x128xi32, #tpu.memory_space<vmem>> -> memref<128xi32, #tpu.memory_space<vmem>>
      %dma_wait3A_238 = arith.constant 0 : i32
      %dma_wait3A_239 = tpu.memref_slice %arg4[%add3A_233, %dma_wait3A_238] : memref<2560x128xi32, #tpu.memory_space<hbm>> -> memref<1x128xi32, #tpu.memory_space<hbm>>
      %dma_wait3A_240 = tpu.memref_squeeze %dma_wait3A_239 : memref<1x128xi32, #tpu.memory_space<hbm>> -> memref<128xi32, #tpu.memory_space<hbm>>
      %dma_wait3A_241 = arith.constant 0 : i32
      %dma_wait3A_242 = tpu.memref_slice %arg8[%dma_wait3A_234, %dma_wait3A_241] : memref<2x128xi32, #tpu.memory_space<vmem>> -> memref<1x128xi32, #tpu.memory_space<vmem>>
      %dma_wait3A_243 = tpu.memref_squeeze %dma_wait3A_242 : memref<1x128xi32, #tpu.memory_space<vmem>> -> memref<128xi32, #tpu.memory_space<vmem>>
      %dma_wait3A_244 = arith.constant 0 : i32
      %dma_wait3A_245 = tpu.memref_slice %arg4[%add3A_233, %dma_wait3A_244] : memref<2560x128xi32, #tpu.memory_space<hbm>> -> memref<1x128xi32, #tpu.memory_space<hbm>>
      %dma_wait3A_246 = tpu.memref_squeeze %dma_wait3A_245 : memref<1x128xi32, #tpu.memory_space<hbm>> -> memref<128xi32, #tpu.memory_space<hbm>>
      tpu.wait_dma2 semaphore(%arg16 : memref<!tpu.dma_semaphore, #tpu.memory_space<semaphore_mem>>) src(%dma_wait3A_246 : memref<128xi32, #tpu.memory_space<hbm>>) dst(%dma_wait3A_243 : memref<128xi32, #tpu.memory_space<vmem>>)
      %dma_start3A_247 = arith.constant 1 : i32
      %dma_start3A_248 = arith.constant 0 : i32
      %dma_start3A_249 = tpu.memref_slice %arg8[%dma_start3A_247, %dma_start3A_248] : memref<2x128xi32, #tpu.memory_space<vmem>> -> memref<1x128xi32, #tpu.memory_space<vmem>>
      %dma_start3A_250 = tpu.memref_squeeze %dma_start3A_249 : memref<1x128xi32, #tpu.memory_space<vmem>> -> memref<128xi32, #tpu.memory_space<vmem>>
      %dma_start3A_251 = arith.constant 0 : i32
      %dma_start3A_252 = arith.constant 0 : i32
      %dma_start3A_253 = tpu.memref_slice %arg19[%dma_start3A_251, %dma_start3A_252] : memref<10240x128xf32, #tpu.memory_space<vmem_shared>> -> memref<10240x128xf32, #tpu.memory_space<vmem_shared>>
      tpu.enqueue_indirect_dma source(%arg10 : memref<128x128xf32, #tpu.memory_space<vmem>>) target(%dma_start3A_253 : memref<10240x128xf32, #tpu.memory_space<vmem_shared>>) offsets(%dma_start3A_250 : memref<128xi32, #tpu.memory_space<vmem>>) semaphore(%arg18 : memref<!tpu.dma_semaphore, #tpu.memory_space<semaphore_mem>>) {add = true}
      %convert_element_type3A_254 = arith.extui %lt3A_167 : i1 to i32
      %cond3A_255 = arith.constant 0 : i32
      %cond3A_256 = arith.cmpi ne, %convert_element_type3A_254, %cond3A_255 : i32
      scf.if %cond3A_256 {
        %add3A_257 = arith.constant 3 : i32
        %add3A_258 = arith.addi %add3A_166, %add3A_257 : i32
        %dma_start3A_259 = arith.constant 1 : i32
        %dma_start3A_260 = arith.constant 0 : i32
        %dma_start3A_261 = tpu.memref_slice %arg7[%dma_start3A_259, %dma_start3A_260] : memref<2x128xi32, #tpu.memory_space<vmem>> -> memref<1x128xi32, #tpu.memory_space<vmem>>
        %dma_start3A_262 = tpu.memref_squeeze %dma_start3A_261 : memref<1x128xi32, #tpu.memory_space<vmem>> -> memref<128xi32, #tpu.memory_space<vmem>>
        %dma_start3A_263 = arith.constant 0 : i32
        %dma_start3A_264 = tpu.memref_slice %arg3[%add3A_258, %dma_start3A_263] : memref<2560x128xi32, #tpu.memory_space<hbm>> -> memref<1x128xi32, #tpu.memory_space<hbm>>
        %dma_start3A_265 = tpu.memref_squeeze %dma_start3A_264 : memref<1x128xi32, #tpu.memory_space<hbm>> -> memref<128xi32, #tpu.memory_space<hbm>>
        %dma_start3A_266 = arith.constant 0 : i32
        %dma_start3A_267 = tpu.memref_slice %arg7[%dma_start3A_259, %dma_start3A_266] : memref<2x128xi32, #tpu.memory_space<vmem>> -> memref<1x128xi32, #tpu.memory_space<vmem>>
        %dma_start3A_268 = tpu.memref_squeeze %dma_start3A_267 : memref<1x128xi32, #tpu.memory_space<vmem>> -> memref<128xi32, #tpu.memory_space<vmem>>
        %dma_start3A_269 = arith.constant 0 : i32
        %dma_start3A_270 = tpu.memref_slice %arg3[%add3A_258, %dma_start3A_269] : memref<2560x128xi32, #tpu.memory_space<hbm>> -> memref<1x128xi32, #tpu.memory_space<hbm>>
        %dma_start3A_271 = tpu.memref_squeeze %dma_start3A_270 : memref<1x128xi32, #tpu.memory_space<hbm>> -> memref<128xi32, #tpu.memory_space<hbm>>
        tpu.enqueue_dma source(%dma_start3A_271 : memref<128xi32, #tpu.memory_space<hbm>>) target(%dma_start3A_268 : memref<128xi32, #tpu.memory_space<vmem>>) target_semaphore(%arg14 : memref<!tpu.dma_semaphore, #tpu.memory_space<semaphore_mem>>)
      } else {
      }
    }
    %scan3A_68 = arith.constant 40 : i32
    %dma_wait3A = arith.constant 0 : i32
    %dma_wait3A_69 = arith.constant 0 : i32
    %dma_wait3A_70 = tpu.memref_slice %arg8[%dma_wait3A, %dma_wait3A_69] : memref<2x128xi32, #tpu.memory_space<vmem>> -> memref<1x128xi32, #tpu.memory_space<vmem>>
    %dma_wait3A_71 = tpu.memref_squeeze %dma_wait3A_70 : memref<1x128xi32, #tpu.memory_space<vmem>> -> memref<128xi32, #tpu.memory_space<vmem>>
    %dma_wait3A_72 = arith.constant 0 : i32
    %dma_wait3A_73 = arith.constant 0 : i32
    %dma_wait3A_74 = tpu.memref_slice %arg19[%dma_wait3A_72, %dma_wait3A_73] : memref<10240x128xf32, #tpu.memory_space<vmem_shared>> -> memref<10240x128xf32, #tpu.memory_space<vmem_shared>>
    tpu.wait_indirect_dma semaphore(%arg17 : memref<!tpu.dma_semaphore, #tpu.memory_space<semaphore_mem>>) src(%arg9 : memref<128x128xf32, #tpu.memory_space<vmem>>) dst(%dma_wait3A_74 : memref<10240x128xf32, #tpu.memory_space<vmem_shared>>)
    %dma_wait3A_75 = arith.constant 1 : i32
    %dma_wait3A_76 = arith.constant 0 : i32
    %dma_wait3A_77 = tpu.memref_slice %arg8[%dma_wait3A_75, %dma_wait3A_76] : memref<2x128xi32, #tpu.memory_space<vmem>> -> memref<1x128xi32, #tpu.memory_space<vmem>>
    %dma_wait3A_78 = tpu.memref_squeeze %dma_wait3A_77 : memref<1x128xi32, #tpu.memory_space<vmem>> -> memref<128xi32, #tpu.memory_space<vmem>>
    %dma_wait3A_79 = arith.constant 0 : i32
    %dma_wait3A_80 = arith.constant 0 : i32
    %dma_wait3A_81 = tpu.memref_slice %arg19[%dma_wait3A_79, %dma_wait3A_80] : memref<10240x128xf32, #tpu.memory_space<vmem_shared>> -> memref<10240x128xf32, #tpu.memory_space<vmem_shared>>
    tpu.wait_indirect_dma semaphore(%arg18 : memref<!tpu.dma_semaphore, #tpu.memory_space<semaphore_mem>>) src(%arg10 : memref<128x128xf32, #tpu.memory_space<vmem>>) dst(%dma_wait3A_81 : memref<10240x128xf32, #tpu.memory_space<vmem_shared>>)
    %barrier3A_82 = arith.constant 0 : index
    tpu.barrier barrier_id(%barrier3A_82)
    %add3A_83 = arith.constant 0 : i32
    %add3A_84 = arith.addi %mul3A_0, %add3A_83 : i32
    "tpu.region"() ({
      %run_scoped3A_163 = tpu.sem_alloc : memref<!tpu.dma_semaphore, #tpu.memory_space<semaphore_mem>>
      %dma_start3A_164 = arith.constant 0 : i32
      %dma_start3A_165 = tpu.memref_slice %arg19[%add3A_84, %dma_start3A_164] : memref<10240x128xf32, #tpu.memory_space<vmem_shared>> -> memref<128x128xf32, #tpu.memory_space<vmem_shared>>
      %dma_start3A_166 = arith.constant 0 : i32
      %dma_start3A_167 = tpu.memref_slice %arg19[%add3A_84, %dma_start3A_166] : memref<10240x128xf32, #tpu.memory_space<vmem_shared>> -> memref<128x128xf32, #tpu.memory_space<vmem_shared>>
      tpu.enqueue_dma source(%dma_start3A_167 : memref<128x128xf32, #tpu.memory_space<vmem_shared>>) target(%arg9 : memref<128x128xf32, #tpu.memory_space<vmem>>) target_semaphore(%run_scoped3A_163 : memref<!tpu.dma_semaphore, #tpu.memory_space<semaphore_mem>>)
      %dma_wait3A_168 = arith.constant 0 : i32
      %dma_wait3A_169 = tpu.memref_slice %arg19[%add3A_84, %dma_wait3A_168] : memref<10240x128xf32, #tpu.memory_space<vmem_shared>> -> memref<128x128xf32, #tpu.memory_space<vmem_shared>>
      %dma_wait3A_170 = arith.constant 0 : i32
      %dma_wait3A_171 = tpu.memref_slice %arg19[%add3A_84, %dma_wait3A_170] : memref<10240x128xf32, #tpu.memory_space<vmem_shared>> -> memref<128x128xf32, #tpu.memory_space<vmem_shared>>
      tpu.wait_dma2 semaphore(%run_scoped3A_163 : memref<!tpu.dma_semaphore, #tpu.memory_space<semaphore_mem>>) src(%dma_wait3A_171 : memref<128x128xf32, #tpu.memory_space<vmem_shared>>) dst(%arg9 : memref<128x128xf32, #tpu.memory_space<vmem>>)
      tpu.yield
    }) : () -> ()
    %dma_start3A_85 = arith.constant 0 : i32
    %dma_start3A_86 = tpu.memref_slice %arg6[%arg0, %add3A_84, %dma_start3A_85] : memref<2x10240x128xf32, #tpu.memory_space<hbm>> -> memref<1x128x128xf32, #tpu.memory_space<hbm>>
    %dma_start3A_87 = tpu.memref_squeeze %dma_start3A_86 : memref<1x128x128xf32, #tpu.memory_space<hbm>> -> memref<128x128xf32, #tpu.memory_space<hbm>>
    %dma_start3A_88 = arith.constant 0 : i32
    %dma_start3A_89 = tpu.memref_slice %arg6[%arg0, %add3A_84, %dma_start3A_88] : memref<2x10240x128xf32, #tpu.memory_space<hbm>> -> memref<1x128x128xf32, #tpu.memory_space<hbm>>
    %dma_start3A_90 = tpu.memref_squeeze %dma_start3A_89 : memref<1x128x128xf32, #tpu.memory_space<hbm>> -> memref<128x128xf32, #tpu.memory_space<hbm>>
    tpu.enqueue_dma source(%arg9 : memref<128x128xf32, #tpu.memory_space<vmem>>) target(%dma_start3A_90 : memref<128x128xf32, #tpu.memory_space<hbm>>) target_semaphore(%arg11 : memref<!tpu.dma_semaphore, #tpu.memory_space<semaphore_mem>>)
    %add3A_91 = arith.constant 128 : i32
    %add3A_92 = arith.addi %mul3A_0, %add3A_91 : i32
    "tpu.region"() ({
      %run_scoped3A_163 = tpu.sem_alloc : memref<!tpu.dma_semaphore, #tpu.memory_space<semaphore_mem>>
      %dma_start3A_164 = arith.constant 0 : i32
      %dma_start3A_165 = tpu.memref_slice %arg19[%add3A_92, %dma_start3A_164] : memref<10240x128xf32, #tpu.memory_space<vmem_shared>> -> memref<128x128xf32, #tpu.memory_space<vmem_shared>>
      %dma_start3A_166 = arith.constant 0 : i32
      %dma_start3A_167 = tpu.memref_slice %arg19[%add3A_92, %dma_start3A_166] : memref<10240x128xf32, #tpu.memory_space<vmem_shared>> -> memref<128x128xf32, #tpu.memory_space<vmem_shared>>
      tpu.enqueue_dma source(%dma_start3A_167 : memref<128x128xf32, #tpu.memory_space<vmem_shared>>) target(%arg10 : memref<128x128xf32, #tpu.memory_space<vmem>>) target_semaphore(%run_scoped3A_163 : memref<!tpu.dma_semaphore, #tpu.memory_space<semaphore_mem>>)
      %dma_wait3A_168 = arith.constant 0 : i32
      %dma_wait3A_169 = tpu.memref_slice %arg19[%add3A_92, %dma_wait3A_168] : memref<10240x128xf32, #tpu.memory_space<vmem_shared>> -> memref<128x128xf32, #tpu.memory_space<vmem_shared>>
      %dma_wait3A_170 = arith.constant 0 : i32
      %dma_wait3A_171 = tpu.memref_slice %arg19[%add3A_92, %dma_wait3A_170] : memref<10240x128xf32, #tpu.memory_space<vmem_shared>> -> memref<128x128xf32, #tpu.memory_space<vmem_shared>>
      tpu.wait_dma2 semaphore(%run_scoped3A_163 : memref<!tpu.dma_semaphore, #tpu.memory_space<semaphore_mem>>) src(%dma_wait3A_171 : memref<128x128xf32, #tpu.memory_space<vmem_shared>>) dst(%arg10 : memref<128x128xf32, #tpu.memory_space<vmem>>)
      tpu.yield
    }) : () -> ()
    %dma_start3A_93 = arith.constant 0 : i32
    %dma_start3A_94 = tpu.memref_slice %arg6[%arg0, %add3A_92, %dma_start3A_93] : memref<2x10240x128xf32, #tpu.memory_space<hbm>> -> memref<1x128x128xf32, #tpu.memory_space<hbm>>
    %dma_start3A_95 = tpu.memref_squeeze %dma_start3A_94 : memref<1x128x128xf32, #tpu.memory_space<hbm>> -> memref<128x128xf32, #tpu.memory_space<hbm>>
    %dma_start3A_96 = arith.constant 0 : i32
    %dma_start3A_97 = tpu.memref_slice %arg6[%arg0, %add3A_92, %dma_start3A_96] : memref<2x10240x128xf32, #tpu.memory_space<hbm>> -> memref<1x128x128xf32, #tpu.memory_space<hbm>>
    %dma_start3A_98 = tpu.memref_squeeze %dma_start3A_97 : memref<1x128x128xf32, #tpu.memory_space<hbm>> -> memref<128x128xf32, #tpu.memory_space<hbm>>
    tpu.enqueue_dma source(%arg10 : memref<128x128xf32, #tpu.memory_space<vmem>>) target(%dma_start3A_98 : memref<128x128xf32, #tpu.memory_space<hbm>>) target_semaphore(%arg12 : memref<!tpu.dma_semaphore, #tpu.memory_space<semaphore_mem>>)
    %add3A_99 = arith.constant 256 : i32
    %add3A_100 = arith.addi %mul3A_0, %add3A_99 : i32
    %add3A_101 = arith.constant 0 : i32
    %add3A_102 = arith.addi %mul3A_0, %add3A_101 : i32
    %dma_wait3A_103 = arith.constant 0 : i32
    %dma_wait3A_104 = tpu.memref_slice %arg6[%arg0, %add3A_102, %dma_wait3A_103] : memref<2x10240x128xf32, #tpu.memory_space<hbm>> -> memref<1x128x128xf32, #tpu.memory_space<hbm>>
    %dma_wait3A_105 = tpu.memref_squeeze %dma_wait3A_104 : memref<1x128x128xf32, #tpu.memory_space<hbm>> -> memref<128x128xf32, #tpu.memory_space<hbm>>
    %dma_wait3A_106 = arith.constant 0 : i32
    %dma_wait3A_107 = tpu.memref_slice %arg6[%arg0, %add3A_102, %dma_wait3A_106] : memref<2x10240x128xf32, #tpu.memory_space<hbm>> -> memref<1x128x128xf32, #tpu.memory_space<hbm>>
    %dma_wait3A_108 = tpu.memref_squeeze %dma_wait3A_107 : memref<1x128x128xf32, #tpu.memory_space<hbm>> -> memref<128x128xf32, #tpu.memory_space<hbm>>
    tpu.wait_dma2 semaphore(%arg11 : memref<!tpu.dma_semaphore, #tpu.memory_space<semaphore_mem>>) src(%arg9 : memref<128x128xf32, #tpu.memory_space<vmem>>) dst(%dma_wait3A_108 : memref<128x128xf32, #tpu.memory_space<hbm>>)
    "tpu.region"() ({
      %run_scoped3A_163 = tpu.sem_alloc : memref<!tpu.dma_semaphore, #tpu.memory_space<semaphore_mem>>
      %dma_start3A_164 = arith.constant 0 : i32
      %dma_start3A_165 = tpu.memref_slice %arg19[%add3A_100, %dma_start3A_164] : memref<10240x128xf32, #tpu.memory_space<vmem_shared>> -> memref<128x128xf32, #tpu.memory_space<vmem_shared>>
      %dma_start3A_166 = arith.constant 0 : i32
      %dma_start3A_167 = tpu.memref_slice %arg19[%add3A_100, %dma_start3A_166] : memref<10240x128xf32, #tpu.memory_space<vmem_shared>> -> memref<128x128xf32, #tpu.memory_space<vmem_shared>>
      tpu.enqueue_dma source(%dma_start3A_167 : memref<128x128xf32, #tpu.memory_space<vmem_shared>>) target(%arg9 : memref<128x128xf32, #tpu.memory_space<vmem>>) target_semaphore(%run_scoped3A_163 : memref<!tpu.dma_semaphore, #tpu.memory_space<semaphore_mem>>)
      %dma_wait3A_168 = arith.constant 0 : i32
      %dma_wait3A_169 = tpu.memref_slice %arg19[%add3A_100, %dma_wait3A_168] : memref<10240x128xf32, #tpu.memory_space<vmem_shared>> -> memref<128x128xf32, #tpu.memory_space<vmem_shared>>
      %dma_wait3A_170 = arith.constant 0 : i32
      %dma_wait3A_171 = tpu.memref_slice %arg19[%add3A_100, %dma_wait3A_170] : memref<10240x128xf32, #tpu.memory_space<vmem_shared>> -> memref<128x128xf32, #tpu.memory_space<vmem_shared>>
      tpu.wait_dma2 semaphore(%run_scoped3A_163 : memref<!tpu.dma_semaphore, #tpu.memory_space<semaphore_mem>>) src(%dma_wait3A_171 : memref<128x128xf32, #tpu.memory_space<vmem_shared>>) dst(%arg9 : memref<128x128xf32, #tpu.memory_space<vmem>>)
      tpu.yield
    }) : () -> ()
    %dma_start3A_109 = arith.constant 0 : i32
    %dma_start3A_110 = tpu.memref_slice %arg6[%arg0, %add3A_100, %dma_start3A_109] : memref<2x10240x128xf32, #tpu.memory_space<hbm>> -> memref<1x128x128xf32, #tpu.memory_space<hbm>>
    %dma_start3A_111 = tpu.memref_squeeze %dma_start3A_110 : memref<1x128x128xf32, #tpu.memory_space<hbm>> -> memref<128x128xf32, #tpu.memory_space<hbm>>
    %dma_start3A_112 = arith.constant 0 : i32
    %dma_start3A_113 = tpu.memref_slice %arg6[%arg0, %add3A_100, %dma_start3A_112] : memref<2x10240x128xf32, #tpu.memory_space<hbm>> -> memref<1x128x128xf32, #tpu.memory_space<hbm>>
    %dma_start3A_114 = tpu.memref_squeeze %dma_start3A_113 : memref<1x128x128xf32, #tpu.memory_space<hbm>> -> memref<128x128xf32, #tpu.memory_space<hbm>>
    tpu.enqueue_dma source(%arg9 : memref<128x128xf32, #tpu.memory_space<vmem>>) target(%dma_start3A_114 : memref<128x128xf32, #tpu.memory_space<hbm>>) target_semaphore(%arg11 : memref<!tpu.dma_semaphore, #tpu.memory_space<semaphore_mem>>)
    %add3A_115 = arith.constant 384 : i32
    %add3A_116 = arith.addi %mul3A_0, %add3A_115 : i32
    %add3A_117 = arith.constant 128 : i32
    %add3A_118 = arith.addi %mul3A_0, %add3A_117 : i32
    %dma_wait3A_119 = arith.constant 0 : i32
    %dma_wait3A_120 = tpu.memref_slice %arg6[%arg0, %add3A_118, %dma_wait3A_119] : memref<2x10240x128xf32, #tpu.memory_space<hbm>> -> memref<1x128x128xf32, #tpu.memory_space<hbm>>
    %dma_wait3A_121 = tpu.memref_squeeze %dma_wait3A_120 : memref<1x128x128xf32, #tpu.memory_space<hbm>> -> memref<128x128xf32, #tpu.memory_space<hbm>>
    %dma_wait3A_122 = arith.constant 0 : i32
    %dma_wait3A_123 = tpu.memref_slice %arg6[%arg0, %add3A_118, %dma_wait3A_122] : memref<2x10240x128xf32, #tpu.memory_space<hbm>> -> memref<1x128x128xf32, #tpu.memory_space<hbm>>
    %dma_wait3A_124 = tpu.memref_squeeze %dma_wait3A_123 : memref<1x128x128xf32, #tpu.memory_space<hbm>> -> memref<128x128xf32, #tpu.memory_space<hbm>>
    tpu.wait_dma2 semaphore(%arg12 : memref<!tpu.dma_semaphore, #tpu.memory_space<semaphore_mem>>) src(%arg10 : memref<128x128xf32, #tpu.memory_space<vmem>>) dst(%dma_wait3A_124 : memref<128x128xf32, #tpu.memory_space<hbm>>)
    "tpu.region"() ({
      %run_scoped3A_163 = tpu.sem_alloc : memref<!tpu.dma_semaphore, #tpu.memory_space<semaphore_mem>>
      %dma_start3A_164 = arith.constant 0 : i32
      %dma_start3A_165 = tpu.memref_slice %arg19[%add3A_116, %dma_start3A_164] : memref<10240x128xf32, #tpu.memory_space<vmem_shared>> -> memref<128x128xf32, #tpu.memory_space<vmem_shared>>
      %dma_start3A_166 = arith.constant 0 : i32
      %dma_start3A_167 = tpu.memref_slice %arg19[%add3A_116, %dma_start3A_166] : memref<10240x128xf32, #tpu.memory_space<vmem_shared>> -> memref<128x128xf32, #tpu.memory_space<vmem_shared>>
      tpu.enqueue_dma source(%dma_start3A_167 : memref<128x128xf32, #tpu.memory_space<vmem_shared>>) target(%arg10 : memref<128x128xf32, #tpu.memory_space<vmem>>) target_semaphore(%run_scoped3A_163 : memref<!tpu.dma_semaphore, #tpu.memory_space<semaphore_mem>>)
      %dma_wait3A_168 = arith.constant 0 : i32
      %dma_wait3A_169 = tpu.memref_slice %arg19[%add3A_116, %dma_wait3A_168] : memref<10240x128xf32, #tpu.memory_space<vmem_shared>> -> memref<128x128xf32, #tpu.memory_space<vmem_shared>>
      %dma_wait3A_170 = arith.constant 0 : i32
      %dma_wait3A_171 = tpu.memref_slice %arg19[%add3A_116, %dma_wait3A_170] : memref<10240x128xf32, #tpu.memory_space<vmem_shared>> -> memref<128x128xf32, #tpu.memory_space<vmem_shared>>
      tpu.wait_dma2 semaphore(%run_scoped3A_163 : memref<!tpu.dma_semaphore, #tpu.memory_space<semaphore_mem>>) src(%dma_wait3A_171 : memref<128x128xf32, #tpu.memory_space<vmem_shared>>) dst(%arg10 : memref<128x128xf32, #tpu.memory_space<vmem>>)
      tpu.yield
    }) : () -> ()
    %dma_start3A_125 = arith.constant 0 : i32
    %dma_start3A_126 = tpu.memref_slice %arg6[%arg0, %add3A_116, %dma_start3A_125] : memref<2x10240x128xf32, #tpu.memory_space<hbm>> -> memref<1x128x128xf32, #tpu.memory_space<hbm>>
    %dma_start3A_127 = tpu.memref_squeeze %dma_start3A_126 : memref<1x128x128xf32, #tpu.memory_space<hbm>> -> memref<128x128xf32, #tpu.memory_space<hbm>>
    %dma_start3A_128 = arith.constant 0 : i32
    %dma_start3A_129 = tpu.memref_slice %arg6[%arg0, %add3A_116, %dma_start3A_128] : memref<2x10240x128xf32, #tpu.memory_space<hbm>> -> memref<1x128x128xf32, #tpu.memory_space<hbm>>
    %dma_start3A_130 = tpu.memref_squeeze %dma_start3A_129 : memref<1x128x128xf32, #tpu.memory_space<hbm>> -> memref<128x128xf32, #tpu.memory_space<hbm>>
    tpu.enqueue_dma source(%arg10 : memref<128x128xf32, #tpu.memory_space<vmem>>) target(%dma_start3A_130 : memref<128x128xf32, #tpu.memory_space<hbm>>) target_semaphore(%arg12 : memref<!tpu.dma_semaphore, #tpu.memory_space<semaphore_mem>>)
    %add3A_131 = arith.constant 512 : i32
    %add3A_132 = arith.addi %mul3A_0, %add3A_131 : i32
    %add3A_133 = arith.constant 256 : i32
    %add3A_134 = arith.addi %mul3A_0, %add3A_133 : i32
    %dma_wait3A_135 = arith.constant 0 : i32
    %dma_wait3A_136 = tpu.memref_slice %arg6[%arg0, %add3A_134, %dma_wait3A_135] : memref<2x10240x128xf32, #tpu.memory_space<hbm>> -> memref<1x128x128xf32, #tpu.memory_space<hbm>>
    %dma_wait3A_137 = tpu.memref_squeeze %dma_wait3A_136 : memref<1x128x128xf32, #tpu.memory_space<hbm>> -> memref<128x128xf32, #tpu.memory_space<hbm>>
    %dma_wait3A_138 = arith.constant 0 : i32
    %dma_wait3A_139 = tpu.memref_slice %arg6[%arg0, %add3A_134, %dma_wait3A_138] : memref<2x10240x128xf32, #tpu.memory_space<hbm>> -> memref<1x128x128xf32, #tpu.memory_space<hbm>>
    %dma_wait3A_140 = tpu.memref_squeeze %dma_wait3A_139 : memref<1x128x128xf32, #tpu.memory_space<hbm>> -> memref<128x128xf32, #tpu.memory_space<hbm>>
    tpu.wait_dma2 semaphore(%arg11 : memref<!tpu.dma_semaphore, #tpu.memory_space<semaphore_mem>>) src(%arg9 : memref<128x128xf32, #tpu.memory_space<vmem>>) dst(%dma_wait3A_140 : memref<128x128xf32, #tpu.memory_space<hbm>>)
    "tpu.region"() ({
      %run_scoped3A_163 = tpu.sem_alloc : memref<!tpu.dma_semaphore, #tpu.memory_space<semaphore_mem>>
      %dma_start3A_164 = arith.constant 0 : i32
      %dma_start3A_165 = tpu.memref_slice %arg19[%add3A_132, %dma_start3A_164] : memref<10240x128xf32, #tpu.memory_space<vmem_shared>> -> memref<128x128xf32, #tpu.memory_space<vmem_shared>>
      %dma_start3A_166 = arith.constant 0 : i32
      %dma_start3A_167 = tpu.memref_slice %arg19[%add3A_132, %dma_start3A_166] : memref<10240x128xf32, #tpu.memory_space<vmem_shared>> -> memref<128x128xf32, #tpu.memory_space<vmem_shared>>
      tpu.enqueue_dma source(%dma_start3A_167 : memref<128x128xf32, #tpu.memory_space<vmem_shared>>) target(%arg9 : memref<128x128xf32, #tpu.memory_space<vmem>>) target_semaphore(%run_scoped3A_163 : memref<!tpu.dma_semaphore, #tpu.memory_space<semaphore_mem>>)
      %dma_wait3A_168 = arith.constant 0 : i32
      %dma_wait3A_169 = tpu.memref_slice %arg19[%add3A_132, %dma_wait3A_168] : memref<10240x128xf32, #tpu.memory_space<vmem_shared>> -> memref<128x128xf32, #tpu.memory_space<vmem_shared>>
      %dma_wait3A_170 = arith.constant 0 : i32
      %dma_wait3A_171 = tpu.memref_slice %arg19[%add3A_132, %dma_wait3A_170] : memref<10240x128xf32, #tpu.memory_space<vmem_shared>> -> memref<128x128xf32, #tpu.memory_space<vmem_shared>>
      tpu.wait_dma2 semaphore(%run_scoped3A_163 : memref<!tpu.dma_semaphore, #tpu.memory_space<semaphore_mem>>) src(%dma_wait3A_171 : memref<128x128xf32, #tpu.memory_space<vmem_shared>>) dst(%arg9 : memref<128x128xf32, #tpu.memory_space<vmem>>)
      tpu.yield
    }) : () -> ()
    %dma_start3A_141 = arith.constant 0 : i32
    %dma_start3A_142 = tpu.memref_slice %arg6[%arg0, %add3A_132, %dma_start3A_141] : memref<2x10240x128xf32, #tpu.memory_space<hbm>> -> memref<1x128x128xf32, #tpu.memory_space<hbm>>
    %dma_start3A_143 = tpu.memref_squeeze %dma_start3A_142 : memref<1x128x128xf32, #tpu.memory_space<hbm>> -> memref<128x128xf32, #tpu.memory_space<hbm>>
    %dma_start3A_144 = arith.constant 0 : i32
    %dma_start3A_145 = tpu.memref_slice %arg6[%arg0, %add3A_132, %dma_start3A_144] : memref<2x10240x128xf32, #tpu.memory_space<hbm>> -> memref<1x128x128xf32, #tpu.memory_space<hbm>>
    %dma_start3A_146 = tpu.memref_squeeze %dma_start3A_145 : memref<1x128x128xf32, #tpu.memory_space<hbm>> -> memref<128x128xf32, #tpu.memory_space<hbm>>
    tpu.enqueue_dma source(%arg9 : memref<128x128xf32, #tpu.memory_space<vmem>>) target(%dma_start3A_146 : memref<128x128xf32, #tpu.memory_space<hbm>>) target_semaphore(%arg11 : memref<!tpu.dma_semaphore, #tpu.memory_space<semaphore_mem>>)
    %add3A_147 = arith.constant 384 : i32
    %add3A_148 = arith.addi %mul3A_0, %add3A_147 : i32
    %dma_wait3A_149 = arith.constant 0 : i32
    %dma_wait3A_150 = tpu.memref_slice %arg6[%arg0, %add3A_148, %dma_wait3A_149] : memref<2x10240x128xf32, #tpu.memory_space<hbm>> -> memref<1x128x128xf32, #tpu.memory_space<hbm>>
    %dma_wait3A_151 = tpu.memref_squeeze %dma_wait3A_150 : memref<1x128x128xf32, #tpu.memory_space<hbm>> -> memref<128x128xf32, #tpu.memory_space<hbm>>
    %dma_wait3A_152 = arith.constant 0 : i32
    %dma_wait3A_153 = tpu.memref_slice %arg6[%arg0, %add3A_148, %dma_wait3A_152] : memref<2x10240x128xf32, #tpu.memory_space<hbm>> -> memref<1x128x128xf32, #tpu.memory_space<hbm>>
    %dma_wait3A_154 = tpu.memref_squeeze %dma_wait3A_153 : memref<1x128x128xf32, #tpu.memory_space<hbm>> -> memref<128x128xf32, #tpu.memory_space<hbm>>
    tpu.wait_dma2 semaphore(%arg12 : memref<!tpu.dma_semaphore, #tpu.memory_space<semaphore_mem>>) src(%arg10 : memref<128x128xf32, #tpu.memory_space<vmem>>) dst(%dma_wait3A_154 : memref<128x128xf32, #tpu.memory_space<hbm>>)
    %add3A_155 = arith.constant 512 : i32
    %add3A_156 = arith.addi %mul3A_0, %add3A_155 : i32
    %dma_wait3A_157 = arith.constant 0 : i32
    %dma_wait3A_158 = tpu.memref_slice %arg6[%arg0, %add3A_156, %dma_wait3A_157] : memref<2x10240x128xf32, #tpu.memory_space<hbm>> -> memref<1x128x128xf32, #tpu.memory_space<hbm>>
    %dma_wait3A_159 = tpu.memref_squeeze %dma_wait3A_158 : memref<1x128x128xf32, #tpu.memory_space<hbm>> -> memref<128x128xf32, #tpu.memory_space<hbm>>
    %dma_wait3A_160 = arith.constant 0 : i32
    %dma_wait3A_161 = tpu.memref_slice %arg6[%arg0, %add3A_156, %dma_wait3A_160] : memref<2x10240x128xf32, #tpu.memory_space<hbm>> -> memref<1x128x128xf32, #tpu.memory_space<hbm>>
    %dma_wait3A_162 = tpu.memref_squeeze %dma_wait3A_161 : memref<1x128x128xf32, #tpu.memory_space<hbm>> -> memref<128x128xf32, #tpu.memory_space<hbm>>
    tpu.wait_dma2 semaphore(%arg11 : memref<!tpu.dma_semaphore, #tpu.memory_space<semaphore_mem>>) src(%arg9 : memref<128x128xf32, #tpu.memory_space<vmem>>) dst(%dma_wait3A_162 : memref<128x128xf32, #tpu.memory_space<hbm>>)
    return
  }
}

module attributes {stable_mosaic.version = 14 : i64} {
  func.func @_t1_body(%arg0: i32, %arg1: memref<1024x128xf32, #tpu.memory_space<vmem>>, %arg2: memref<128x128xf32, #tpu.memory_space<vmem>>, %arg3: memref<2x1024xf32, #tpu.memory_space<vmem>>, %arg4: memref<1024x128xf32, #tpu.memory_space<vmem>>) attributes {dimension_semantics = [#tpu.dimension_semantics<arbitrary>], iteration_bounds = array<i64: 10>, scalar_prefetch = 0 : i64, scratch_operands = 0 : i64, tpu.core_type = #tpu.core_type<tc>, window_params = [{transform_indices = @transform_0, window_bounds = array<i64: 1024, 128>}, {pipeline_mode = #tpu.pipeline_mode<synchronous>, transform_indices = @transform_1, window_bounds = array<i64: 128, 128>}, {transform_indices = @transform_2, window_bounds = array<i64: 2, 1024>}, {transform_indices = @transform_3, window_bounds = array<i64: 1024, 128>}]} {
    %get3A = arith.constant 0 : index
    %get3A_0 = arith.constant 0 : index
    %get3A_1 = vector.load %arg3[%get3A, %get3A_0] : memref<2x1024xf32, #tpu.memory_space<vmem>>, vector<1x1024xf32>
    %get3A_2 = vector.shape_cast %get3A_1 : vector<1x1024xf32> to vector<1024xf32>
    %get3A_3 = arith.constant 1 : index
    %get3A_4 = arith.constant 0 : index
    %get3A_5 = vector.load %arg3[%get3A_3, %get3A_4] : memref<2x1024xf32, #tpu.memory_space<vmem>>, vector<1x1024xf32>
    %get3A_6 = vector.shape_cast %get3A_5 : vector<1x1024xf32> to vector<1024xf32>
    %add3A = arith.addf %get3A_2, %get3A_6 : vector<1024xf32>
    %add3A_7 = arith.constant 1.000000e+00 : f32
    %add3A_8 = vector.broadcast %add3A_7 : f32 to vector<1024xf32>
    %add3A_9 = arith.addf %add3A, %add3A_8 : vector<1024xf32>
    %rsqrt3A = math.rsqrt %add3A_9 : vector<1024xf32>
    %get3A_10 = arith.constant 0 : index
    %get3A_11 = arith.constant 0 : index
    %get3A_12 = vector.load %arg1[%get3A_10, %get3A_11] : memref<1024x128xf32, #tpu.memory_space<vmem>>, vector<1024x128xf32>
    %get3A_13 = arith.constant 0 : index
    %get3A_14 = arith.constant 0 : index
    %get3A_15 = vector.load %arg2[%get3A_13, %get3A_14] : memref<128x128xf32, #tpu.memory_space<vmem>>, vector<128x128xf32>
    %dot_general3A = arith.constant dense<0.000000e+00> : vector<1024x128xf32>
    %dot_general3A_16 = tpu.matmul %get3A_12, %get3A_15, %dot_general3A {dimension_numbers = #tpu.dot_dimension_numbers<[1], [0], [0], [1], [0, 0, 1, 1], [], []>, transpose_lhs_hint = false} : vector<1024x128xf32>, vector<128x128xf32>, vector<1024x128xf32> -> vector<1024x128xf32>
    %broadcast_in_dim3A = vector.shape_cast %rsqrt3A : vector<1024xf32> to vector<1024x1xf32>
    %mul3A = vector.broadcast %broadcast_in_dim3A : vector<1024x1xf32> to vector<1024x128xf32>
    %mul3A_17 = arith.mulf %dot_general3A_16, %mul3A : vector<1024x128xf32>
    %swap3A = arith.constant 0 : index
    %swap3A_18 = arith.constant 0 : index
    %swap3A_19 = vector.load %arg4[%swap3A, %swap3A_18] : memref<1024x128xf32, #tpu.memory_space<vmem>>, vector<1024x128xf32>
    tpu.vector_store %arg4[%swap3A, %swap3A_18], %mul3A_17 {strides = array<i32>} : memref<1024x128xf32, #tpu.memory_space<vmem>>, vector<1024x128xf32>,
    return
  }
  func.func @transform_0(%arg0: i32) -> (i32, i32) {
    %c0_i32 = arith.constant 0 : i32
    %c0_i32_0 = arith.constant 0 : i32
    return %arg0, %c0_i32 : i32, i32
  }
  func.func @transform_1(%arg0: i32) -> (i32, i32) {
    %c0_i32 = arith.constant 0 : i32
    %c0_i32_0 = arith.constant 0 : i32
    %c0_i32_1 = arith.constant 0 : i32
    return %c0_i32, %c0_i32_0 : i32, i32
  }
  func.func @transform_2(%arg0: i32) -> (i32, i32) {
    %c0_i32 = arith.constant 0 : i32
    %c0_i32_0 = arith.constant 0 : i32
    return %c0_i32, %arg0 : i32, i32
  }
  func.func @transform_3(%arg0: i32) -> (i32, i32) {
    %c0_i32 = arith.constant 0 : i32
    %c0_i32_0 = arith.constant 0 : i32
    return %arg0, %c0_i32 : i32, i32
  }
}

module attributes {stable_mosaic.version = 14 : i64} {
  func.func @_t2_body(%arg0: i32, %arg1: memref<2x1024x128xf32, #tpu.memory_space<vmem>>, %arg2: memref<1024x128xf32, #tpu.memory_space<vmem>>, %arg3: memref<2x1024xf32, #tpu.memory_space<vmem>>, %arg4: memref<128x128xf32, #tpu.memory_space<vmem>>, %arg5: memref<128xf32, #tpu.memory_space<vmem>>, %arg6: memref<1024x128xf32, #tpu.memory_space<vmem>>) attributes {dimension_semantics = [#tpu.dimension_semantics<arbitrary>], iteration_bounds = array<i64: 10>, scalar_prefetch = 0 : i64, scratch_operands = 0 : i64, tpu.core_type = #tpu.core_type<tc>, window_params = [{transform_indices = @transform_0, window_bounds = array<i64: 2, 1024, 128>}, {transform_indices = @transform_1, window_bounds = array<i64: 1024, 128>}, {transform_indices = @transform_2, window_bounds = array<i64: 2, 1024>}, {pipeline_mode = #tpu.pipeline_mode<synchronous>, transform_indices = @transform_3, window_bounds = array<i64: 128, 128>}, {pipeline_mode = #tpu.pipeline_mode<synchronous>, transform_indices = @transform_4, window_bounds = array<i64: 128>}, {transform_indices = @transform_5, window_bounds = array<i64: 1024, 128>}]} {
    %get3A = arith.constant 0 : index
    %get3A_0 = arith.constant 0 : index
    %get3A_1 = vector.load %arg3[%get3A, %get3A_0] : memref<2x1024xf32, #tpu.memory_space<vmem>>, vector<1x1024xf32>
    %get3A_2 = vector.shape_cast %get3A_1 : vector<1x1024xf32> to vector<1024xf32>
    %get3A_3 = arith.constant 1 : index
    %get3A_4 = arith.constant 0 : index
    %get3A_5 = vector.load %arg3[%get3A_3, %get3A_4] : memref<2x1024xf32, #tpu.memory_space<vmem>>, vector<1x1024xf32>
    %get3A_6 = vector.shape_cast %get3A_5 : vector<1x1024xf32> to vector<1024xf32>
    %add3A = arith.addf %get3A_2, %get3A_6 : vector<1024xf32>
    %add3A_7 = arith.constant 1.000000e+00 : f32
    %add3A_8 = vector.broadcast %add3A_7 : f32 to vector<1024xf32>
    %add3A_9 = arith.addf %add3A, %add3A_8 : vector<1024xf32>
    %rsqrt3A = math.rsqrt %add3A_9 : vector<1024xf32>
    %get3A_10 = arith.constant 0 : index
    %get3A_11 = arith.constant 0 : index
    %get3A_12 = arith.constant 0 : index
    %get3A_13 = vector.load %arg1[%get3A_10, %get3A_11, %get3A_12] : memref<2x1024x128xf32, #tpu.memory_space<vmem>>, vector<1x1024x128xf32>
    %get3A_14 = vector.shape_cast %get3A_13 : vector<1x1024x128xf32> to vector<1024x128xf32>
    %get3A_15 = arith.constant 1 : index
    %get3A_16 = arith.constant 0 : index
    %get3A_17 = arith.constant 0 : index
    %get3A_18 = vector.load %arg1[%get3A_15, %get3A_16, %get3A_17] : memref<2x1024x128xf32, #tpu.memory_space<vmem>>, vector<1x1024x128xf32>
    %get3A_19 = vector.shape_cast %get3A_18 : vector<1x1024x128xf32> to vector<1024x128xf32>
    %add3A_20 = arith.addf %get3A_14, %get3A_19 : vector<1024x128xf32>
    %get3A_21 = arith.constant 0 : index
    %get3A_22 = arith.constant 0 : index
    %get3A_23 = vector.load %arg2[%get3A_21, %get3A_22] : memref<1024x128xf32, #tpu.memory_space<vmem>>, vector<1024x128xf32>
    %add3A_24 = arith.addf %add3A_20, %get3A_23 : vector<1024x128xf32>
    %broadcast_in_dim3A = vector.shape_cast %rsqrt3A : vector<1024xf32> to vector<1024x1xf32>
    %mul3A = vector.broadcast %broadcast_in_dim3A : vector<1024x1xf32> to vector<1024x128xf32>
    %mul3A_25 = arith.mulf %add3A_24, %mul3A : vector<1024x128xf32>
    %get3A_26 = arith.constant 0 : index
    %get3A_27 = vector.load %arg5[%get3A_26] : memref<128xf32, #tpu.memory_space<vmem>>, vector<128xf32>
    %broadcast_in_dim3A_28 = vector.shape_cast %get3A_27 : vector<128xf32> to vector<1x128xf32>
    %add3A_29 = vector.broadcast %broadcast_in_dim3A_28 : vector<1x128xf32> to vector<1024x128xf32>
    %add3A_30 = arith.addf %mul3A_25, %add3A_29 : vector<1024x128xf32>
    %max3A = arith.constant 0.000000e+00 : f32
    %max3A_31 = vector.broadcast %max3A : f32 to vector<1024x128xf32>
    %max3A_32 = arith.maximumf %add3A_30, %max3A_31 : vector<1024x128xf32>
    %get3A_33 = arith.constant 0 : index
    %get3A_34 = arith.constant 0 : index
    %get3A_35 = vector.load %arg4[%get3A_33, %get3A_34] : memref<128x128xf32, #tpu.memory_space<vmem>>, vector<128x128xf32>
    %dot_general3A = arith.constant dense<0.000000e+00> : vector<1024x128xf32>
    %dot_general3A_36 = tpu.matmul %max3A_32, %get3A_35, %dot_general3A {dimension_numbers = #tpu.dot_dimension_numbers<[1], [0], [0], [1], [0, 0, 1, 1], [], []>, transpose_lhs_hint = false} : vector<1024x128xf32>, vector<128x128xf32>, vector<1024x128xf32> -> vector<1024x128xf32>
    %broadcast_in_dim3A_37 = vector.shape_cast %rsqrt3A : vector<1024xf32> to vector<1024x1xf32>
    %mul3A_38 = vector.broadcast %broadcast_in_dim3A_37 : vector<1024x1xf32> to vector<1024x128xf32>
    %mul3A_39 = arith.mulf %dot_general3A_36, %mul3A_38 : vector<1024x128xf32>
    %swap3A = arith.constant 0 : index
    %swap3A_40 = arith.constant 0 : index
    %swap3A_41 = vector.load %arg6[%swap3A, %swap3A_40] : memref<1024x128xf32, #tpu.memory_space<vmem>>, vector<1024x128xf32>
    tpu.vector_store %arg6[%swap3A, %swap3A_40], %mul3A_39 {strides = array<i32>} : memref<1024x128xf32, #tpu.memory_space<vmem>>, vector<1024x128xf32>,
    return
  }
  func.func @transform_0(%arg0: i32) -> (i32, i32, i32) {
    %c0_i32 = arith.constant 0 : i32
    %c0_i32_0 = arith.constant 0 : i32
    %c0_i32_1 = arith.constant 0 : i32
    return %c0_i32, %arg0, %c0_i32_0 : i32, i32, i32
  }
  func.func @transform_1(%arg0: i32) -> (i32, i32) {
    %c0_i32 = arith.constant 0 : i32
    %c0_i32_0 = arith.constant 0 : i32
    return %arg0, %c0_i32 : i32, i32
  }
  func.func @transform_2(%arg0: i32) -> (i32, i32) {
    %c0_i32 = arith.constant 0 : i32
    %c0_i32_0 = arith.constant 0 : i32
    return %c0_i32, %arg0 : i32, i32
  }
  func.func @transform_3(%arg0: i32) -> (i32, i32) {
    %c0_i32 = arith.constant 0 : i32
    %c0_i32_0 = arith.constant 0 : i32
    %c0_i32_1 = arith.constant 0 : i32
    return %c0_i32, %c0_i32_0 : i32, i32
  }
  func.func @transform_4(%arg0: i32) -> i32 {
    %c0_i32 = arith.constant 0 : i32
    %c0_i32_0 = arith.constant 0 : i32
    return %c0_i32 : i32
  }
  func.func @transform_5(%arg0: i32) -> (i32, i32) {
    %c0_i32 = arith.constant 0 : i32
    %c0_i32_0 = arith.constant 0 : i32
    return %arg0, %c0_i32 : i32, i32
  }
}

module attributes {stable_mosaic.version = 14 : i64} {
  func.func @_t3_body(%arg0: i32, %arg1: memref<2x1024x128xf32, #tpu.memory_space<vmem>>, %arg2: memref<1024x128xf32, #tpu.memory_space<vmem>>, %arg3: memref<2x1024xf32, #tpu.memory_space<vmem>>, %arg4: memref<128xf32, #tpu.memory_space<vmem>>, %arg5: memref<1x1x1024xi32, #tpu.memory_space<vmem>>, %arg6: memref<128x128xf32, #tpu.memory_space<vmem>>, %arg7: memref<128xf32, #tpu.memory_space<vmem>>, %arg8: memref<16x128xf32, #tpu.memory_space<vmem>>, %arg9: memref<16x128xf32, #tpu.memory_space<vmem>>, %arg10: memref<16x128xf32, #tpu.memory_space<vmem>>) attributes {dimension_semantics = [#tpu.dimension_semantics<arbitrary>], iteration_bounds = array<i64: 10>, scalar_prefetch = 0 : i64, scratch_operands = 2 : i64, tpu.core_type = #tpu.core_type<tc>, window_params = [{transform_indices = @transform_0, window_bounds = array<i64: 2, 1024, 128>}, {transform_indices = @transform_1, window_bounds = array<i64: 1024, 128>}, {transform_indices = @transform_2, window_bounds = array<i64: 2, 1024>}, {pipeline_mode = #tpu.pipeline_mode<synchronous>, transform_indices = @transform_3, window_bounds = array<i64: 128>}, {transform_indices = @transform_4, window_bounds = array<i64: 1, 1, 1024>}, {pipeline_mode = #tpu.pipeline_mode<synchronous>, transform_indices = @transform_5, window_bounds = array<i64: 128, 128>}, {pipeline_mode = #tpu.pipeline_mode<synchronous>, transform_indices = @transform_6, window_bounds = array<i64: 128>}, {pipeline_mode = #tpu.pipeline_mode<synchronous>, transform_indices = @transform_7, window_bounds = array<i64: 16, 128>}]} {
    %eq3A = arith.constant 0 : i32
    %eq3A_0 = arith.cmpi eq, %arg0, %eq3A : i32
    %convert_element_type3A = arith.extui %eq3A_0 : i1 to i32
    %cond3A = arith.constant 0 : i32
    %cond3A_1 = arith.cmpi ne, %convert_element_type3A, %cond3A : i32
    scf.if %cond3A_1 {
      %broadcast_in_dim3A_68 = arith.constant 0.000000e+00 : f32
      %broadcast_in_dim3A_69 = vector.broadcast %broadcast_in_dim3A_68 : f32 to vector<16x128xf32>
      %swap3A_70 = arith.constant 0 : index
      %swap3A_71 = arith.constant 0 : index
      %swap3A_72 = vector.load %arg9[%swap3A_70, %swap3A_71] : memref<16x128xf32, #tpu.memory_space<vmem>>, vector<16x128xf32>
      tpu.vector_store %arg9[%swap3A_70, %swap3A_71], %broadcast_in_dim3A_69 {strides = array<i32>} : memref<16x128xf32, #tpu.memory_space<vmem>>, vector<16x128xf32>,
      %broadcast_in_dim3A_73 = arith.constant 0.000000e+00 : f32
      %broadcast_in_dim3A_74 = vector.broadcast %broadcast_in_dim3A_73 : f32 to vector<16x128xf32>
      %swap3A_75 = arith.constant 0 : index
      %swap3A_76 = arith.constant 0 : index
      %swap3A_77 = vector.load %arg10[%swap3A_75, %swap3A_76] : memref<16x128xf32, #tpu.memory_space<vmem>>, vector<16x128xf32>
      tpu.vector_store %arg10[%swap3A_75, %swap3A_76], %broadcast_in_dim3A_74 {strides = array<i32>} : memref<16x128xf32, #tpu.memory_space<vmem>>, vector<16x128xf32>,
    } else {
    }
    %get3A = arith.constant 0 : index
    %get3A_2 = arith.constant 0 : index
    %get3A_3 = vector.load %arg3[%get3A, %get3A_2] : memref<2x1024xf32, #tpu.memory_space<vmem>>, vector<1x1024xf32>
    %get3A_4 = vector.shape_cast %get3A_3 : vector<1x1024xf32> to vector<1024xf32>
    %get3A_5 = arith.constant 1 : index
    %get3A_6 = arith.constant 0 : index
    %get3A_7 = vector.load %arg3[%get3A_5, %get3A_6] : memref<2x1024xf32, #tpu.memory_space<vmem>>, vector<1x1024xf32>
    %get3A_8 = vector.shape_cast %get3A_7 : vector<1x1024xf32> to vector<1024xf32>
    %add3A = arith.addf %get3A_4, %get3A_8 : vector<1024xf32>
    %add3A_9 = arith.constant 1.000000e+00 : f32
    %add3A_10 = vector.broadcast %add3A_9 : f32 to vector<1024xf32>
    %add3A_11 = arith.addf %add3A, %add3A_10 : vector<1024xf32>
    %rsqrt3A = math.rsqrt %add3A_11 : vector<1024xf32>
    %get3A_12 = arith.constant 0 : index
    %get3A_13 = arith.constant 0 : index
    %get3A_14 = arith.constant 0 : index
    %get3A_15 = vector.load %arg1[%get3A_12, %get3A_13, %get3A_14] : memref<2x1024x128xf32, #tpu.memory_space<vmem>>, vector<1x1024x128xf32>
    %get3A_16 = vector.shape_cast %get3A_15 : vector<1x1024x128xf32> to vector<1024x128xf32>
    %get3A_17 = arith.constant 1 : index
    %get3A_18 = arith.constant 0 : index
    %get3A_19 = arith.constant 0 : index
    %get3A_20 = vector.load %arg1[%get3A_17, %get3A_18, %get3A_19] : memref<2x1024x128xf32, #tpu.memory_space<vmem>>, vector<1x1024x128xf32>
    %get3A_21 = vector.shape_cast %get3A_20 : vector<1x1024x128xf32> to vector<1024x128xf32>
    %add3A_22 = arith.addf %get3A_16, %get3A_21 : vector<1024x128xf32>
    %get3A_23 = arith.constant 0 : index
    %get3A_24 = arith.constant 0 : index
    %get3A_25 = vector.load %arg2[%get3A_23, %get3A_24] : memref<1024x128xf32, #tpu.memory_space<vmem>>, vector<1024x128xf32>
    %add3A_26 = arith.addf %add3A_22, %get3A_25 : vector<1024x128xf32>
    %broadcast_in_dim3A = vector.shape_cast %rsqrt3A : vector<1024xf32> to vector<1024x1xf32>
    %mul3A = vector.broadcast %broadcast_in_dim3A : vector<1024x1xf32> to vector<1024x128xf32>
    %mul3A_27 = arith.mulf %add3A_26, %mul3A : vector<1024x128xf32>
    %get3A_28 = arith.constant 0 : index
    %get3A_29 = vector.load %arg4[%get3A_28] : memref<128xf32, #tpu.memory_space<vmem>>, vector<128xf32>
    %broadcast_in_dim3A_30 = vector.shape_cast %get3A_29 : vector<128xf32> to vector<1x128xf32>
    %add3A_31 = vector.broadcast %broadcast_in_dim3A_30 : vector<1x128xf32> to vector<1024x128xf32>
    %add3A_32 = arith.addf %mul3A_27, %add3A_31 : vector<1024x128xf32>
    %max3A = arith.constant 0.000000e+00 : f32
    %max3A_33 = vector.broadcast %max3A : f32 to vector<1024x128xf32>
    %max3A_34 = arith.maximumf %add3A_32, %max3A_33 : vector<1024x128xf32>
    %get3A_35 = arith.constant 0 : index
    %get3A_36 = arith.constant 0 : index
    %get3A_37 = arith.constant 0 : index
    %get3A_38 = vector.load %arg5[%get3A_35, %get3A_36, %get3A_37] : memref<1x1x1024xi32, #tpu.memory_space<vmem>>, vector<1x1x1024xi32>
    %get3A_39 = vector.shape_cast %get3A_38 : vector<1x1x1024xi32> to vector<1024xi32>
    %broadcast_in_dim3A_40 = vector.shape_cast %get3A_39 : vector<1024xi32> to vector<1x1024xi32>
    %iota3A = tpu.iota {dimensions = array<i32: 0>} : vector<16x1024xi32>
    %eq3A_41 = vector.broadcast %broadcast_in_dim3A_40 : vector<1x1024xi32> to vector<16x1024xi32>
    %eq3A_42 = arith.cmpi eq, %eq3A_41, %iota3A : vector<16x1024xi32>
    %convert_element_type3A_43 = arith.extui %eq3A_42 : vector<16x1024xi1> to vector<16x1024xi32>
    %convert_element_type3A_44 = arith.sitofp %convert_element_type3A_43 : vector<16x1024xi32> to vector<16x1024xf32>
    %get3A_45 = arith.constant 0 : index
    %get3A_46 = arith.constant 0 : index
    %get3A_47 = vector.load %arg9[%get3A_45, %get3A_46] : memref<16x128xf32, #tpu.memory_space<vmem>>, vector<16x128xf32>
    %dot_general3A = arith.constant dense<0.000000e+00> : vector<16x128xf32>
    %dot_general3A_48 = tpu.matmul %convert_element_type3A_44, %max3A_34, %dot_general3A {dimension_numbers = #tpu.dot_dimension_numbers<[1], [0], [0], [1], [0, 0, 1, 1], [], []>, transpose_lhs_hint = false} : vector<16x1024xf32>, vector<1024x128xf32>, vector<16x128xf32> -> vector<16x128xf32>
    %add3A_49 = arith.addf %get3A_47, %dot_general3A_48 : vector<16x128xf32>
    %swap3A = arith.constant 0 : index
    %swap3A_50 = arith.constant 0 : index
    %swap3A_51 = vector.load %arg9[%swap3A, %swap3A_50] : memref<16x128xf32, #tpu.memory_space<vmem>>, vector<16x128xf32>
    tpu.vector_store %arg9[%swap3A, %swap3A_50], %add3A_49 {strides = array<i32>} : memref<16x128xf32, #tpu.memory_space<vmem>>, vector<16x128xf32>,
    %reduce_sum3A = arith.constant dense<0.000000e+00> : vector<16xf32>
    %reduce_sum3A_52 = vector.multi_reduction <add>, %convert_element_type3A_44, %reduce_sum3A [1] : vector<16x1024xf32> to vector<16xf32>
    %broadcast_in_dim3A_53 = vector.shape_cast %reduce_sum3A_52 : vector<16xf32> to vector<16x1xf32>
    %get3A_54 = arith.constant 0 : index
    %get3A_55 = arith.constant 0 : index
    %get3A_56 = vector.load %arg10[%get3A_54, %get3A_55] : memref<16x128xf32, #tpu.memory_space<vmem>>, vector<16x128xf32>
    %broadcast_in_dim3A_57 = vector.shape_cast %broadcast_in_dim3A_53 : vector<16x1xf32> to vector<16x1xf32>
    %broadcast_in_dim3A_58 = vector.broadcast %broadcast_in_dim3A_57 : vector<16x1xf32> to vector<16x128xf32>
    %add3A_59 = arith.addf %get3A_56, %broadcast_in_dim3A_58 : vector<16x128xf32>
    %swap3A_60 = arith.constant 0 : index
    %swap3A_61 = arith.constant 0 : index
    %swap3A_62 = vector.load %arg10[%swap3A_60, %swap3A_61] : memref<16x128xf32, #tpu.memory_space<vmem>>, vector<16x128xf32>
    tpu.vector_store %arg10[%swap3A_60, %swap3A_61], %add3A_59 {strides = array<i32>} : memref<16x128xf32, #tpu.memory_space<vmem>>, vector<16x128xf32>,
    %eq3A_63 = arith.constant 9 : i32
    %eq3A_64 = arith.cmpi eq, %arg0, %eq3A_63 : i32
    %convert_element_type3A_65 = arith.extui %eq3A_64 : i1 to i32
    %cond3A_66 = arith.constant 0 : i32
    %cond3A_67 = arith.cmpi ne, %convert_element_type3A_65, %cond3A_66 : i32
    scf.if %cond3A_67 {
      %get3A_68 = arith.constant 0 : index
      %get3A_69 = arith.constant 0 : index
      %get3A_70 = vector.load %arg9[%get3A_68, %get3A_69] : memref<16x128xf32, #tpu.memory_space<vmem>>, vector<16x128xf32>
      %get3A_71 = arith.constant 0 : index
      %get3A_72 = arith.constant 0 : index
      %get3A_73 = vector.load %arg10[%get3A_71, %get3A_72] : memref<16x128xf32, #tpu.memory_space<vmem>>, vector<16x128xf32>
      %max3A_74 = arith.constant 1.000000e+00 : f32
      %max3A_75 = vector.broadcast %max3A_74 : f32 to vector<16x128xf32>
      %max3A_76 = arith.maximumf %get3A_73, %max3A_75 : vector<16x128xf32>
      %div3A = arith.divf %get3A_70, %max3A_76 : vector<16x128xf32>
      %get3A_77 = arith.constant 0 : index
      %get3A_78 = arith.constant 0 : index
      %get3A_79 = vector.load %arg6[%get3A_77, %get3A_78] : memref<128x128xf32, #tpu.memory_space<vmem>>, vector<128x128xf32>
      %dot_general3A_80 = arith.constant dense<0.000000e+00> : vector<16x128xf32>
      %dot_general3A_81 = tpu.matmul %div3A, %get3A_79, %dot_general3A_80 {dimension_numbers = #tpu.dot_dimension_numbers<[1], [0], [0], [1], [0, 0, 1, 1], [], []>, transpose_lhs_hint = false} : vector<16x128xf32>, vector<128x128xf32>, vector<16x128xf32> -> vector<16x128xf32>
      %get3A_82 = arith.constant 0 : index
      %get3A_83 = vector.load %arg7[%get3A_82] : memref<128xf32, #tpu.memory_space<vmem>>, vector<128xf32>
      %broadcast_in_dim3A_84 = vector.shape_cast %get3A_83 : vector<128xf32> to vector<1x128xf32>
      %add3A_85 = vector.broadcast %broadcast_in_dim3A_84 : vector<1x128xf32> to vector<16x128xf32>
      %add3A_86 = arith.addf %dot_general3A_81, %add3A_85 : vector<16x128xf32>
      %swap3A_87 = arith.constant 0 : index
      %swap3A_88 = arith.constant 0 : index
      %swap3A_89 = vector.load %arg8[%swap3A_87, %swap3A_88] : memref<16x128xf32, #tpu.memory_space<vmem>>, vector<16x128xf32>
      tpu.vector_store %arg8[%swap3A_87, %swap3A_88], %add3A_86 {strides = array<i32>} : memref<16x128xf32, #tpu.memory_space<vmem>>, vector<16x128xf32>,
    } else {
    }
    return
  }
  func.func @transform_0(%arg0: i32) -> (i32, i32, i32) {
    %c0_i32 = arith.constant 0 : i32
    %c0_i32_0 = arith.constant 0 : i32
    %c0_i32_1 = arith.constant 0 : i32
    return %c0_i32, %arg0, %c0_i32_0 : i32, i32, i32
  }
  func.func @transform_1(%arg0: i32) -> (i32, i32) {
    %c0_i32 = arith.constant 0 : i32
    %c0_i32_0 = arith.constant 0 : i32
    return %arg0, %c0_i32 : i32, i32
  }
  func.func @transform_2(%arg0: i32) -> (i32, i32) {
    %c0_i32 = arith.constant 0 : i32
    %c0_i32_0 = arith.constant 0 : i32
    return %c0_i32, %arg0 : i32, i32
  }
  func.func @transform_3(%arg0: i32) -> i32 {
    %c0_i32 = arith.constant 0 : i32
    %c0_i32_0 = arith.constant 0 : i32
    return %c0_i32 : i32
  }
  func.func @transform_4(%arg0: i32) -> (i32, i32, i32) {
    %c0_i32 = arith.constant 0 : i32
    %c0_i32_0 = arith.constant 0 : i32
    %c0_i32_1 = arith.constant 0 : i32
    return %arg0, %c0_i32, %c0_i32_0 : i32, i32, i32
  }
  func.func @transform_5(%arg0: i32) -> (i32, i32) {
    %c0_i32 = arith.constant 0 : i32
    %c0_i32_0 = arith.constant 0 : i32
    %c0_i32_1 = arith.constant 0 : i32
    return %c0_i32, %c0_i32_0 : i32, i32
  }
  func.func @transform_6(%arg0: i32) -> i32 {
    %c0_i32 = arith.constant 0 : i32
    %c0_i32_0 = arith.constant 0 : i32
    return %c0_i32 : i32
  }
  func.func @transform_7(%arg0: i32) -> (i32, i32) {
    %c0_i32 = arith.constant 0 : i32
    %c0_i32_0 = arith.constant 0 : i32
    %c0_i32_1 = arith.constant 0 : i32
    return %c0_i32, %c0_i32_0 : i32, i32
  }
}

</mosaic_0001>

<sc_bundles>
// kernel: kernel.11.cloned.1.call-start
scs
__scs_entry_jumppad:
0x0: {  	(pc) =	sbr.rel $0x88, $3  }
0x1: {  	(tag) =	ssettag $0x0;
	lr =	simm.s32 $0x1  }
0x2: {  	[smem:$0x3F98] =	sst lr;
	_ =	strace $0xD0000000  }
0x3: {  	_ = 	snop  }
0x4: {  	_ = 	snop  }
0x5: {  	_ = 	snop  }
0x6: {  	_ = 	snop  }
0x7: {  	_ = 	snop  }
__scs_overlays_trampoline_lowered:
0x8: {  	[smem:$0x3FA7] =	sst s0  }
0x9: {  	[smem:$0x3FA8] =	sst s1  }
0xa: {  	[smem:$0x3FA9] =	sst s2  }
0xb: {  	[smem:$0x3FAA] =	sst s3  }
0xc: {  	[smem:$0x3FAB] =	sst s4  }
0xd: {  	[smem:$0x3FAC] =	sst s5  }
0xe: {  	[smem:$0x3FAD] =	sst s6  }
0xf: {  	[smem:$0x3FAE] =	sst s7  }
0x10: {  	[smem:$0x3FAF] =	sst s8  }
0x11: {  	[smem:$0x3FB0] =	sst s9;
	s0 =	simm.s32 @!p0 $0x0  }
0x12: {  	s1 =	sld [smem:$0x3F96];
	s0 =	simm.s32 @p0 $0x1  }
0x13: {  	[smem:$0x3FB1] =	sst s0;
	s0 =	simm.s32 @!p1 $0x0  }
0x14: {  	s2 =	sld [smem:$0x3F95];
	s0 =	simm.s32 @p1 $0x1  }
0x15: {  	[smem:$0x3FB2] =	sst s0;
	s0 =	simm.s32 @!p2 $0x0  }
0x16: {  	s3 =	sld [smem:$0x3FDB];
	s0 =	simm.s32 @p2 $0x1  }
0x17: {  	s4 =	simm.s32 $0x1BF5;
	[smem:$0x3FB4] =	sst s0  }
0x18: {  	s0 =	sld [smem:$0x3F97];
	_ =	swait.ge [sflag:s4], $0x0  }
0x19: {  	s7 =	sld [smem:$0x3F98]  }
0x1a: {  	s8 =	sadd.s32 $0xFFFFE003, lr  }
0x1b: {  	s9 =	sadd.s32 $0xFFFFFEF7, lr;
	s5 =	simm.s32 $0xFFFFFFFF;
	p2 =	slt.u32 s8, $0xFFFFF086  }
0x1c: {  	p1 =	slt.u32 s9, $0xF7A;
	s5 =	simm.s32 @!p2 $0x0  }
0x1d: {  	s5 =	simm.s32 @p1 $0x1;
	p0 =	seq.s32 s7, s2  }
0x1e: {  	s7 =	smul.u32 @!p0 $0xF7A, s2;
	p2 =	seq.s32 @!p0 s5, $0x0  }
0x1f: {  	s9 =	smul.u32 $0xF7A, s1;
	s8 =	simm.s32 @!p0 $0x1BF5;
	p2 =	por !p2, p0  }
0x20: {  	[sflag:s8] =	ssyncset.s32 @!p0 $0xFFFFF086;
	s6 =	sadd.s32 @!p0 s3, s7;
	s7 =	simm.s32 @!p0 $0x108  }
0x21: {  	s3 =	sadd.s32 s3, s9;
	s6 =	sadd.s32 @!p0 $0x88, s6;
	s7 =	simm.s32 @p2 $0x1082  }
0x22: {  	[simem:s7], [sflag:s8] =	dma.local @!p0 [hbm:s6], $0xF7A  }
0x23: {  	s9 =	sor.u32 $0xD0000000, s2;
	s6 =	simm.s32 $0x108;
	_ =	swait.ge @!p0 [sflag:s8], $0x0  }
0x24: {  	s3 =	sadd.s32 $0x88, s3;
	s6 =	simm.s32 @!p1 $0x1082;
	[sflag:s4] =	ssyncset.s32 $0xFFFFF086  }
0x25: {  	[simem:s6], [sflag:s4] =	dma.local [hbm:s3], $0xF7A  }
0x26: {  	[smem:$0x3F98] =	sst s1;
	(tag) =	ssettag s2;
	_ =	strace s9  }
0x27: {  	s1 =	sld [smem:$0x3FA8]  }
0x28: {  	s2 =	sld [smem:$0x3FA9]  }
0x29: {  	s4 =	sld [smem:$0x3FAB]  }
0x2a: {  	p0 =	seq.s32 s5, $0x0;
	s5 =	sld [smem:$0x3FAC]  }
0x2b: {  	s6 =	sld [smem:$0x3FAD]  }
0x2c: {  	s7 =	sld [smem:$0x3FAE]  }
0x2d: {  	s3 =	simm.s32 $0x108;
	s8 =	sld [smem:$0x3FAF]  }
0x2e: {  	s3 =	simm.s32 @!p0 $0x1082;
	s9 =	sld [smem:$0x3FB0]  }
0x2f: {  	lr =	sadd.s32 s0, s3;
	s0 =	sld [smem:$0x3FA7]  }
0x30: {  	s3 =	sld [smem:$0x3FAA]  }
0x31: {  	[smem:$0x3FB3] =	sst s10  }
0x32: {  	s10 =	sld [smem:$0x3FB1];
	_ =	sdelay $0x3  }
0x33: {  	p0 =	seq.s32 s10, $0x1;
	s10 =	sld [smem:$0x3FB3];
	_ =	sdelay $0x3  }
0x34: {  	[smem:$0x3FB3] =	sst s10  }
0x35: {  	s10 =	sld [smem:$0x3FB2];
	_ =	sdelay $0x3  }
0x36: {  	p1 =	seq.s32 s10, $0x1;
	s10 =	sld [smem:$0x3FB3];
	_ =	sdelay $0x3  }
0x37: {  	[smem:$0x3FB3] =	sst s10  }
0x38: {  	s10 =	sld [smem:$0x3FB4]  }
0x39: {  	_ = 	snop;
	(pc) =	sbr.ind lr, $3  }
0x3a: {  	_ = 	snop  }
0x3b: {  	_ = 	snop  }
0x3c: {  	p2 =	seq.s32 s10, $0x1;
	s10 =	sld [smem:$0x3FB3]  }
0x3d: {  	_ =	shalt  }
0x3e: {  	_ =	shalt  }
0x3f: {  	_ =	shalt  }
0x40: {  	_ =	shalt  }
0x41: {  	_ =	shalt  }
0x42: {  	_ =	shalt  }
0x43: {  	_ =	shalt  }
0x44: {  	_ =	shalt  }
0x45: {  	_ =	shalt  }
0x46: {  	_ =	shalt  }
0x47: {  	_ =	shalt  }
0x48: {  	_ =	shalt  }
0x49: {  	_ =	shalt  }
0x4a: {  	_ =	shalt  }
0x4b: {  	_ =	shalt  }
0x4c: {  	_ =	shalt  }
0x4d: {  	_ =	shalt  }
0x4e: {  	_ =	shalt  }
0x4f: {  	_ =	shalt  }
0x50: {  	_ =	shalt  }
0x51: {  	_ =	shalt  }
0x52: {  	_ =	shalt  }
0x53: {  	_ =	shalt  }
0x54: {  	_ =	shalt  }
0x55: {  	_ =	shalt  }
0x56: {  	_ =	shalt  }
0x57: {  	_ =	shalt  }
0x58: {  	_ =	shalt  }
0x59: {  	_ =	shalt  }
0x5a: {  	_ =	shalt  }
0x5b: {  	_ =	shalt  }
0x5c: {  	_ =	shalt  }
0x5d: {  	_ =	shalt  }
0x5e: {  	_ =	shalt  }
0x5f: {  	_ =	shalt  }
0x60: {  	_ =	shalt  }
0x61: {  	_ =	shalt  }
0x62: {  	_ =	shalt  }
0x63: {  	_ =	shalt  }
0x64: {  	_ =	shalt  }
0x65: {  	_ =	shalt  }
0x66: {  	_ =	shalt  }
0x67: {  	_ =	shalt  }
0x68: {  	_ =	shalt  }
0x69: {  	_ =	shalt  }
0x6a: {  	_ =	shalt  }
0x6b: {  	_ =	shalt  }
0x6c: {  	_ =	shalt  }
0x6d: {  	_ =	shalt  }
0x6e: {  	_ =	shalt  }
0x6f: {  	_ =	shalt  }
0x70: {  	_ =	shalt  }
0x71: {  	_ =	shalt  }
0x72: {  	_ =	shalt  }
0x73: {  	_ =	shalt  }
0x74: {  	_ =	shalt  }
0x75: {  	_ =	shalt  }
0x76: {  	_ =	shalt  }
0x77: {  	_ =	shalt  }
0x78: {  	_ =	shalt  }
0x79: {  	_ =	shalt  }
0x7a: {  	_ =	shalt  }
0x7b: {  	_ =	shalt  }
0x7c: {  	_ =	shalt  }
0x7d: {  	_ =	shalt  }
0x7e: {  	_ =	shalt  }
0x7f: {  	_ =	shalt  }
0x80: {  	_ =	shalt  }
0x81: {  	_ =	shalt  }
0x82: {  	_ =	shalt  }
0x83: {  	_ =	shalt  }
0x84: {  	_ =	shalt  }
0x85: {  	_ =	shalt  }
0x86: {  	_ =	shalt  }
0x87: {  	_ =	shalt  }
.Lfunc_end0:
.L_simem_size_0:
called_computation.1_lowered:
.L_overlay_start_0:
0x88: {  	s2 =	sld [smem:$0x3FD9]  }
0x89: {  	s3 =	sld [smem:$0x3FFE];
	_ =	sdelay $0x1  }
0x8a: {  	s1 =	srdreg.scid  }
0x8b: {  	s0 =	sand.u32 $0x1, s1  }
0x8c: {  	s16 =	sshll.u32 s0, $0xA;
	s2 =	sadd.s32 s3, s2  }
0x8d: {  	s2 =	sadd.s32 s2, s16  }
0x8e: {  	[smem:$0x3FBF] =	sst s2  }
0x8f: {  	_ = 	snop  }
0x90: {  	(tm) =	ssettm $0x1  }
0x91: {  	s17 =	sld [smem:$0x3FFB];
	_ =	sdelay $0x3  }
0x92: {  	_ =	strace s17  }
0x93: {  	s2 =	sld [smem:$0x3FFC];
	_ =	sdelay $0x3  }
0x94: {  	_ =	strace s2  }
0x95: {  	s2 =	sld [smem:$0x3FFD];
	_ =	sdelay $0x3  }
0x96: {  	_ =	strace s2  }
0x97: {  	_ =	strace $0x8FFFFFFF  }
0x98: {  	s18 =	sld [smem:$0x3FDB];
	_ =	sdelay $0x1  }
0x99: {  	s19 =	simm.s32 $_scs_section_size  }
0x9a: {  	s4 =	simm.s32 $_size__tile_overlayer_lowered;
	s5 =	simm.s32 $_tile_overlayer_lowered  }
0x9b: {  	s22 =	simm.s32 $0x1BFF;
	s21 =	sshll.u32 s5, $0x1;
	s2 =	sadd.s32 s19, s18  }
0x9c: {  	s6 =	simm.s32 $0x0;
	s20 =	sshll.u32 s4, $0x1;
	s4 =	sadd.s32 s21, s2  }
0x9d: {  	[timem:s6], [sflag:s22] =	dma.local [hbm:s4], s20  }
0x9e: {  	_ =	swait.ge [sflag:s22], s20  }
0x9f: {  	s3 =	ssub.s32 $0x0, s20;
	[sflag:s22] =	ssyncset.done $0x0  }
0xa0: {  	[sflag:s22] =	ssyncadd.s32 s3;
	_ =	sdelay $0x1  }
0xa1: {  	s23 =	simm.s32 $0x1B8B  }
0xa2: {  	_ =	swait.ge [sflag:s23], $0x1  }
0xa3: {  	[sflag:s23] =	ssyncset.done $0x0  }
0xa4: {  	s25 =	simm.s32 $0x1B8E;
	s24 =	sld [smem:$0x3FFE];
	[sflag:s23] =	ssyncadd.s32 $0xFFFFFFFF  }
0xa5: {  	s26 =	simm.s32 $execute0_lowered;
	[smem:$0x3FD2] =	sst s25  }
0xa6: {  	s4 =	sshll.u32 s26, $0x1;
	_ =	strace $0x80000049;
	[dreg:$0x1] =	wrdreg $0xFFFFFFFF  }
0xa7: {  	s28 =	simm.s32 $_size_execute0_lowered;
	s2 =	sadd.s32 s2, s4;
	[dreg:$0x0] =	wrdreg $0x0  }
0xa8: {  	s4 =	sshll.u32 s28, $0x1;
	[dreg:$0x2] =	wrdreg s2  }
0xa9: {  	[dreg:$0x3] =	wrdreg s4  }
0xaa: {  	[dreg:$0x4] =	wrdreg $0xC0  }
0xab: {  	_ =	task [dreg:s6], $0x5FFFF  }
0xac: {  	[dreg:$0x1] =	wrdreg $0xFFFFFFFF  }
0xad: {  	[dreg:$0x0] =	wrdreg $0x60  }
0xae: {  	[dreg:$0x2] =	wrdreg s24  }
0xaf: {  	[dreg:$0x3] =	wrdreg $0x82000  }
0xb0: {  	[dreg:$0x4] =	wrdreg $0x9  }
0xb1: {  	_ =	task.clear_ibuf [dreg:s6], $0x5FFFF;
	_ =	strace $0x90000049  }
0xb2: {  	s29 =	simm.s32 $0x9;
	_ =	strace $0x8000004B  }
0xb3: {  	_ =	swait.ge [sflag:s29], $0x1  }
0xb4: {  	[sflag:s29] =	ssyncadd.s32 $0xFFFFFFFF  }
0xb5: {  	_ =	strace $0x9000004B  }
0xb6: {  	_ =	sfence  }
0xb7: {  	s30 =	sld [smem:$0x0];
	_ =	sdelay $0x2  }
0xb8: {  	s31 =	sshll.u32 s1, $0xD;
	s1 =	sshrl.u32 s1, $0x2  }
0xb9: {  	s3 =	sand.u32 $0x4000, s31;
	s1 =	sadd.s32 s1, s30  }
0xba: {  	s0 =	sor.u32 s3, s0;
	s1 =	sshll.u32 s1, $0x11  }
0xbb: {  	s0 =	sor.u32 s1, s0  }
0xbc: {  	s0 =	sadd.s32 $0x8F2B, s0  }
0xbd: {  	[sflag:s0] =	ssyncadd.remote.s32 $0x1  }
0xbe: {  	_ =	sfence.sel $0xFFFF  }
0xbf: {  	[dreg:$0x0] =	wrdreg $0xFFFFFFFF;
	(pc) =	sbr.abs _section_cstart, $3  }
0xc0: {  	[dreg:$0x1] =	wrdreg $0xFFFFFFFF  }
0xc1: {  	_ =	task.clear_ibuf [dreg:s6], $0x2FFFF;
	_ =	strace $0x9FFFFFFF  }
0xc2: {  	(tm) =	ssettm $0x7FFFFFFF  }
0xc3: {  	_ =	shalt  }
tec
execute0_lowered:
.L_overlay_start_1:
0x0: {  	(tag) =	ssettag $0x1  }
0x1: {  	s0 =	rddreg [dreg:$0x0]  }
0x2: {  	s1 =	rddreg [dreg:$0x1];
	s2 =	simm.s32 $0x0  }
0x3: {  	s6 =	srdreg.scid;
	s21 =	stileid.u32;
	s29 =	simm.s32 $0x200  }
0x4: {  	s30 =	simm.s32 $0x9;
	s31 =	simm.s32 $0x80;
	[smem:$0x7FF] =	sst s2  }
0x5: {  	s3 =	sadd.s32 $0x21400, s0;
	s4 =	sadd.s32 $0x17400, s0;
	s5 =	sadd.s32 $0xD400, s0  }
0x6: {  	s7 =	sadd.s32 $0x2800, s0;
	s6 =	sand.u32 $0x1, s6;
	s8 =	smul.u32 $0x50000, s21  }
0x7: {  	s0 =	sadd.s32 $0x49400, s0;
	s12 =	smul.u32 $0x14000, s21;
	_ =	strace $0x8000004A  }
0x8: {  	[dreg:$0x3] =	wrdreg s7;
	s22 =	ssub.s32 $0x2, s6;
	s19 =	smul.u32 $0x140000, s6  }
0x9: {  	s10 =	sshll.u32 s6, $0x4;
	s6 =	smul.u32 $0x5000, s6;
	s9 =	sshrl.u32 s22, $0x1  }
0xa: {  	s10 =	sor.u32 s21, s10;
	s23 =	sshrl.u32 s8, $0x2;
	s14 =	sadd.s32 $0x4000, s12  }
0xb: {  	s15 =	sadd.s32 $0x8000, s12;
	s17 =	sadd.s32 $0xC000, s12;
	s18 =	sadd.s32 $0x10000, s12  }
0xc: {  	s13 =	ssub.s32 s22, s9;
	s7 =	sadd.s32 s23, s1;
	s8 =	sadd.s32 s14, s1  }
0xd: {  	s9 =	sadd.s32 s15, s1;
	s16 =	smul.u32 $0x500, s10;
	s10 =	sadd.s32 s17, s1  }
0xe: {  	s11 =	sadd.s32 s18, s1;
	s12 =	sadd.s32 s12, s19;
	s14 =	sadd.s32 s19, s14  }
0xf: {  	s15 =	sadd.s32 s19, s15;
	s12 =	sshrl.u32 s12, $0x3;
	s25 =	sshrl.u32 s14, $0x3  }
0x10: {  	s26 =	sshrl.u32 s15, $0x3;
	s14 =	sadd.s32 s19, s17;
	s15 =	sadd.s32 s19, s18  }
0x11: {  	s18 =	smul.u32 $0x500, s21;
	s22 =	smax.u32 s13, $0x1;
	s13 =	simm.s32 $0x4200  }
0x12: {  	s23 =	sadd.s32 s4, s16;
	s20 =	sadd.s32 s5, s16;
	[dreg:$0xd] =	wrdreg s22  }
0x13: {  	s24 =	sor.u32 $0x10, s16;
	s12 =	sadd.s32 s0, s12;
	[dreg:$0x5] =	wrdreg s20  }
0x14: {  	s28 =	sadd.s32 s0, s26;
	s17 =	sshrl.u32 s15, $0x3;
	[dreg:$0x6] =	wrdreg s12  }
0x15: {  	s15 =	simm.s32 $0x7;
	s12 =	sadd.s32 s0, s25;
	[dreg:$0x8] =	wrdreg s28  }
0x16: {  	s19 =	sadd.s32 s4, s24;
	s21 =	sadd.s32 s5, s24;
	s24 =	sor.u32 $0x20, s16  }
0x17: {  	s22 =	sadd.s32 s18, s6;
	[dreg:$0x4] =	wrdreg s23;
	s28 =	sadd.s32 $0x30, s23  }
0x18: {  	s6 =	simm.s32 $0x4;
	s18 =	simm.s32 $0x6;
	[dreg:$0x7] =	wrdreg s12  }
0x19: {  	s20 =	simm.s32 $0x0;
	s12 =	sshrl.u32 s14, $0x3;
	[dreg:$0xb] =	wrdreg s19  }
0x1a: {  	[dreg:$0xc] =	wrdreg s21;
	s25 =	sadd.s32 s4, s24;
	s26 =	sadd.s32 s5, s22  }
.Ltmp0:
0x1b: {  	[dreg:$0x10] =	wrdreg s28;
	s14 =	simm.s32 $0x1;
	(pc) =	sbr.rel .LBB2_1-.Ltmp0, $4  }
0x1c: {  	s19 =	simm.s32 $0x8;
	s12 =	sadd.s32 s0, s12;
	[dreg:$0xe] =	wrdreg s25  }
0x1d: {  	s0 =	sadd.s32 s0, s17;
	s25 =	sadd.s32 s4, s22;
	[dreg:$0x9] =	wrdreg s12  }
0x1e: {  	s26 =	sadd.s32 $0x40, s26;
	[dreg:$0xa] =	wrdreg s0;
	s0 =	sadd.s32 s5, s24  }
0x1f: {  	s4 =	simm.s32 $0x180;
	s17 =	simm.s32 $0x2;
	[dreg:$0xf] =	wrdreg s0  }
.LBB2_4:
0x20: {  	_ =	swait.ge [sflag:s15], $0x4000  }
0x21: {  	[sflag:s15] =	ssyncset.done $0x0  }
0x22: {  	[sflag:s15] =	ssyncadd.s32 $0xFFFFC000  }
0x23: {  	_ =	swait.ge [sflag:s19], $0x4000  }
0x24: {  	[sflag:s19] =	ssyncset.done $0x0  }
0x25: {  	[sflag:s19] =	ssyncadd.s32 $0xFFFFC000  }
0x26: {  	[bflag:$0x0] =	sbarrier.arrive $0xFFFF  }
0x27: {  	[tilespmem:s29], [sflag:$0x9] =	stream.linear.gather [spmem:s7], $0x4000, $0x38;
	[tilespmem:$0x1C200] =	vst v63  }
0x28: {  	_ =	swait.ge [sflag:s30], $0x4000  }
0x29: {  	[sflag:s30] =	ssyncset.done $0x0  }
0x2a: {  	s0 =	rddreg [dreg:$0x6];
	[sflag:s30] =	ssyncadd.s32 $0xFFFFC000  }
0x2b: {  	[hbm4b:s0+s2] =	stream.linear.scatter [tilespmem:s29], [sflag:$0x1], $0x4000, $0x38;
	[tilespmem:$0x1C200] =	vst v63  }
0x2c: {  	_ = 	snop  }
0x2d: {  	[tilespmem:s13], [sflag:$0x9] =	stream.linear.gather [spmem:s8], $0x4000, $0x38;
	[tilespmem:$0x1C200] =	vst v63  }
0x2e: {  	_ =	swait.ge [sflag:s30], $0x4000  }
0x2f: {  	[sflag:s30] =	ssyncset.done $0x0  }
0x30: {  	s16 =	rddreg [dreg:$0x7];
	[sflag:s30] =	ssyncadd.s32 $0xFFFFC000  }
0x31: {  	[hbm4b:s16+s2] =	stream.linear.scatter [tilespmem:s13], [sflag:$0x2], $0x4000, $0x38;
	[tilespmem:$0x1C200] =	vst v63  }
0x32: {  	_ =	swait.ge [sflag:s14], $0x4000  }
0x33: {  	[sflag:s14] =	ssyncset.done $0x0  }
0x34: {  	[sflag:s14] =	ssyncadd.s32 $0xFFFFC000  }
0x35: {  	[tilespmem:s29], [sflag:$0x9] =	stream.linear.gather [spmem:s9], $0x4000, $0x38;
	[tilespmem:$0x1C200] =	vst v63  }
0x36: {  	_ =	swait.ge [sflag:s30], $0x4000  }
0x37: {  	[sflag:s30] =	ssyncset.done $0x0  }
0x38: {  	s21 =	rddreg [dreg:$0x8];
	[sflag:s30] =	ssyncadd.s32 $0xFFFFC000  }
0x39: {  	[hbm4b:s21+s2] =	stream.linear.scatter [tilespmem:s29], [sflag:$0x1], $0x4000, $0x38;
	[tilespmem:$0x1C200] =	vst v63  }
0x3a: {  	_ =	swait.ge [sflag:s17], $0x4000  }
0x3b: {  	[sflag:s17] =	ssyncset.done $0x0  }
0x3c: {  	[sflag:s17] =	ssyncadd.s32 $0xFFFFC000  }
0x3d: {  	[tilespmem:s13], [sflag:$0x9] =	stream.linear.gather [spmem:s10], $0x4000, $0x38;
	[tilespmem:$0x1C200] =	vst v63  }
0x3e: {  	_ =	swait.ge [sflag:s30], $0x4000  }
0x3f: {  	[sflag:s30] =	ssyncset.done $0x0  }
0x40: {  	s23 =	rddreg [dreg:$0x9];
	[sflag:s30] =	ssyncadd.s32 $0xFFFFC000  }
0x41: {  	[hbm4b:s23+s2] =	stream.linear.scatter [tilespmem:s13], [sflag:$0x2], $0x4000, $0x38;
	[tilespmem:$0x1C200] =	vst v63  }
0x42: {  	_ =	swait.ge [sflag:s14], $0x4000  }
0x43: {  	[sflag:s14] =	ssyncset.done $0x0  }
0x44: {  	[sflag:s14] =	ssyncadd.s32 $0xFFFFC000  }
0x45: {  	[tilespmem:s29], [sflag:$0x9] =	stream.linear.gather [spmem:s11], $0x4000, $0x38;
	[tilespmem:$0x1C200] =	vst v63  }
0x46: {  	_ =	swait.ge [sflag:s30], $0x4000  }
0x47: {  	[sflag:s30] =	ssyncset.done $0x0  }
0x48: {  	s24 =	rddreg [dreg:$0xa];
	[sflag:s30] =	ssyncadd.s32 $0xFFFFC000  }
0x49: {  	[hbm4b:s24+s2] =	stream.linear.scatter [tilespmem:s29], [sflag:$0x1], $0x4000, $0x38;
	[tilespmem:$0x1C200] =	vst v63  }
0x4a: {  	_ =	swait.ge [sflag:s17], $0x4000  }
0x4b: {  	[sflag:s17] =	ssyncset.done $0x0  }
0x4c: {  	[sflag:s17] =	ssyncadd.s32 $0xFFFFC000  }
0x4d: {  	_ =	swait.ge [sflag:s14], $0x4000  }
0x4e: {  	s20 =	sadd.s32 $0x1, s20;
	s28 =	rddreg [dreg:$0xd]  }
0x4f: {  	p0 =	sne.s32 s20, s28  }
.Ltmp1:
0x50: {  	_ = 	snop;
	(pc) =	sbr.rel @!p0 .LBB2_5-.Ltmp1, $3  }
0x51: {  	_ =	sdelay $0x1  }
0x52: {  	[sflag:s14] =	ssyncset.done $0x0  }
0x53: {  	[sflag:s14] =	ssyncadd.s32 $0xFFFFC000  }
.LBB2_1:
0x54: {  	s0 =	rddreg [dreg:$0x3]  }
0x55: {  	[tilespmem:s29], [sflag:$0x9] =	stream.linear.gather [hbm4b:s0+s2], $0x4000, $0x38;
	[tilespmem:$0x1C200] =	vst v63  }
0x56: {  	_ =	swait.ge [sflag:s30], $0x4000  }
0x57: {  	[sflag:s30] =	ssyncset.done $0x0  }
0x58: {  	[sflag:s30] =	ssyncadd.s32 $0xFFFFC000  }
0x59: {  	[spmem:s7] =	stream.linear.scatter [tilespmem:s29], [sflag:$0x9], $0x4000, $0x38;
	[tilespmem:$0x1C200] =	vst v63  }
0x5a: {  	_ =	swait.ge [sflag:s30], $0x4000  }
0x5b: {  	[sflag:s30] =	ssyncset.done $0x0  }
0x5c: {  	[sflag:s30] =	ssyncadd.s32 $0xFFFFC000  }
0x5d: {  	[spmem:s8] =	stream.linear.scatter [tilespmem:s29], [sflag:$0x9], $0x4000, $0x38;
	[tilespmem:$0x1C200] =	vst v63  }
0x5e: {  	_ =	swait.ge [sflag:s30], $0x4000  }
0x5f: {  	[sflag:s30] =	ssyncset.done $0x0  }
0x60: {  	[sflag:s30] =	ssyncadd.s32 $0xFFFFC000  }
0x61: {  	[spmem:s9] =	stream.linear.scatter [tilespmem:s29], [sflag:$0x9], $0x4000, $0x38;
	[tilespmem:$0x1C200] =	vst v63  }
0x62: {  	_ =	swait.ge [sflag:s30], $0x4000  }
0x63: {  	[sflag:s30] =	ssyncset.done $0x0  }
0x64: {  	[sflag:s30] =	ssyncadd.s32 $0xFFFFC000  }
0x65: {  	[spmem:s10] =	stream.linear.scatter [tilespmem:s29], [sflag:$0x9], $0x4000, $0x38;
	[tilespmem:$0x1C200] =	vst v63  }
0x66: {  	_ =	swait.ge [sflag:s30], $0x4000  }
0x67: {  	[sflag:s30] =	ssyncset.done $0x0  }
0x68: {  	[sflag:s30] =	ssyncadd.s32 $0xFFFFC000  }
0x69: {  	[spmem:s11] =	stream.linear.scatter [tilespmem:s29], [sflag:$0x9], $0x4000, $0x38;
	[tilespmem:$0x1C200] =	vst v63  }
0x6a: {  	_ =	swait.ge [sflag:s30], $0x4000  }
0x6b: {  	[sflag:s30] =	ssyncset.done $0x0  }
0x6c: {  	[sflag:s30] =	ssyncadd.s32 $0xFFFFC000  }
0x6d: {  	[bflag:$0x0] =	sbarrier.arrive $0xFFFF  }
0x6e: {  	s21 =	rddreg [dreg:$0x4]  }
0x6f: {  	[tilespmem:s2], [sflag:$0x9] =	stream.linear.gather [hbm4b:s21+s2], $0x80, $0x38;
	[tilespmem:$0x1C200] =	vst v63  }
0x70: {  	_ =	swait.ge [sflag:s30], $0x80  }
0x71: {  	[sflag:s30] =	ssyncset.done $0x0  }
0x72: {  	[sflag:s30] =	ssyncadd.s32 $0xFFFFFF80  }
0x73: {  	[tilespmem:s29], [sflag:$0x1] =	stream.indirect.gather [hbm4b:s3+s31], $0x80, s2, s31, $0xb8;
	[tilespmem:$0x1C200] =	vst v63  }
0x74: {  	s12 =	simm.s32 $0x100;
	s23 =	rddreg [dreg:$0x5]  }
0x75: {  	[tilespmem:s12], [sflag:$0x5] =	stream.linear.gather [hbm4b:s23+s2], $0x80, $0x38;
	[tilespmem:$0x1C200] =	vst v63  }
0x76: {  	s24 =	rddreg [dreg:$0xb]  }
0x77: {  	[tilespmem:s31], [sflag:$0x4] =	stream.linear.gather [hbm4b:s24+s2], $0x80, $0x38;
	[tilespmem:$0x1C200] =	vst v63  }
0x78: {  	s28 =	rddreg [dreg:$0xc]  }
0x79: {  	[tilespmem:s4], [sflag:$0x6] =	stream.linear.gather [hbm4b:s28+s2], $0x80, $0x38;
	[tilespmem:$0x1C200] =	vst v63  }
0x7a: {  	_ =	swait.ge [sflag:s6], $0x80  }
0x7b: {  	[sflag:s6] =	ssyncset.done $0x0  }
0x7c: {  	[sflag:s6] =	ssyncadd.s32 $0xFFFFFF80  }
0x7d: {  	[tilespmem:s13], [sflag:$0x2] =	stream.indirect.gather [hbm4b:s3+s31], $0x80, s31, s31, $0xb8;
	[tilespmem:$0x1C200] =	vst v63  }
0x7e: {  	_ =	swait.ge [sflag:s14], $0x4000  }
0x7f: {  	[sflag:s14] =	ssyncset.done $0x0  }
0x80: {  	s21 =	simm.s32 $0x5;
	s16 =	rddreg [dreg:$0xe];
	[sflag:s14] =	ssyncadd.s32 $0xFFFFC000  }
0x81: {  	[tilespmem:s2], [sflag:$0x3] =	stream.linear.gather [hbm4b:s16+s2], $0x80, $0x38;
	[tilespmem:$0x1C200] =	vst v63  }
0x82: {  	_ =	swait.ge [sflag:s21], $0x80  }
0x83: {  	[sflag:s21] =	ssyncset.done $0x0  }
0x84: {  	[sflag:s21] =	ssyncadd.s32 $0xFFFFFF80  }
0x85: {  	[spmem:s1] =	stream.indirect.scatter.add.f32 [tilespmem:s29], [sflag:$0x7], $0x80, s12, s31, $0xb8;
	[tilespmem:$0x1C200] =	vst v63  }
0x86: {  	_ =	swait.ge [sflag:s15], $0x4000  }
0x87: {  	[sflag:s15] =	ssyncset.done $0x0  }
0x88: {  	s24 =	simm.s32 $0x3;
	s23 =	rddreg [dreg:$0xf];
	[sflag:s15] =	ssyncadd.s32 $0xFFFFC000  }
0x89: {  	[tilespmem:s12], [sflag:$0x5] =	stream.linear.gather [hbm4b:s23+s2], $0x80, $0x38;
	[tilespmem:$0x1C200] =	vst v63  }
0x8a: {  	_ =	swait.ge [sflag:s24], $0x80  }
0x8b: {  	[sflag:s24] =	ssyncset.done $0x0  }
0x8c: {  	[sflag:s24] =	ssyncadd.s32 $0xFFFFFF80  }
0x8d: {  	[tilespmem:s29], [sflag:$0x1] =	stream.indirect.gather [hbm4b:s3+s31], $0x80, s2, s31, $0xb8;
	[tilespmem:$0x1C200] =	vst v63  }
0x8e: {  	_ =	swait.ge [sflag:s17], $0x4000  }
0x8f: {  	[sflag:s17] =	ssyncset.done $0x0  }
0x90: {  	[sflag:s17] =	ssyncadd.s32 $0xFFFFC000  }
0x91: {  	_ =	swait.ge [sflag:s18], $0x80  }
0x92: {  	[sflag:s18] =	ssyncset.done $0x0  }
0x93: {  	[sflag:s18] =	ssyncadd.s32 $0xFFFFFF80  }
0x94: {  	[spmem:s1] =	stream.indirect.scatter.add.f32 [tilespmem:s13], [sflag:$0x8], $0x80, s4, s31, $0xb8;
	[tilespmem:$0x1C200] =	vst v63  }
0x95: {  	s23 =	simm.s32 $0x0;
	s28 =	rddreg [dreg:$0x10]  }
0x96: {  	[tilespmem:s31], [sflag:$0x4] =	stream.linear.gather [hbm4b:s28+s2], $0x80, $0x38;
	[tilespmem:$0x1C200] =	vst v63  }
.LBB2_2:
0x97: {  	_ =	swait.ge [sflag:s6], $0x80  }
0x98: {  	s21 =	sadd.s32 $0x20, s23;
	[sflag:s6] =	ssyncset.done $0x0  }
0x99: {  	s24 =	sadd.s32 s22, s21;
	s28 =	sand.u32 $0x60, s21;
	[sflag:s6] =	ssyncadd.s32 $0xFFFFFF80  }
0x9a: {  	s24 =	sand.u32 $0xFFFFF80, s24;
	s28 =	sadd.s32 s28, s5;
	_ =	swait.ge [sflag:s19], $0x4000  }
0x9b: {  	s24 =	sadd.s32 s24, s28;
	[sflag:s19] =	ssyncset.done $0x0  }
0x9c: {  	s24 =	sadd.s32 $0x10, s24;
	[sflag:s19] =	ssyncadd.s32 $0xFFFFC000  }
0x9d: {  	[tilespmem:s4], [sflag:$0x6] =	stream.linear.gather [hbm4b:s24+s2], $0x80, $0x38;
	[tilespmem:$0x1C200] =	vst v63  }
0x9e: {  	_ = 	snop  }
0x9f: {  	[tilespmem:s13], [sflag:$0x2] =	stream.indirect.gather [hbm4b:s3+s31], $0x80, s31, s31, $0xb8;
	[tilespmem:$0x1C200] =	vst v63  }
0xa0: {  	_ =	swait.ge [sflag:s14], $0x4000  }
0xa1: {  	p0 =	seq.s32 s23, $0x4C0;
	[sflag:s14] =	ssyncset.done $0x0  }
0xa2: {  	s24 =	simm.s32 @p0 $0x5;
	[sflag:s14] =	ssyncadd.s32 $0xFFFFC000  }
0xa3: {  	_ =	swait.ge @p0 [sflag:s24], $0x80  }
0xa4: {  	s0 =	simm.s32 @p0 $0x200;
	[sflag:s24] =	ssyncset.done @p0 $0x0  }
0xa5: {  	s28 =	simm.s32 @p0 $0x100;
	[sflag:s24] =	ssyncadd.s32 @p0 $0xFFFFFF80;
	s24 =	simm.s32 @p0 $0x80  }
0xa6: {  	[spmem:s1] =	stream.indirect.scatter.add.f32 @p0 [tilespmem:s0], [sflag:$0x7], $0x80, s28, s24, $0xb8;
	[tilespmem:$0x1C200] =	vst v63  }
0xa7: {  	s0 =	sadd.s32 @!p0 s23, s25  }
0xa8: {  	s24 =	simm.s32 @!p0 $0x0;
	s0 =	sadd.s32 @!p0 $0x40, s0  }
0xa9: {  	[tilespmem:s24], [sflag:$0x3] =	stream.linear.gather @!p0 [hbm4b:s0+s24], $0x80, $0x38;
	[tilespmem:$0x1C200] =	vst v63  }
0xaa: {  	s0 =	simm.s32 @!p0 $0x5  }
0xab: {  	_ =	swait.ge @!p0 [sflag:s0], $0x80  }
0xac: {  	s12 =	simm.s32 @!p0 $0x200;
	s16 =	simm.s32 @!p0 $0x7;
	[sflag:s0] =	ssyncset.done @!p0 $0x0  }
0xad: {  	s28 =	simm.s32 @!p0 $0x100;
	[sflag:s0] =	ssyncadd.s32 @!p0 $0xFFFFFF80;
	s0 =	simm.s32 @!p0 $0x80  }
0xae: {  	[spmem:s1] =	stream.indirect.scatter.add.f32 @!p0 [tilespmem:s12], [sflag:$0x7], $0x80, s28, s0, $0xb8;
	[tilespmem:$0x1C200] =	vst v63  }
0xaf: {  	_ =	swait.ge @!p0 [sflag:s16], $0x4000  }
0xb0: {  	[sflag:s16] =	ssyncset.done @!p0 $0x0  }
0xb1: {  	[sflag:s16] =	ssyncadd.s32 @!p0 $0xFFFFC000;
	s16 =	sadd.s32 @!p0 s23, s26  }
0xb2: {  	[tilespmem:s28], [sflag:$0x5] =	stream.linear.gather @!p0 [hbm4b:s16+s24], $0x80, $0x38;
	[tilespmem:$0x1C200] =	vst v63  }
0xb3: {  	s16 =	simm.s32 @!p0 $0x3  }
0xb4: {  	_ =	swait.ge @!p0 [sflag:s16], $0x80  }
0xb5: {  	[sflag:s16] =	ssyncset.done @!p0 $0x0  }
0xb6: {  	[sflag:s16] =	ssyncadd.s32 @!p0 $0xFFFFFF80  }
0xb7: {  	[tilespmem:s12], [sflag:$0x1] =	stream.indirect.gather @!p0 [hbm4b:s3+s0], $0x80, s24, s0, $0xb8;
	[tilespmem:$0x1C200] =	vst v63  }
0xb8: {  	_ =	swait.ge [sflag:s17], $0x4000  }
0xb9: {  	[sflag:s17] =	ssyncset.done $0x0  }
.Ltmp2:
0xba: {  	[sflag:s17] =	ssyncadd.s32 $0xFFFFC000;
	(pc) =	sbr.rel @p0 .LBB2_4-.Ltmp2, $4  }
0xbb: {  	_ =	swait.ge [sflag:s18], $0x80  }
0xbc: {  	[sflag:s18] =	ssyncset.done $0x0  }
0xbd: {  	[sflag:s18] =	ssyncadd.s32 $0xFFFFFF80  }
0xbe: {  	[spmem:s1] =	stream.indirect.scatter.add.f32 [tilespmem:s13], [sflag:$0x8], $0x80, s4, s31, $0xb8;
	[tilespmem:$0x1C200] =	vst v63  }
.Ltmp3:
0xbf: {  	(pc) =	sbr.rel .LBB2_2-.Ltmp3, $4  }
0xc0: {  	_ = 	snop  }
0xc1: {  	s0 =	sadd.s32 s23, s25  }
0xc2: {  	s23 =	smov.u32 s21;
	s0 =	sadd.s32 $0x50, s0  }
0xc3: {  	[tilespmem:s31], [sflag:$0x4] =	stream.linear.gather [hbm4b:s0+s2], $0x80, $0x38;
	[tilespmem:$0x1C200] =	vst v63  }
.LBB2_5:
0xc4: {  	_ =	sfence.sel $0x180000  }
0xc5: {  	[bflag:$0x0] =	sbarrier.arrive $0xFFFF  }
0xc6: {  	_ =	strace $0x9000004A  }
0xc7: {  	s0 =	stileid.u32;
	[bflag:$0x2] =	sbarrier.arrive $0xFFFF  }
0xc8: {  	p0 =	sne.s32 s0, $0x0;
	s0 =	rddreg [dreg:$0x2]  }
0xc9: {  	s0 =	sadd.s32 @!p0 $0x100000, s0  }
0xca: {  	[sflag:s0] =	ssyncadd.tile.s32 @!p0 $0x1;
	_ =	shalt  }
.Lfunc_end2:
_tile_overlayer_lowered:
.L_overlay_start_2:
0xcb: {  	(tag) =	ssettag $0x2  }
0xcc: {  	s0 =	rddreg [dreg:$0x0];
	s2 =	stileid.u32  }
0xcd: {  	s1 =	rddreg [dreg:$0x1];
	p0 =	sne.s32 s2, $0x0  }
0xce: {  	s3 =	rddreg [dreg:$0x2];
	[bflag:$0x3] =	sbarrier.arrive $0xFFFF;
	s2 =	simm.s32 @!p0 $0x1C09  }
0xcf: {  	[timem:s3], [sflag:s2] =	dma.local @!p0 [hbm:s0], s1  }
0xd0: {  	s0 =	simm.s32 @!p0 $0x9  }
0xd1: {  	_ =	swait.ge @!p0 [sflag:s0], s1  }
0xd2: {  	s1 =	ssub.s32 @!p0 $0x0, s1;
	[sflag:s0] =	ssyncset.done @!p0 $0x0  }
0xd3: {  	[sflag:s0] =	ssyncadd.s32 @!p0 s1  }
0xd4: {  	[bflag:$0x3] =	sbarrier.arrive $0xFFFF  }
0xd5: {  	_ =	shalt  }

// kernel: kernel.14.cloned.1.call-start
scs
__scs_entry_jumppad:
0x0: {  	(pc) =	sbr.rel $0x88, $3  }
0x1: {  	(tag) =	ssettag $0x0;
	lr =	simm.s32 $0x1  }
0x2: {  	[smem:$0x3F98] =	sst lr;
	_ =	strace $0xD0000000  }
0x3: {  	_ = 	snop  }
0x4: {  	_ = 	snop  }
0x5: {  	_ = 	snop  }
0x6: {  	_ = 	snop  }
0x7: {  	_ = 	snop  }
__scs_overlays_trampoline_lowered:
0x8: {  	[smem:$0x3FA7] =	sst s0  }
0x9: {  	[smem:$0x3FA8] =	sst s1  }
0xa: {  	[smem:$0x3FA9] =	sst s2  }
0xb: {  	[smem:$0x3FAA] =	sst s3  }
0xc: {  	[smem:$0x3FAB] =	sst s4  }
0xd: {  	[smem:$0x3FAC] =	sst s5  }
0xe: {  	[smem:$0x3FAD] =	sst s6  }
0xf: {  	[smem:$0x3FAE] =	sst s7  }
0x10: {  	[smem:$0x3FAF] =	sst s8  }
0x11: {  	[smem:$0x3FB0] =	sst s9;
	s0 =	simm.s32 @!p0 $0x0  }
0x12: {  	s1 =	sld [smem:$0x3F96];
	s0 =	simm.s32 @p0 $0x1  }
0x13: {  	[smem:$0x3FB1] =	sst s0;
	s0 =	simm.s32 @!p1 $0x0  }
0x14: {  	s2 =	sld [smem:$0x3F95];
	s0 =	simm.s32 @p1 $0x1  }
0x15: {  	[smem:$0x3FB2] =	sst s0;
	s0 =	simm.s32 @!p2 $0x0  }
0x16: {  	s3 =	sld [smem:$0x3FDB];
	s0 =	simm.s32 @p2 $0x1  }
0x17: {  	s4 =	simm.s32 $0x1BF5;
	[smem:$0x3FB4] =	sst s0  }
0x18: {  	s0 =	sld [smem:$0x3F97];
	_ =	swait.ge [sflag:s4], $0x0  }
0x19: {  	s7 =	sld [smem:$0x3F98]  }
0x1a: {  	s8 =	sadd.s32 $0xFFFFE003, lr  }
0x1b: {  	s9 =	sadd.s32 $0xFFFFFEF7, lr;
	s5 =	simm.s32 $0xFFFFFFFF;
	p2 =	slt.u32 s8, $0xFFFFF086  }
0x1c: {  	p1 =	slt.u32 s9, $0xF7A;
	s5 =	simm.s32 @!p2 $0x0  }
0x1d: {  	s5 =	simm.s32 @p1 $0x1;
	p0 =	seq.s32 s7, s2  }
0x1e: {  	s7 =	smul.u32 @!p0 $0xF7A, s2;
	p2 =	seq.s32 @!p0 s5, $0x0  }
0x1f: {  	s9 =	smul.u32 $0xF7A, s1;
	s8 =	simm.s32 @!p0 $0x1BF5;
	p2 =	por !p2, p0  }
0x20: {  	[sflag:s8] =	ssyncset.s32 @!p0 $0xFFFFF086;
	s6 =	sadd.s32 @!p0 s3, s7;
	s7 =	simm.s32 @!p0 $0x108  }
0x21: {  	s3 =	sadd.s32 s3, s9;
	s6 =	sadd.s32 @!p0 $0x88, s6;
	s7 =	simm.s32 @p2 $0x1082  }
0x22: {  	[simem:s7], [sflag:s8] =	dma.local @!p0 [hbm:s6], $0xF7A  }
0x23: {  	s9 =	sor.u32 $0xD0000000, s2;
	s6 =	simm.s32 $0x108;
	_ =	swait.ge @!p0 [sflag:s8], $0x0  }
0x24: {  	s3 =	sadd.s32 $0x88, s3;
	s6 =	simm.s32 @!p1 $0x1082;
	[sflag:s4] =	ssyncset.s32 $0xFFFFF086  }
0x25: {  	[simem:s6], [sflag:s4] =	dma.local [hbm:s3], $0xF7A  }
0x26: {  	[smem:$0x3F98] =	sst s1;
	(tag) =	ssettag s2;
	_ =	strace s9  }
0x27: {  	s1 =	sld [smem:$0x3FA8]  }
0x28: {  	s2 =	sld [smem:$0x3FA9]  }
0x29: {  	s4 =	sld [smem:$0x3FAB]  }
0x2a: {  	p0 =	seq.s32 s5, $0x0;
	s5 =	sld [smem:$0x3FAC]  }
0x2b: {  	s6 =	sld [smem:$0x3FAD]  }
0x2c: {  	s7 =	sld [smem:$0x3FAE]  }
0x2d: {  	s3 =	simm.s32 $0x108;
	s8 =	sld [smem:$0x3FAF]  }
0x2e: {  	s3 =	simm.s32 @!p0 $0x1082;
	s9 =	sld [smem:$0x3FB0]  }
0x2f: {  	lr =	sadd.s32 s0, s3;
	s0 =	sld [smem:$0x3FA7]  }
0x30: {  	s3 =	sld [smem:$0x3FAA]  }
0x31: {  	[smem:$0x3FB3] =	sst s10  }
0x32: {  	s10 =	sld [smem:$0x3FB1];
	_ =	sdelay $0x3  }
0x33: {  	p0 =	seq.s32 s10, $0x1;
	s10 =	sld [smem:$0x3FB3];
	_ =	sdelay $0x3  }
0x34: {  	[smem:$0x3FB3] =	sst s10  }
0x35: {  	s10 =	sld [smem:$0x3FB2];
	_ =	sdelay $0x3  }
0x36: {  	p1 =	seq.s32 s10, $0x1;
	s10 =	sld [smem:$0x3FB3];
	_ =	sdelay $0x3  }
0x37: {  	[smem:$0x3FB3] =	sst s10  }
0x38: {  	s10 =	sld [smem:$0x3FB4]  }
0x39: {  	_ = 	snop;
	(pc) =	sbr.ind lr, $3  }
0x3a: {  	_ = 	snop  }
0x3b: {  	_ = 	snop  }
0x3c: {  	p2 =	seq.s32 s10, $0x1;
	s10 =	sld [smem:$0x3FB3]  }
0x3d: {  	_ =	shalt  }
0x3e: {  	_ =	shalt  }
0x3f: {  	_ =	shalt  }
0x40: {  	_ =	shalt  }
0x41: {  	_ =	shalt  }
0x42: {  	_ =	shalt  }
0x43: {  	_ =	shalt  }
0x44: {  	_ =	shalt  }
0x45: {  	_ =	shalt  }
0x46: {  	_ =	shalt  }
0x47: {  	_ =	shalt  }
0x48: {  	_ =	shalt  }
0x49: {  	_ =	shalt  }
0x4a: {  	_ =	shalt  }
0x4b: {  	_ =	shalt  }
0x4c: {  	_ =	shalt  }
0x4d: {  	_ =	shalt  }
0x4e: {  	_ =	shalt  }
0x4f: {  	_ =	shalt  }
0x50: {  	_ =	shalt  }
0x51: {  	_ =	shalt  }
0x52: {  	_ =	shalt  }
0x53: {  	_ =	shalt  }
0x54: {  	_ =	shalt  }
0x55: {  	_ =	shalt  }
0x56: {  	_ =	shalt  }
0x57: {  	_ =	shalt  }
0x58: {  	_ =	shalt  }
0x59: {  	_ =	shalt  }
0x5a: {  	_ =	shalt  }
0x5b: {  	_ =	shalt  }
0x5c: {  	_ =	shalt  }
0x5d: {  	_ =	shalt  }
0x5e: {  	_ =	shalt  }
0x5f: {  	_ =	shalt  }
0x60: {  	_ =	shalt  }
0x61: {  	_ =	shalt  }
0x62: {  	_ =	shalt  }
0x63: {  	_ =	shalt  }
0x64: {  	_ =	shalt  }
0x65: {  	_ =	shalt  }
0x66: {  	_ =	shalt  }
0x67: {  	_ =	shalt  }
0x68: {  	_ =	shalt  }
0x69: {  	_ =	shalt  }
0x6a: {  	_ =	shalt  }
0x6b: {  	_ =	shalt  }
0x6c: {  	_ =	shalt  }
0x6d: {  	_ =	shalt  }
0x6e: {  	_ =	shalt  }
0x6f: {  	_ =	shalt  }
0x70: {  	_ =	shalt  }
0x71: {  	_ =	shalt  }
0x72: {  	_ =	shalt  }
0x73: {  	_ =	shalt  }
0x74: {  	_ =	shalt  }
0x75: {  	_ =	shalt  }
0x76: {  	_ =	shalt  }
0x77: {  	_ =	shalt  }
0x78: {  	_ =	shalt  }
0x79: {  	_ =	shalt  }
0x7a: {  	_ =	shalt  }
0x7b: {  	_ =	shalt  }
0x7c: {  	_ =	shalt  }
0x7d: {  	_ =	shalt  }
0x7e: {  	_ =	shalt  }
0x7f: {  	_ =	shalt  }
0x80: {  	_ =	shalt  }
0x81: {  	_ =	shalt  }
0x82: {  	_ =	shalt  }
0x83: {  	_ =	shalt  }
0x84: {  	_ =	shalt  }
0x85: {  	_ =	shalt  }
0x86: {  	_ =	shalt  }
0x87: {  	_ =	shalt  }
.Lfunc_end0:
.L_simem_size_0:
called_computation.2_lowered:
.L_overlay_start_0:
0x88: {  	s2 =	sld [smem:$0x3FD9]  }
0x89: {  	s3 =	sld [smem:$0x3FFE];
	_ =	sdelay $0x1  }
0x8a: {  	s1 =	srdreg.scid  }
0x8b: {  	s0 =	sand.u32 $0x1, s1  }
0x8c: {  	s16 =	sshll.u32 s0, $0xA;
	s2 =	sadd.s32 s3, s2  }
0x8d: {  	s2 =	sadd.s32 s2, s16  }
0x8e: {  	[smem:$0x3FBF] =	sst s2  }
0x8f: {  	_ = 	snop  }
0x90: {  	(tm) =	ssettm $0x1  }
0x91: {  	s17 =	sld [smem:$0x3FFB];
	_ =	sdelay $0x3  }
0x92: {  	_ =	strace s17  }
0x93: {  	s2 =	sld [smem:$0x3FFC];
	_ =	sdelay $0x3  }
0x94: {  	_ =	strace s2  }
0x95: {  	s2 =	sld [smem:$0x3FFD];
	_ =	sdelay $0x3  }
0x96: {  	_ =	strace s2  }
0x97: {  	_ =	strace $0x8FFFFFFF  }
0x98: {  	s18 =	sld [smem:$0x3FDB];
	_ =	sdelay $0x1  }
0x99: {  	s19 =	simm.s32 $_scs_section_size  }
0x9a: {  	s4 =	simm.s32 $_size__tile_overlayer_lowered;
	s5 =	simm.s32 $_tile_overlayer_lowered  }
0x9b: {  	s22 =	simm.s32 $0x1BFF;
	s21 =	sshll.u32 s5, $0x1;
	s2 =	sadd.s32 s19, s18  }
0x9c: {  	s6 =	simm.s32 $0x0;
	s20 =	sshll.u32 s4, $0x1;
	s4 =	sadd.s32 s21, s2  }
0x9d: {  	[timem:s6], [sflag:s22] =	dma.local [hbm:s4], s20  }
0x9e: {  	_ =	swait.ge [sflag:s22], s20  }
0x9f: {  	s3 =	ssub.s32 $0x0, s20;
	[sflag:s22] =	ssyncset.done $0x0  }
0xa0: {  	[sflag:s22] =	ssyncadd.s32 s3;
	_ =	sdelay $0x1  }
0xa1: {  	s23 =	simm.s32 $0x1B8B  }
0xa2: {  	_ =	swait.ge [sflag:s23], $0x1  }
0xa3: {  	[sflag:s23] =	ssyncset.done $0x0  }
0xa4: {  	s25 =	simm.s32 $0x1B8E;
	s24 =	sld [smem:$0x3FFE];
	[sflag:s23] =	ssyncadd.s32 $0xFFFFFFFF  }
0xa5: {  	s26 =	simm.s32 $execute0_lowered;
	[smem:$0x3FD2] =	sst s25  }
0xa6: {  	s4 =	sshll.u32 s26, $0x1;
	_ =	strace $0x8000004C;
	[dreg:$0x1] =	wrdreg $0xFFFFFFFF  }
0xa7: {  	s28 =	simm.s32 $_size_execute0_lowered;
	s2 =	sadd.s32 s2, s4;
	[dreg:$0x0] =	wrdreg $0x0  }
0xa8: {  	s4 =	sshll.u32 s28, $0x1;
	[dreg:$0x2] =	wrdreg s2  }
0xa9: {  	[dreg:$0x3] =	wrdreg s4  }
0xaa: {  	[dreg:$0x4] =	wrdreg $0xC0  }
0xab: {  	_ =	task [dreg:s6], $0x5FFFF  }
0xac: {  	[dreg:$0x1] =	wrdreg $0xFFFFFFFF  }
0xad: {  	[dreg:$0x0] =	wrdreg $0x60  }
0xae: {  	[dreg:$0x2] =	wrdreg s24  }
0xaf: {  	[dreg:$0x3] =	wrdreg $0x82000  }
0xb0: {  	[dreg:$0x4] =	wrdreg $0x9  }
0xb1: {  	_ =	task.clear_ibuf [dreg:s6], $0x5FFFF;
	_ =	strace $0x9000004C  }
0xb2: {  	s29 =	simm.s32 $0x9;
	_ =	strace $0x8000004E  }
0xb3: {  	_ =	swait.ge [sflag:s29], $0x1  }
0xb4: {  	[sflag:s29] =	ssyncadd.s32 $0xFFFFFFFF  }
0xb5: {  	_ =	strace $0x9000004E  }
0xb6: {  	_ =	sfence  }
0xb7: {  	s30 =	sld [smem:$0x0];
	_ =	sdelay $0x2  }
0xb8: {  	s31 =	sshll.u32 s1, $0xD;
	s1 =	sshrl.u32 s1, $0x2  }
0xb9: {  	s3 =	sand.u32 $0x4000, s31;
	s1 =	sadd.s32 s1, s30  }
0xba: {  	s0 =	sor.u32 s3, s0;
	s1 =	sshll.u32 s1, $0x11  }
0xbb: {  	s0 =	sor.u32 s1, s0  }
0xbc: {  	s0 =	sadd.s32 $0x8F2B, s0  }
0xbd: {  	[sflag:s0] =	ssyncadd.remote.s32 $0x1  }
0xbe: {  	_ =	sfence.sel $0xFFFF  }
0xbf: {  	[dreg:$0x0] =	wrdreg $0xFFFFFFFF;
	(pc) =	sbr.abs _section_cstart, $3  }
0xc0: {  	[dreg:$0x1] =	wrdreg $0xFFFFFFFF  }
0xc1: {  	_ =	task.clear_ibuf [dreg:s6], $0x2FFFF;
	_ =	strace $0x9FFFFFFF  }
0xc2: {  	(tm) =	ssettm $0x7FFFFFFF  }
0xc3: {  	_ =	shalt  }
tec
execute0_lowered:
.L_overlay_start_1:
0x0: {  	(tag) =	ssettag $0x1  }
0x1: {  	s0 =	rddreg [dreg:$0x0]  }
0x2: {  	s1 =	rddreg [dreg:$0x1];
	s2 =	simm.s32 $0x0  }
0x3: {  	s6 =	srdreg.scid;
	s21 =	stileid.u32;
	s29 =	simm.s32 $0x200  }
0x4: {  	s30 =	simm.s32 $0x9;
	s31 =	simm.s32 $0x80;
	[smem:$0x7FF] =	sst s2  }
0x5: {  	s3 =	sadd.s32 $0x21400, s0;
	s4 =	sadd.s32 $0x17400, s0;
	s5 =	sadd.s32 $0xD400, s0  }
0x6: {  	s7 =	sadd.s32 $0x2800, s0;
	s6 =	sand.u32 $0x1, s6;
	s8 =	smul.u32 $0x50000, s21  }
0x7: {  	s0 =	sadd.s32 $0x49400, s0;
	s12 =	smul.u32 $0x14000, s21;
	_ =	strace $0x8000004D  }
0x8: {  	[dreg:$0x3] =	wrdreg s7;
	s22 =	ssub.s32 $0x2, s6;
	s19 =	smul.u32 $0x140000, s6  }
0x9: {  	s10 =	sshll.u32 s6, $0x4;
	s6 =	smul.u32 $0x5000, s6;
	s9 =	sshrl.u32 s22, $0x1  }
0xa: {  	s10 =	sor.u32 s21, s10;
	s23 =	sshrl.u32 s8, $0x2;
	s14 =	sadd.s32 $0x4000, s12  }
0xb: {  	s15 =	sadd.s32 $0x8000, s12;
	s17 =	sadd.s32 $0xC000, s12;
	s18 =	sadd.s32 $0x10000, s12  }
0xc: {  	s13 =	ssub.s32 s22, s9;
	s7 =	sadd.s32 s23, s1;
	s8 =	sadd.s32 s14, s1  }
0xd: {  	s9 =	sadd.s32 s15, s1;
	s16 =	smul.u32 $0x500, s10;
	s10 =	sadd.s32 s17, s1  }
0xe: {  	s11 =	sadd.s32 s18, s1;
	s12 =	sadd.s32 s12, s19;
	s14 =	sadd.s32 s19, s14  }
0xf: {  	s15 =	sadd.s32 s19, s15;
	s12 =	sshrl.u32 s12, $0x3;
	s25 =	sshrl.u32 s14, $0x3  }
0x10: {  	s26 =	sshrl.u32 s15, $0x3;
	s14 =	sadd.s32 s19, s17;
	s15 =	sadd.s32 s19, s18  }
0x11: {  	s18 =	smul.u32 $0x500, s21;
	s22 =	smax.u32 s13, $0x1;
	s13 =	simm.s32 $0x4200  }
0x12: {  	s23 =	sadd.s32 s4, s16;
	s20 =	sadd.s32 s5, s16;
	[dreg:$0xd] =	wrdreg s22  }
0x13: {  	s24 =	sor.u32 $0x10, s16;
	s12 =	sadd.s32 s0, s12;
	[dreg:$0x5] =	wrdreg s20  }
0x14: {  	s28 =	sadd.s32 s0, s26;
	s17 =	sshrl.u32 s15, $0x3;
	[dreg:$0x6] =	wrdreg s12  }
0x15: {  	s15 =	simm.s32 $0x7;
	s12 =	sadd.s32 s0, s25;
	[dreg:$0x8] =	wrdreg s28  }
0x16: {  	s19 =	sadd.s32 s4, s24;
	s21 =	sadd.s32 s5, s24;
	s24 =	sor.u32 $0x20, s16  }
0x17: {  	s22 =	sadd.s32 s18, s6;
	[dreg:$0x4] =	wrdreg s23;
	s28 =	sadd.s32 $0x30, s23  }
0x18: {  	s6 =	simm.s32 $0x4;
	s18 =	simm.s32 $0x6;
	[dreg:$0x7] =	wrdreg s12  }
0x19: {  	s20 =	simm.s32 $0x0;
	s12 =	sshrl.u32 s14, $0x3;
	[dreg:$0xb] =	wrdreg s19  }
0x1a: {  	[dreg:$0xc] =	wrdreg s21;
	s25 =	sadd.s32 s4, s24;
	s26 =	sadd.s32 s5, s22  }
.Ltmp0:
0x1b: {  	[dreg:$0x10] =	wrdreg s28;
	s14 =	simm.s32 $0x1;
	(pc) =	sbr.rel .LBB2_1-.Ltmp0, $4  }
0x1c: {  	s19 =	simm.s32 $0x8;
	s12 =	sadd.s32 s0, s12;
	[dreg:$0xe] =	wrdreg s25  }
0x1d: {  	s0 =	sadd.s32 s0, s17;
	s25 =	sadd.s32 s4, s22;
	[dreg:$0x9] =	wrdreg s12  }
0x1e: {  	s26 =	sadd.s32 $0x40, s26;
	[dreg:$0xa] =	wrdreg s0;
	s0 =	sadd.s32 s5, s24  }
0x1f: {  	s4 =	simm.s32 $0x180;
	s17 =	simm.s32 $0x2;
	[dreg:$0xf] =	wrdreg s0  }
.LBB2_4:
0x20: {  	_ =	swait.ge [sflag:s15], $0x4000  }
0x21: {  	[sflag:s15] =	ssyncset.done $0x0  }
0x22: {  	[sflag:s15] =	ssyncadd.s32 $0xFFFFC000  }
0x23: {  	_ =	swait.ge [sflag:s19], $0x4000  }
0x24: {  	[sflag:s19] =	ssyncset.done $0x0  }
0x25: {  	[sflag:s19] =	ssyncadd.s32 $0xFFFFC000  }
0x26: {  	[bflag:$0x0] =	sbarrier.arrive $0xFFFF  }
0x27: {  	[tilespmem:s29], [sflag:$0x9] =	stream.linear.gather [spmem:s7], $0x4000, $0x38;
	[tilespmem:$0x1C200] =	vst v63  }
0x28: {  	_ =	swait.ge [sflag:s30], $0x4000  }
0x29: {  	[sflag:s30] =	ssyncset.done $0x0  }
0x2a: {  	s0 =	rddreg [dreg:$0x6];
	[sflag:s30] =	ssyncadd.s32 $0xFFFFC000  }
0x2b: {  	[hbm4b:s0+s2] =	stream.linear.scatter [tilespmem:s29], [sflag:$0x1], $0x4000, $0x38;
	[tilespmem:$0x1C200] =	vst v63  }
0x2c: {  	_ = 	snop  }
0x2d: {  	[tilespmem:s13], [sflag:$0x9] =	stream.linear.gather [spmem:s8], $0x4000, $0x38;
	[tilespmem:$0x1C200] =	vst v63  }
0x2e: {  	_ =	swait.ge [sflag:s30], $0x4000  }
0x2f: {  	[sflag:s30] =	ssyncset.done $0x0  }
0x30: {  	s16 =	rddreg [dreg:$0x7];
	[sflag:s30] =	ssyncadd.s32 $0xFFFFC000  }
0x31: {  	[hbm4b:s16+s2] =	stream.linear.scatter [tilespmem:s13], [sflag:$0x2], $0x4000, $0x38;
	[tilespmem:$0x1C200] =	vst v63  }
0x32: {  	_ =	swait.ge [sflag:s14], $0x4000  }
0x33: {  	[sflag:s14] =	ssyncset.done $0x0  }
0x34: {  	[sflag:s14] =	ssyncadd.s32 $0xFFFFC000  }
0x35: {  	[tilespmem:s29], [sflag:$0x9] =	stream.linear.gather [spmem:s9], $0x4000, $0x38;
	[tilespmem:$0x1C200] =	vst v63  }
0x36: {  	_ =	swait.ge [sflag:s30], $0x4000  }
0x37: {  	[sflag:s30] =	ssyncset.done $0x0  }
0x38: {  	s21 =	rddreg [dreg:$0x8];
	[sflag:s30] =	ssyncadd.s32 $0xFFFFC000  }
0x39: {  	[hbm4b:s21+s2] =	stream.linear.scatter [tilespmem:s29], [sflag:$0x1], $0x4000, $0x38;
	[tilespmem:$0x1C200] =	vst v63  }
0x3a: {  	_ =	swait.ge [sflag:s17], $0x4000  }
0x3b: {  	[sflag:s17] =	ssyncset.done $0x0  }
0x3c: {  	[sflag:s17] =	ssyncadd.s32 $0xFFFFC000  }
0x3d: {  	[tilespmem:s13], [sflag:$0x9] =	stream.linear.gather [spmem:s10], $0x4000, $0x38;
	[tilespmem:$0x1C200] =	vst v63  }
0x3e: {  	_ =	swait.ge [sflag:s30], $0x4000  }
0x3f: {  	[sflag:s30] =	ssyncset.done $0x0  }
0x40: {  	s23 =	rddreg [dreg:$0x9];
	[sflag:s30] =	ssyncadd.s32 $0xFFFFC000  }
0x41: {  	[hbm4b:s23+s2] =	stream.linear.scatter [tilespmem:s13], [sflag:$0x2], $0x4000, $0x38;
	[tilespmem:$0x1C200] =	vst v63  }
0x42: {  	_ =	swait.ge [sflag:s14], $0x4000  }
0x43: {  	[sflag:s14] =	ssyncset.done $0x0  }
0x44: {  	[sflag:s14] =	ssyncadd.s32 $0xFFFFC000  }
0x45: {  	[tilespmem:s29], [sflag:$0x9] =	stream.linear.gather [spmem:s11], $0x4000, $0x38;
	[tilespmem:$0x1C200] =	vst v63  }
0x46: {  	_ =	swait.ge [sflag:s30], $0x4000  }
0x47: {  	[sflag:s30] =	ssyncset.done $0x0  }
0x48: {  	s24 =	rddreg [dreg:$0xa];
	[sflag:s30] =	ssyncadd.s32 $0xFFFFC000  }
0x49: {  	[hbm4b:s24+s2] =	stream.linear.scatter [tilespmem:s29], [sflag:$0x1], $0x4000, $0x38;
	[tilespmem:$0x1C200] =	vst v63  }
0x4a: {  	_ =	swait.ge [sflag:s17], $0x4000  }
0x4b: {  	[sflag:s17] =	ssyncset.done $0x0  }
0x4c: {  	[sflag:s17] =	ssyncadd.s32 $0xFFFFC000  }
0x4d: {  	_ =	swait.ge [sflag:s14], $0x4000  }
0x4e: {  	s20 =	sadd.s32 $0x1, s20;
	s28 =	rddreg [dreg:$0xd]  }
0x4f: {  	p0 =	sne.s32 s20, s28  }
.Ltmp1:
0x50: {  	_ = 	snop;
	(pc) =	sbr.rel @!p0 .LBB2_5-.Ltmp1, $3  }
0x51: {  	_ =	sdelay $0x1  }
0x52: {  	[sflag:s14] =	ssyncset.done $0x0  }
0x53: {  	[sflag:s14] =	ssyncadd.s32 $0xFFFFC000  }
.LBB2_1:
0x54: {  	s0 =	rddreg [dreg:$0x3]  }
0x55: {  	[tilespmem:s29], [sflag:$0x9] =	stream.linear.gather [hbm4b:s0+s2], $0x4000, $0x38;
	[tilespmem:$0x1C200] =	vst v63  }
0x56: {  	_ =	swait.ge [sflag:s30], $0x4000  }
0x57: {  	[sflag:s30] =	ssyncset.done $0x0  }
0x58: {  	[sflag:s30] =	ssyncadd.s32 $0xFFFFC000  }
0x59: {  	[spmem:s7] =	stream.linear.scatter [tilespmem:s29], [sflag:$0x9], $0x4000, $0x38;
	[tilespmem:$0x1C200] =	vst v63  }
0x5a: {  	_ =	swait.ge [sflag:s30], $0x4000  }
0x5b: {  	[sflag:s30] =	ssyncset.done $0x0  }
0x5c: {  	[sflag:s30] =	ssyncadd.s32 $0xFFFFC000  }
0x5d: {  	[spmem:s8] =	stream.linear.scatter [tilespmem:s29], [sflag:$0x9], $0x4000, $0x38;
	[tilespmem:$0x1C200] =	vst v63  }
0x5e: {  	_ =	swait.ge [sflag:s30], $0x4000  }
0x5f: {  	[sflag:s30] =	ssyncset.done $0x0  }
0x60: {  	[sflag:s30] =	ssyncadd.s32 $0xFFFFC000  }
0x61: {  	[spmem:s9] =	stream.linear.scatter [tilespmem:s29], [sflag:$0x9], $0x4000, $0x38;
	[tilespmem:$0x1C200] =	vst v63  }
0x62: {  	_ =	swait.ge [sflag:s30], $0x4000  }
0x63: {  	[sflag:s30] =	ssyncset.done $0x0  }
0x64: {  	[sflag:s30] =	ssyncadd.s32 $0xFFFFC000  }
0x65: {  	[spmem:s10] =	stream.linear.scatter [tilespmem:s29], [sflag:$0x9], $0x4000, $0x38;
	[tilespmem:$0x1C200] =	vst v63  }
0x66: {  	_ =	swait.ge [sflag:s30], $0x4000  }
0x67: {  	[sflag:s30] =	ssyncset.done $0x0  }
0x68: {  	[sflag:s30] =	ssyncadd.s32 $0xFFFFC000  }
0x69: {  	[spmem:s11] =	stream.linear.scatter [tilespmem:s29], [sflag:$0x9], $0x4000, $0x38;
	[tilespmem:$0x1C200] =	vst v63  }
0x6a: {  	_ =	swait.ge [sflag:s30], $0x4000  }
0x6b: {  	[sflag:s30] =	ssyncset.done $0x0  }
0x6c: {  	[sflag:s30] =	ssyncadd.s32 $0xFFFFC000  }
0x6d: {  	[bflag:$0x0] =	sbarrier.arrive $0xFFFF  }
0x6e: {  	s21 =	rddreg [dreg:$0x4]  }
0x6f: {  	[tilespmem:s2], [sflag:$0x9] =	stream.linear.gather [hbm4b:s21+s2], $0x80, $0x38;
	[tilespmem:$0x1C200] =	vst v63  }
0x70: {  	_ =	swait.ge [sflag:s30], $0x80  }
0x71: {  	[sflag:s30] =	ssyncset.done $0x0  }
0x72: {  	[sflag:s30] =	ssyncadd.s32 $0xFFFFFF80  }
0x73: {  	[tilespmem:s29], [sflag:$0x1] =	stream.indirect.gather [hbm4b:s3+s31], $0x80, s2, s31, $0xb8;
	[tilespmem:$0x1C200] =	vst v63  }
0x74: {  	s12 =	simm.s32 $0x100;
	s23 =	rddreg [dreg:$0x5]  }
0x75: {  	[tilespmem:s12], [sflag:$0x5] =	stream.linear.gather [hbm4b:s23+s2], $0x80, $0x38;
	[tilespmem:$0x1C200] =	vst v63  }
0x76: {  	s24 =	rddreg [dreg:$0xb]  }
0x77: {  	[tilespmem:s31], [sflag:$0x4] =	stream.linear.gather [hbm4b:s24+s2], $0x80, $0x38;
	[tilespmem:$0x1C200] =	vst v63  }
0x78: {  	s28 =	rddreg [dreg:$0xc]  }
0x79: {  	[tilespmem:s4], [sflag:$0x6] =	stream.linear.gather [hbm4b:s28+s2], $0x80, $0x38;
	[tilespmem:$0x1C200] =	vst v63  }
0x7a: {  	_ =	swait.ge [sflag:s6], $0x80  }
0x7b: {  	[sflag:s6] =	ssyncset.done $0x0  }
0x7c: {  	[sflag:s6] =	ssyncadd.s32 $0xFFFFFF80  }
0x7d: {  	[tilespmem:s13], [sflag:$0x2] =	stream.indirect.gather [hbm4b:s3+s31], $0x80, s31, s31, $0xb8;
	[tilespmem:$0x1C200] =	vst v63  }
0x7e: {  	_ =	swait.ge [sflag:s14], $0x4000  }
0x7f: {  	[sflag:s14] =	ssyncset.done $0x0  }
0x80: {  	s21 =	simm.s32 $0x5;
	s16 =	rddreg [dreg:$0xe];
	[sflag:s14] =	ssyncadd.s32 $0xFFFFC000  }
0x81: {  	[tilespmem:s2], [sflag:$0x3] =	stream.linear.gather [hbm4b:s16+s2], $0x80, $0x38;
	[tilespmem:$0x1C200] =	vst v63  }
0x82: {  	_ =	swait.ge [sflag:s21], $0x80  }
0x83: {  	[sflag:s21] =	ssyncset.done $0x0  }
0x84: {  	[sflag:s21] =	ssyncadd.s32 $0xFFFFFF80  }
0x85: {  	[spmem:s1] =	stream.indirect.scatter.add.f32 [tilespmem:s29], [sflag:$0x7], $0x80, s12, s31, $0xb8;
	[tilespmem:$0x1C200] =	vst v63  }
0x86: {  	_ =	swait.ge [sflag:s15], $0x4000  }
0x87: {  	[sflag:s15] =	ssyncset.done $0x0  }
0x88: {  	s24 =	simm.s32 $0x3;
	s23 =	rddreg [dreg:$0xf];
	[sflag:s15] =	ssyncadd.s32 $0xFFFFC000  }
0x89: {  	[tilespmem:s12], [sflag:$0x5] =	stream.linear.gather [hbm4b:s23+s2], $0x80, $0x38;
	[tilespmem:$0x1C200] =	vst v63  }
0x8a: {  	_ =	swait.ge [sflag:s24], $0x80  }
0x8b: {  	[sflag:s24] =	ssyncset.done $0x0  }
0x8c: {  	[sflag:s24] =	ssyncadd.s32 $0xFFFFFF80  }
0x8d: {  	[tilespmem:s29], [sflag:$0x1] =	stream.indirect.gather [hbm4b:s3+s31], $0x80, s2, s31, $0xb8;
	[tilespmem:$0x1C200] =	vst v63  }
0x8e: {  	_ =	swait.ge [sflag:s17], $0x4000  }
0x8f: {  	[sflag:s17] =	ssyncset.done $0x0  }
0x90: {  	[sflag:s17] =	ssyncadd.s32 $0xFFFFC000  }
0x91: {  	_ =	swait.ge [sflag:s18], $0x80  }
0x92: {  	[sflag:s18] =	ssyncset.done $0x0  }
0x93: {  	[sflag:s18] =	ssyncadd.s32 $0xFFFFFF80  }
0x94: {  	[spmem:s1] =	stream.indirect.scatter.add.f32 [tilespmem:s13], [sflag:$0x8], $0x80, s4, s31, $0xb8;
	[tilespmem:$0x1C200] =	vst v63  }
0x95: {  	s23 =	simm.s32 $0x0;
	s28 =	rddreg [dreg:$0x10]  }
0x96: {  	[tilespmem:s31], [sflag:$0x4] =	stream.linear.gather [hbm4b:s28+s2], $0x80, $0x38;
	[tilespmem:$0x1C200] =	vst v63  }
.LBB2_2:
0x97: {  	_ =	swait.ge [sflag:s6], $0x80  }
0x98: {  	s21 =	sadd.s32 $0x20, s23;
	[sflag:s6] =	ssyncset.done $0x0  }
0x99: {  	s24 =	sadd.s32 s22, s21;
	s28 =	sand.u32 $0x60, s21;
	[sflag:s6] =	ssyncadd.s32 $0xFFFFFF80  }
0x9a: {  	s24 =	sand.u32 $0xFFFFF80, s24;
	s28 =	sadd.s32 s28, s5;
	_ =	swait.ge [sflag:s19], $0x4000  }
0x9b: {  	s24 =	sadd.s32 s24, s28;
	[sflag:s19] =	ssyncset.done $0x0  }
0x9c: {  	s24 =	sadd.s32 $0x10, s24;
	[sflag:s19] =	ssyncadd.s32 $0xFFFFC000  }
0x9d: {  	[tilespmem:s4], [sflag:$0x6] =	stream.linear.gather [hbm4b:s24+s2], $0x80, $0x38;
	[tilespmem:$0x1C200] =	vst v63  }
0x9e: {  	_ = 	snop  }
0x9f: {  	[tilespmem:s13], [sflag:$0x2] =	stream.indirect.gather [hbm4b:s3+s31], $0x80, s31, s31, $0xb8;
	[tilespmem:$0x1C200] =	vst v63  }
0xa0: {  	_ =	swait.ge [sflag:s14], $0x4000  }
0xa1: {  	p0 =	seq.s32 s23, $0x4C0;
	[sflag:s14] =	ssyncset.done $0x0  }
0xa2: {  	s24 =	simm.s32 @p0 $0x5;
	[sflag:s14] =	ssyncadd.s32 $0xFFFFC000  }
0xa3: {  	_ =	swait.ge @p0 [sflag:s24], $0x80  }
0xa4: {  	s0 =	simm.s32 @p0 $0x200;
	[sflag:s24] =	ssyncset.done @p0 $0x0  }
0xa5: {  	s28 =	simm.s32 @p0 $0x100;
	[sflag:s24] =	ssyncadd.s32 @p0 $0xFFFFFF80;
	s24 =	simm.s32 @p0 $0x80  }
0xa6: {  	[spmem:s1] =	stream.indirect.scatter.add.f32 @p0 [tilespmem:s0], [sflag:$0x7], $0x80, s28, s24, $0xb8;
	[tilespmem:$0x1C200] =	vst v63  }
0xa7: {  	s0 =	sadd.s32 @!p0 s23, s25  }
0xa8: {  	s24 =	simm.s32 @!p0 $0x0;
	s0 =	sadd.s32 @!p0 $0x40, s0  }
0xa9: {  	[tilespmem:s24], [sflag:$0x3] =	stream.linear.gather @!p0 [hbm4b:s0+s24], $0x80, $0x38;
	[tilespmem:$0x1C200] =	vst v63  }
0xaa: {  	s0 =	simm.s32 @!p0 $0x5  }
0xab: {  	_ =	swait.ge @!p0 [sflag:s0], $0x80  }
0xac: {  	s12 =	simm.s32 @!p0 $0x200;
	s16 =	simm.s32 @!p0 $0x7;
	[sflag:s0] =	ssyncset.done @!p0 $0x0  }
0xad: {  	s28 =	simm.s32 @!p0 $0x100;
	[sflag:s0] =	ssyncadd.s32 @!p0 $0xFFFFFF80;
	s0 =	simm.s32 @!p0 $0x80  }
0xae: {  	[spmem:s1] =	stream.indirect.scatter.add.f32 @!p0 [tilespmem:s12], [sflag:$0x7], $0x80, s28, s0, $0xb8;
	[tilespmem:$0x1C200] =	vst v63  }
0xaf: {  	_ =	swait.ge @!p0 [sflag:s16], $0x4000  }
0xb0: {  	[sflag:s16] =	ssyncset.done @!p0 $0x0  }
0xb1: {  	[sflag:s16] =	ssyncadd.s32 @!p0 $0xFFFFC000;
	s16 =	sadd.s32 @!p0 s23, s26  }
0xb2: {  	[tilespmem:s28], [sflag:$0x5] =	stream.linear.gather @!p0 [hbm4b:s16+s24], $0x80, $0x38;
	[tilespmem:$0x1C200] =	vst v63  }
0xb3: {  	s16 =	simm.s32 @!p0 $0x3  }
0xb4: {  	_ =	swait.ge @!p0 [sflag:s16], $0x80  }
0xb5: {  	[sflag:s16] =	ssyncset.done @!p0 $0x0  }
0xb6: {  	[sflag:s16] =	ssyncadd.s32 @!p0 $0xFFFFFF80  }
0xb7: {  	[tilespmem:s12], [sflag:$0x1] =	stream.indirect.gather @!p0 [hbm4b:s3+s0], $0x80, s24, s0, $0xb8;
	[tilespmem:$0x1C200] =	vst v63  }
0xb8: {  	_ =	swait.ge [sflag:s17], $0x4000  }
0xb9: {  	[sflag:s17] =	ssyncset.done $0x0  }
.Ltmp2:
0xba: {  	[sflag:s17] =	ssyncadd.s32 $0xFFFFC000;
	(pc) =	sbr.rel @p0 .LBB2_4-.Ltmp2, $4  }
0xbb: {  	_ =	swait.ge [sflag:s18], $0x80  }
0xbc: {  	[sflag:s18] =	ssyncset.done $0x0  }
0xbd: {  	[sflag:s18] =	ssyncadd.s32 $0xFFFFFF80  }
0xbe: {  	[spmem:s1] =	stream.indirect.scatter.add.f32 [tilespmem:s13], [sflag:$0x8], $0x80, s4, s31, $0xb8;
	[tilespmem:$0x1C200] =	vst v63  }
.Ltmp3:
0xbf: {  	(pc) =	sbr.rel .LBB2_2-.Ltmp3, $4  }
0xc0: {  	_ = 	snop  }
0xc1: {  	s0 =	sadd.s32 s23, s25  }
0xc2: {  	s23 =	smov.u32 s21;
	s0 =	sadd.s32 $0x50, s0  }
0xc3: {  	[tilespmem:s31], [sflag:$0x4] =	stream.linear.gather [hbm4b:s0+s2], $0x80, $0x38;
	[tilespmem:$0x1C200] =	vst v63  }
.LBB2_5:
0xc4: {  	_ =	sfence.sel $0x180000  }
0xc5: {  	[bflag:$0x0] =	sbarrier.arrive $0xFFFF  }
0xc6: {  	_ =	strace $0x9000004D  }
0xc7: {  	s0 =	stileid.u32;
	[bflag:$0x2] =	sbarrier.arrive $0xFFFF  }
0xc8: {  	p0 =	sne.s32 s0, $0x0;
	s0 =	rddreg [dreg:$0x2]  }
0xc9: {  	s0 =	sadd.s32 @!p0 $0x100000, s0  }
0xca: {  	[sflag:s0] =	ssyncadd.tile.s32 @!p0 $0x1;
	_ =	shalt  }
.Lfunc_end2:
_tile_overlayer_lowered:
.L_overlay_start_2:
0xcb: {  	(tag) =	ssettag $0x2  }
0xcc: {  	s0 =	rddreg [dreg:$0x0];
	s2 =	stileid.u32  }
0xcd: {  	s1 =	rddreg [dreg:$0x1];
	p0 =	sne.s32 s2, $0x0  }
0xce: {  	s3 =	rddreg [dreg:$0x2];
	[bflag:$0x3] =	sbarrier.arrive $0xFFFF;
	s2 =	simm.s32 @!p0 $0x1C09  }
0xcf: {  	[timem:s3], [sflag:s2] =	dma.local @!p0 [hbm:s0], s1  }
0xd0: {  	s0 =	simm.s32 @!p0 $0x9  }
0xd1: {  	_ =	swait.ge @!p0 [sflag:s0], s1  }
0xd2: {  	s1 =	ssub.s32 @!p0 $0x0, s1;
	[sflag:s0] =	ssyncset.done @!p0 $0x0  }
0xd3: {  	[sflag:s0] =	ssyncadd.s32 @!p0 s1  }
0xd4: {  	[bflag:$0x3] =	sbarrier.arrive $0xFFFF  }
0xd5: {  	_ =	shalt  }

// kernel: kernel.8.cloned.1.call-start
scs
__scs_entry_jumppad:
0x0: {  	(pc) =	sbr.rel $0x88, $3  }
0x1: {  	(tag) =	ssettag $0x0;
	lr =	simm.s32 $0x1  }
0x2: {  	[smem:$0x3F98] =	sst lr;
	_ =	strace $0xD0000000  }
0x3: {  	_ = 	snop  }
0x4: {  	_ = 	snop  }
0x5: {  	_ = 	snop  }
0x6: {  	_ = 	snop  }
0x7: {  	_ = 	snop  }
__scs_overlays_trampoline_lowered:
0x8: {  	[smem:$0x3FA7] =	sst s0  }
0x9: {  	[smem:$0x3FA8] =	sst s1  }
0xa: {  	[smem:$0x3FA9] =	sst s2  }
0xb: {  	[smem:$0x3FAA] =	sst s3  }
0xc: {  	[smem:$0x3FAB] =	sst s4  }
0xd: {  	[smem:$0x3FAC] =	sst s5  }
0xe: {  	[smem:$0x3FAD] =	sst s6  }
0xf: {  	[smem:$0x3FAE] =	sst s7  }
0x10: {  	[smem:$0x3FAF] =	sst s8  }
0x11: {  	[smem:$0x3FB0] =	sst s9;
	s0 =	simm.s32 @!p0 $0x0  }
0x12: {  	s1 =	sld [smem:$0x3F96];
	s0 =	simm.s32 @p0 $0x1  }
0x13: {  	[smem:$0x3FB1] =	sst s0;
	s0 =	simm.s32 @!p1 $0x0  }
0x14: {  	s2 =	sld [smem:$0x3F95];
	s0 =	simm.s32 @p1 $0x1  }
0x15: {  	[smem:$0x3FB2] =	sst s0;
	s0 =	simm.s32 @!p2 $0x0  }
0x16: {  	s3 =	sld [smem:$0x3FDB];
	s0 =	simm.s32 @p2 $0x1  }
0x17: {  	s4 =	simm.s32 $0x1BF5;
	[smem:$0x3FB4] =	sst s0  }
0x18: {  	s0 =	sld [smem:$0x3F97];
	_ =	swait.ge [sflag:s4], $0x0  }
0x19: {  	s7 =	sld [smem:$0x3F98]  }
0x1a: {  	s8 =	sadd.s32 $0xFFFFE003, lr  }
0x1b: {  	s9 =	sadd.s32 $0xFFFFFEF7, lr;
	s5 =	simm.s32 $0xFFFFFFFF;
	p2 =	slt.u32 s8, $0xFFFFF086  }
0x1c: {  	p1 =	slt.u32 s9, $0xF7A;
	s5 =	simm.s32 @!p2 $0x0  }
0x1d: {  	s5 =	simm.s32 @p1 $0x1;
	p0 =	seq.s32 s7, s2  }
0x1e: {  	s7 =	smul.u32 @!p0 $0xF7A, s2;
	p2 =	seq.s32 @!p0 s5, $0x0  }
0x1f: {  	s9 =	smul.u32 $0xF7A, s1;
	s8 =	simm.s32 @!p0 $0x1BF5;
	p2 =	por !p2, p0  }
0x20: {  	[sflag:s8] =	ssyncset.s32 @!p0 $0xFFFFF086;
	s6 =	sadd.s32 @!p0 s3, s7;
	s7 =	simm.s32 @!p0 $0x108  }
0x21: {  	s3 =	sadd.s32 s3, s9;
	s6 =	sadd.s32 @!p0 $0x88, s6;
	s7 =	simm.s32 @p2 $0x1082  }
0x22: {  	[simem:s7], [sflag:s8] =	dma.local @!p0 [hbm:s6], $0xF7A  }
0x23: {  	s9 =	sor.u32 $0xD0000000, s2;
	s6 =	simm.s32 $0x108;
	_ =	swait.ge @!p0 [sflag:s8], $0x0  }
0x24: {  	s3 =	sadd.s32 $0x88, s3;
	s6 =	simm.s32 @!p1 $0x1082;
	[sflag:s4] =	ssyncset.s32 $0xFFFFF086  }
0x25: {  	[simem:s6], [sflag:s4] =	dma.local [hbm:s3], $0xF7A  }
0x26: {  	[smem:$0x3F98] =	sst s1;
	(tag) =	ssettag s2;
	_ =	strace s9  }
0x27: {  	s1 =	sld [smem:$0x3FA8]  }
0x28: {  	s2 =	sld [smem:$0x3FA9]  }
0x29: {  	s4 =	sld [smem:$0x3FAB]  }
0x2a: {  	p0 =	seq.s32 s5, $0x0;
	s5 =	sld [smem:$0x3FAC]  }
0x2b: {  	s6 =	sld [smem:$0x3FAD]  }
0x2c: {  	s7 =	sld [smem:$0x3FAE]  }
0x2d: {  	s3 =	simm.s32 $0x108;
	s8 =	sld [smem:$0x3FAF]  }
0x2e: {  	s3 =	simm.s32 @!p0 $0x1082;
	s9 =	sld [smem:$0x3FB0]  }
0x2f: {  	lr =	sadd.s32 s0, s3;
	s0 =	sld [smem:$0x3FA7]  }
0x30: {  	s3 =	sld [smem:$0x3FAA]  }
0x31: {  	[smem:$0x3FB3] =	sst s10  }
0x32: {  	s10 =	sld [smem:$0x3FB1];
	_ =	sdelay $0x3  }
0x33: {  	p0 =	seq.s32 s10, $0x1;
	s10 =	sld [smem:$0x3FB3];
	_ =	sdelay $0x3  }
0x34: {  	[smem:$0x3FB3] =	sst s10  }
0x35: {  	s10 =	sld [smem:$0x3FB2];
	_ =	sdelay $0x3  }
0x36: {  	p1 =	seq.s32 s10, $0x1;
	s10 =	sld [smem:$0x3FB3];
	_ =	sdelay $0x3  }
0x37: {  	[smem:$0x3FB3] =	sst s10  }
0x38: {  	s10 =	sld [smem:$0x3FB4]  }
0x39: {  	_ = 	snop;
	(pc) =	sbr.ind lr, $3  }
0x3a: {  	_ = 	snop  }
0x3b: {  	_ = 	snop  }
0x3c: {  	p2 =	seq.s32 s10, $0x1;
	s10 =	sld [smem:$0x3FB3]  }
0x3d: {  	_ =	shalt  }
0x3e: {  	_ =	shalt  }
0x3f: {  	_ =	shalt  }
0x40: {  	_ =	shalt  }
0x41: {  	_ =	shalt  }
0x42: {  	_ =	shalt  }
0x43: {  	_ =	shalt  }
0x44: {  	_ =	shalt  }
0x45: {  	_ =	shalt  }
0x46: {  	_ =	shalt  }
0x47: {  	_ =	shalt  }
0x48: {  	_ =	shalt  }
0x49: {  	_ =	shalt  }
0x4a: {  	_ =	shalt  }
0x4b: {  	_ =	shalt  }
0x4c: {  	_ =	shalt  }
0x4d: {  	_ =	shalt  }
0x4e: {  	_ =	shalt  }
0x4f: {  	_ =	shalt  }
0x50: {  	_ =	shalt  }
0x51: {  	_ =	shalt  }
0x52: {  	_ =	shalt  }
0x53: {  	_ =	shalt  }
0x54: {  	_ =	shalt  }
0x55: {  	_ =	shalt  }
0x56: {  	_ =	shalt  }
0x57: {  	_ =	shalt  }
0x58: {  	_ =	shalt  }
0x59: {  	_ =	shalt  }
0x5a: {  	_ =	shalt  }
0x5b: {  	_ =	shalt  }
0x5c: {  	_ =	shalt  }
0x5d: {  	_ =	shalt  }
0x5e: {  	_ =	shalt  }
0x5f: {  	_ =	shalt  }
0x60: {  	_ =	shalt  }
0x61: {  	_ =	shalt  }
0x62: {  	_ =	shalt  }
0x63: {  	_ =	shalt  }
0x64: {  	_ =	shalt  }
0x65: {  	_ =	shalt  }
0x66: {  	_ =	shalt  }
0x67: {  	_ =	shalt  }
0x68: {  	_ =	shalt  }
0x69: {  	_ =	shalt  }
0x6a: {  	_ =	shalt  }
0x6b: {  	_ =	shalt  }
0x6c: {  	_ =	shalt  }
0x6d: {  	_ =	shalt  }
0x6e: {  	_ =	shalt  }
0x6f: {  	_ =	shalt  }
0x70: {  	_ =	shalt  }
0x71: {  	_ =	shalt  }
0x72: {  	_ =	shalt  }
0x73: {  	_ =	shalt  }
0x74: {  	_ =	shalt  }
0x75: {  	_ =	shalt  }
0x76: {  	_ =	shalt  }
0x77: {  	_ =	shalt  }
0x78: {  	_ =	shalt  }
0x79: {  	_ =	shalt  }
0x7a: {  	_ =	shalt  }
0x7b: {  	_ =	shalt  }
0x7c: {  	_ =	shalt  }
0x7d: {  	_ =	shalt  }
0x7e: {  	_ =	shalt  }
0x7f: {  	_ =	shalt  }
0x80: {  	_ =	shalt  }
0x81: {  	_ =	shalt  }
0x82: {  	_ =	shalt  }
0x83: {  	_ =	shalt  }
0x84: {  	_ =	shalt  }
0x85: {  	_ =	shalt  }
0x86: {  	_ =	shalt  }
0x87: {  	_ =	shalt  }
.Lfunc_end0:
.L_simem_size_0:
called_computation_lowered:
.L_overlay_start_0:
0x88: {  	s2 =	sld [smem:$0x3FD9]  }
0x89: {  	s3 =	sld [smem:$0x3FFE];
	_ =	sdelay $0x1  }
0x8a: {  	s1 =	srdreg.scid  }
0x8b: {  	s0 =	sand.u32 $0x1, s1  }
0x8c: {  	s17 =	sshll.u32 s0, $0xA;
	s2 =	sadd.s32 s3, s2  }
0x8d: {  	s2 =	sadd.s32 s2, s17  }
0x8e: {  	[smem:$0x3FBF] =	sst s2  }
0x8f: {  	_ = 	snop  }
0x90: {  	s2 =	sld [smem:$0x3FD0];
	(tm) =	ssettm $0x1  }
0x91: {  	s18 =	sld [smem:$0x3FFB];
	_ =	sdelay $0x3  }
0x92: {  	_ =	strace s18  }
0x93: {  	s3 =	sld [smem:$0x3FFC];
	_ =	sdelay $0x3  }
0x94: {  	_ =	strace s3  }
0x95: {  	s3 =	sld [smem:$0x3FFD];
	_ =	sdelay $0x3  }
0x96: {  	_ =	strace s3  }
0x97: {  	_ =	strace $0x8FFFFFFF  }
0x98: {  	s19 =	sld [smem:$0x3FDB];
	_ =	sdelay $0x1  }
0x99: {  	s4 =	simm.s32 $_scs_section_size  }
0x9a: {  	s5 =	simm.s32 $_size__tile_overlayer_lowered;
	s6 =	simm.s32 $_tile_overlayer_lowered  }
0x9b: {  	s22 =	simm.s32 $0x1BFF;
	s21 =	sshll.u32 s6, $0x1;
	s3 =	sadd.s32 s4, s19  }
0x9c: {  	s7 =	simm.s32 $0x0;
	s20 =	sshll.u32 s5, $0x1;
	s5 =	sadd.s32 s21, s3  }
0x9d: {  	[timem:s7], [sflag:s22] =	dma.local [hbm:s5], s20  }
0x9e: {  	_ =	swait.ge [sflag:s22], s20  }
0x9f: {  	s4 =	ssub.s32 $0x0, s20;
	[sflag:s22] =	ssyncset.done $0x0  }
0xa0: {  	[sflag:s22] =	ssyncadd.s32 s4;
	_ =	sdelay $0x1  }
0xa1: {  	s23 =	simm.s32 $0x1B8B  }
0xa2: {  	_ =	swait.ge [sflag:s23], $0x1  }
0xa3: {  	[sflag:s23] =	ssyncset.done $0x0  }
0xa4: {  	s25 =	simm.s32 $0x1B8E;
	s24 =	sld [smem:$0x3FFE];
	[sflag:s23] =	ssyncadd.s32 $0xFFFFFFFF  }
0xa5: {  	s26 =	simm.s32 $execute0_lowered;
	[smem:$0x3FD2] =	sst s25  }
0xa6: {  	s5 =	sshll.u32 s26, $0x1;
	_ =	strace $0x80000046;
	[dreg:$0x1] =	wrdreg $0xFFFFFFFF  }
0xa7: {  	s28 =	simm.s32 $_size_execute0_lowered;
	s3 =	sadd.s32 s3, s5;
	[dreg:$0x0] =	wrdreg $0x0  }
0xa8: {  	s5 =	sshll.u32 s28, $0x1;
	[dreg:$0x2] =	wrdreg s3  }
0xa9: {  	[dreg:$0x3] =	wrdreg s5  }
0xaa: {  	[dreg:$0x4] =	wrdreg $0xC0  }
0xab: {  	_ =	task [dreg:s7], $0x5FFFF  }
0xac: {  	[dreg:$0x1] =	wrdreg $0xFFFFFFFF  }
0xad: {  	[dreg:$0x0] =	wrdreg $0x60  }
0xae: {  	[dreg:$0x2] =	wrdreg s24  }
0xaf: {  	[dreg:$0x3] =	wrdreg s2  }
0xb0: {  	[dreg:$0x4] =	wrdreg $0x2B000  }
0xb1: {  	[dreg:$0x5] =	wrdreg $0x9  }
0xb2: {  	_ =	task.clear_ibuf [dreg:s7], $0x6FFFF;
	_ =	strace $0x90000046  }
0xb3: {  	s29 =	simm.s32 $0x9;
	_ =	strace $0x80000048  }
0xb4: {  	_ =	swait.ge [sflag:s29], $0x1  }
0xb5: {  	[sflag:s29] =	ssyncadd.s32 $0xFFFFFFFF  }
0xb6: {  	_ =	strace $0x90000048  }
0xb7: {  	_ =	sfence  }
0xb8: {  	s30 =	sld [smem:$0x0];
	_ =	sdelay $0x2  }
0xb9: {  	s31 =	sshll.u32 s1, $0xD;
	s1 =	sshrl.u32 s1, $0x2  }
0xba: {  	s3 =	sand.u32 $0x4000, s31;
	s1 =	sadd.s32 s1, s30  }
0xbb: {  	s0 =	sor.u32 s3, s0;
	s1 =	sshll.u32 s1, $0x11  }
0xbc: {  	s0 =	sor.u32 s1, s0  }
0xbd: {  	s0 =	sadd.s32 $0x8F2B, s0  }
0xbe: {  	[sflag:s0] =	ssyncadd.remote.s32 $0x1  }
0xbf: {  	_ =	sfence.sel $0xFFFF  }
0xc0: {  	[dreg:$0x0] =	wrdreg $0xFFFFFFFF;
	(pc) =	sbr.abs _section_cstart, $3  }
0xc1: {  	[dreg:$0x1] =	wrdreg $0xFFFFFFFF  }
0xc2: {  	_ =	task.clear_ibuf [dreg:s7], $0x2FFFF;
	_ =	strace $0x9FFFFFFF  }
0xc3: {  	(tm) =	ssettm $0x7FFFFFFF  }
tec
execute0_lowered:
.L_overlay_start_1:
0x0: {  	(tag) =	ssettag $0x1  }
0x1: {  	s6 =	rddreg [dreg:$0x0]  }
0x2: {  	s0 =	srdreg.scid;
	s2 =	rddreg [dreg:$0x1]  }
0x3: {  	s3 =	rddreg [dreg:$0x2];
	s4 =	simm.s32 $0x0;
	s12 =	simm.s32 $0x2880  }
0x4: {  	s13 =	simm.s32 $0x80;
	s14 =	simm.s32 $0x1;
	s15 =	simm.s32 $0x100  }
0x5: {  	s16 =	simm.s32 $0x0;
	s7 =	sand.u32 $0x1, s0;
	s0 =	stileid.u32  }
0x6: {  	[smem:$0x7FF] =	sst s4;
	s1 =	sshll.u32 s7, $0x4;
	s8 =	smul.u32 $0x500, s0  }
0x7: {  	s9 =	sshll.u32 s7, $0x7;
	s30 =	smul.u32 $0xA00, s0;
	s7 =	ssub.s32 $0x2, s7  }
0x8: {  	s5 =	sor.u32 s0, s1;
	s1 =	rddreg [dreg:$0x3];
	_ =	strace $0x80000047  }
0x9: {  	s31 =	sshrl.u32 s7, $0x1;
	s5 =	smul.u32 $0x500, s5;
	s8 =	sor.u32 s9, s8  }
0xa: {  	s9 =	sshrl.u32 s30, $0x2;
	s11 =	ssub.s32 s7, s31;
	s8 =	sshrl.u32 s8, $0x3  }
0xb: {  	s7 =	sadd.s32 s9, s3;
	s9 =	smax.u32 s11, $0x1;
	s11 =	simm.s32 $0x2800  }
0xc: {  	s10 =	sadd.s32 s5, s6;
	s5 =	sadd.s32 $0xC800, s6;
	s8 =	sadd.s32 s8, s6  }
0xd: {  	s6 =	sadd.s32 $0x2800, s10;
	s8 =	sadd.s32 $0xCA00, s8;
	s10 =	simm.s32 $0x2  }
.LBB2_1:
0xe: {  	[tilespmem:s4], [sflag:$0x2] =	stream.linear.gather [hbm4b:s6+s4], $0x2800, $0x38;
	[tilespmem:$0x2D80] =	vst v63  }
0xf: {  	_ =	swait.ge [sflag:s10], $0x2800  }
0x10: {  	[sflag:s10] =	ssyncset.done $0x0  }
0x11: {  	[sflag:s10] =	ssyncadd.s32 $0xFFFFD800  }
0x12: {  	[tilespmem:s11], [sflag:$0x2] =	stream.linear.gather [hbm4b:s5+s4], $0x80, $0x38;
	[tilespmem:$0x2D80] =	vst v63  }
0x13: {  	_ =	swait.ge [sflag:s10], $0x80  }
0x14: {  	[sflag:s10] =	ssyncset.done $0x0  }
0x15: {  	[sflag:s10] =	ssyncadd.s32 $0xFFFFFF80  }
0x16: {  	[tilespmem:s12], [sflag:$0x2] =	stream.linear.gather [hbm4b:s2+s4], $0x280, $0x38;
	[tilespmem:$0x2D80] =	vst v63  }
0x17: {  	_ =	swait.ge [sflag:s10], $0x280  }
0x18: {  	[sflag:s10] =	ssyncset.done $0x0  }
0x19: {  	[sflag:s10] =	ssyncadd.s32 $0xFFFFFD80  }
0x1a: {  	[spmem:s7] =	stream.linear.scatter [tilespmem:s12], [sflag:$0x2], $0x280, $0x38;
	[tilespmem:$0x2D80] =	vst v63  }
0x1b: {  	_ =	swait.ge [sflag:s10], $0x280  }
0x1c: {  	[sflag:s10] =	ssyncset.done $0x0  }
0x1d: {  	[sflag:s10] =	ssyncadd.s32 $0xFFFFFD80  }
0x1e: {  	s17 =	simm.s32 $0x0;
	[bflag:$0x0] =	sbarrier.arrive $0xFFFF  }
0x1f: {  	[spmem:s3] =	stream.indirect.scatter.add.f32 [tilespmem:s11], [sflag:$0x1], $0x1, s17, s13, $0xb8;
	[tilespmem:$0x2D80] =	vst v63  }
0x20: {  	s24 =	simm.s32 $0x80  }
0x21: {  	[spmem:s3] =	stream.indirect.scatter.add.f32 [tilespmem:s11], [sflag:$0x1], $0x1, s24, s13, $0xb8;
	[tilespmem:$0x2D80] =	vst v63  }
0x22: {  	s25 =	simm.s32 $0x100  }
0x23: {  	[spmem:s3] =	stream.indirect.scatter.add.f32 [tilespmem:s11], [sflag:$0x1], $0x1, s25, s13, $0xb8;
	[tilespmem:$0x2D80] =	vst v63  }
0x24: {  	s26 =	simm.s32 $0x180  }
0x25: {  	[spmem:s3] =	stream.indirect.scatter.add.f32 [tilespmem:s11], [sflag:$0x1], $0x1, s26, s13, $0xb8;
	[tilespmem:$0x2D80] =	vst v63  }
0x26: {  	s28 =	simm.s32 $0x200  }
0x27: {  	[spmem:s3] =	stream.indirect.scatter.add.f32 [tilespmem:s11], [sflag:$0x1], $0x1, s28, s13, $0xb8;
	[tilespmem:$0x2D80] =	vst v63  }
0x28: {  	s29 =	simm.s32 $0x280  }
0x29: {  	[spmem:s3] =	stream.indirect.scatter.add.f32 [tilespmem:s11], [sflag:$0x1], $0x1, s29, s13, $0xb8;
	[tilespmem:$0x2D80] =	vst v63  }
0x2a: {  	s30 =	simm.s32 $0x300  }
0x2b: {  	[spmem:s3] =	stream.indirect.scatter.add.f32 [tilespmem:s11], [sflag:$0x1], $0x1, s30, s13, $0xb8;
	[tilespmem:$0x2D80] =	vst v63  }
0x2c: {  	s31 =	simm.s32 $0x380  }
0x2d: {  	[spmem:s3] =	stream.indirect.scatter.add.f32 [tilespmem:s11], [sflag:$0x1], $0x1, s31, s13, $0xb8;
	[tilespmem:$0x2D80] =	vst v63  }
0x2e: {  	_ =	swait.ge [sflag:s14], $0x80  }
0x2f: {  	[sflag:s14] =	ssyncset.done $0x0  }
0x30: {  	[sflag:s14] =	ssyncadd.s32 $0xFFFFFF80  }
0x31: {  	_ =	swait.ge [sflag:s14], $0x80  }
0x32: {  	[sflag:s14] =	ssyncset.done $0x0  }
0x33: {  	[sflag:s14] =	ssyncadd.s32 $0xFFFFFF80  }
0x34: {  	_ =	swait.ge [sflag:s14], $0x80  }
0x35: {  	[sflag:s14] =	ssyncset.done $0x0  }
0x36: {  	[sflag:s14] =	ssyncadd.s32 $0xFFFFFF80  }
0x37: {  	_ =	swait.ge [sflag:s14], $0x80  }
0x38: {  	[sflag:s14] =	ssyncset.done $0x0  }
0x39: {  	[sflag:s14] =	ssyncadd.s32 $0xFFFFFF80  }
0x3a: {  	_ =	swait.ge [sflag:s14], $0x80  }
0x3b: {  	[sflag:s14] =	ssyncset.done $0x0  }
0x3c: {  	[sflag:s14] =	ssyncadd.s32 $0xFFFFFF80  }
0x3d: {  	_ =	swait.ge [sflag:s14], $0x80  }
0x3e: {  	[sflag:s14] =	ssyncset.done $0x0  }
0x3f: {  	[sflag:s14] =	ssyncadd.s32 $0xFFFFFF80  }
0x40: {  	_ =	swait.ge [sflag:s14], $0x80  }
0x41: {  	[sflag:s14] =	ssyncset.done $0x0  }
0x42: {  	[sflag:s14] =	ssyncadd.s32 $0xFFFFFF80  }
0x43: {  	_ =	swait.ge [sflag:s14], $0x80  }
0x44: {  	s19 =	simm.s32 $0x2000;
	s17 =	simm.s32 $0x1000;
	[sflag:s14] =	ssyncset.done $0x0  }
.LBB2_2:
0x45: {  	s20 =	sshra.s32 s17, $0x2  }
0x46: {  	[sflag:s14] =	ssyncadd.s32 $0xFFFFFF80;
	s17 =	smov.u32 s19;
	s18 =	sadd.s32 $0x1000, s19  }
0x47: {  	[spmem:s3] =	stream.indirect.scatter.add.f32 [tilespmem:s11], [sflag:$0x1], $0x1, s20, s13, $0xb8;
	[tilespmem:$0x2D80] =	vst v63  }
0x48: {  	p0 =	sne.s32 s19, $0x9000;
	s19 =	sadd.s32 $0x80, s20  }
0x49: {  	[spmem:s3] =	stream.indirect.scatter.add.f32 [tilespmem:s11], [sflag:$0x1], $0x1, s19, s13, $0xb8;
	[tilespmem:$0x2D80] =	vst v63  }
0x4a: {  	s19 =	sadd.s32 $0x100, s20  }
0x4b: {  	[spmem:s3] =	stream.indirect.scatter.add.f32 [tilespmem:s11], [sflag:$0x1], $0x1, s19, s13, $0xb8;
	[tilespmem:$0x2D80] =	vst v63  }
0x4c: {  	s19 =	sadd.s32 $0x180, s20  }
0x4d: {  	[spmem:s3] =	stream.indirect.scatter.add.f32 [tilespmem:s11], [sflag:$0x1], $0x1, s19, s13, $0xb8;
	[tilespmem:$0x2D80] =	vst v63  }
0x4e: {  	s19 =	sadd.s32 $0x200, s20  }
0x4f: {  	[spmem:s3] =	stream.indirect.scatter.add.f32 [tilespmem:s11], [sflag:$0x1], $0x1, s19, s13, $0xb8;
	[tilespmem:$0x2D80] =	vst v63  }
0x50: {  	s19 =	sadd.s32 $0x280, s20  }
0x51: {  	[spmem:s3] =	stream.indirect.scatter.add.f32 [tilespmem:s11], [sflag:$0x1], $0x1, s19, s13, $0xb8;
	[tilespmem:$0x2D80] =	vst v63  }
0x52: {  	s19 =	sadd.s32 $0x300, s20  }
0x53: {  	[spmem:s3] =	stream.indirect.scatter.add.f32 [tilespmem:s11], [sflag:$0x1], $0x1, s19, s13, $0xb8;
	[tilespmem:$0x2D80] =	vst v63  }
0x54: {  	s19 =	sadd.s32 $0x380, s20  }
0x55: {  	[spmem:s3] =	stream.indirect.scatter.add.f32 [tilespmem:s11], [sflag:$0x1], $0x1, s19, s13, $0xb8;
	[tilespmem:$0x2D80] =	vst v63  }
0x56: {  	_ =	swait.ge [sflag:s14], $0x80  }
0x57: {  	[sflag:s14] =	ssyncset.done $0x0  }
0x58: {  	[sflag:s14] =	ssyncadd.s32 $0xFFFFFF80  }
0x59: {  	_ =	swait.ge [sflag:s14], $0x80  }
0x5a: {  	[sflag:s14] =	ssyncset.done $0x0  }
0x5b: {  	[sflag:s14] =	ssyncadd.s32 $0xFFFFFF80  }
0x5c: {  	_ =	swait.ge [sflag:s14], $0x80  }
0x5d: {  	[sflag:s14] =	ssyncset.done $0x0  }
0x5e: {  	[sflag:s14] =	ssyncadd.s32 $0xFFFFFF80  }
0x5f: {  	_ =	swait.ge [sflag:s14], $0x80  }
0x60: {  	[sflag:s14] =	ssyncset.done $0x0  }
0x61: {  	[sflag:s14] =	ssyncadd.s32 $0xFFFFFF80  }
0x62: {  	_ =	swait.ge [sflag:s14], $0x80  }
0x63: {  	[sflag:s14] =	ssyncset.done $0x0  }
0x64: {  	[sflag:s14] =	ssyncadd.s32 $0xFFFFFF80  }
0x65: {  	_ =	swait.ge [sflag:s14], $0x80  }
0x66: {  	[sflag:s14] =	ssyncset.done $0x0  }
0x67: {  	[sflag:s14] =	ssyncadd.s32 $0xFFFFFF80  }
.Ltmp0:
0x68: {  	_ =	swait.ge [sflag:s14], $0x80;
	(pc) =	sbr.rel @p0 .LBB2_2-.Ltmp0, $4  }
0x69: {  	[sflag:s14] =	ssyncset.done $0x0  }
0x6a: {  	[sflag:s14] =	ssyncadd.s32 $0xFFFFFF80  }
0x6b: {  	_ =	swait.ge [sflag:s14], $0x80  }
0x6c: {  	s19 =	smov.u32 s18;
	[sflag:s14] =	ssyncset.done $0x0  }
0x6d: {  	s17 =	sshra.s32 s17, $0x2;
	[sflag:s14] =	ssyncadd.s32 $0xFFFFFF80  }
0x6e: {  	[spmem:s3] =	stream.indirect.scatter.add.f32 [tilespmem:s11], [sflag:$0x1], $0x1, s17, s13, $0xb8;
	[tilespmem:$0x2D80] =	vst v63  }
0x6f: {  	s18 =	sadd.s32 $0x80, s17  }
0x70: {  	[spmem:s3] =	stream.indirect.scatter.add.f32 [tilespmem:s11], [sflag:$0x1], $0x1, s18, s13, $0xb8;
	[tilespmem:$0x2D80] =	vst v63  }
0x71: {  	s26 =	sadd.s32 $0x100, s17  }
0x72: {  	[spmem:s3] =	stream.indirect.scatter.add.f32 [tilespmem:s11], [sflag:$0x1], $0x1, s26, s13, $0xb8;
	[tilespmem:$0x2D80] =	vst v63  }
0x73: {  	s28 =	sadd.s32 $0x180, s17  }
0x74: {  	[spmem:s3] =	stream.indirect.scatter.add.f32 [tilespmem:s11], [sflag:$0x1], $0x1, s28, s13, $0xb8;
	[tilespmem:$0x2D80] =	vst v63  }
0x75: {  	s29 =	sadd.s32 $0x200, s17  }
0x76: {  	[spmem:s3] =	stream.indirect.scatter.add.f32 [tilespmem:s11], [sflag:$0x1], $0x1, s29, s13, $0xb8;
	[tilespmem:$0x2D80] =	vst v63  }
0x77: {  	s30 =	sadd.s32 $0x280, s17  }
0x78: {  	[spmem:s3] =	stream.indirect.scatter.add.f32 [tilespmem:s11], [sflag:$0x1], $0x1, s30, s13, $0xb8;
	[tilespmem:$0x2D80] =	vst v63  }
0x79: {  	s31 =	sadd.s32 $0x300, s17  }
0x7a: {  	[spmem:s3] =	stream.indirect.scatter.add.f32 [tilespmem:s11], [sflag:$0x1], $0x1, s31, s13, $0xb8;
	[tilespmem:$0x2D80] =	vst v63  }
0x7b: {  	s17 =	sadd.s32 $0x380, s17  }
0x7c: {  	[spmem:s3] =	stream.indirect.scatter.add.f32 [tilespmem:s11], [sflag:$0x1], $0x1, s17, s13, $0xb8;
	[tilespmem:$0x2D80] =	vst v63  }
0x7d: {  	_ =	swait.ge [sflag:s14], $0x80  }
0x7e: {  	[sflag:s14] =	ssyncset.done $0x0  }
0x7f: {  	[sflag:s14] =	ssyncadd.s32 $0xFFFFFF80  }
0x80: {  	_ =	swait.ge [sflag:s14], $0x80  }
0x81: {  	[sflag:s14] =	ssyncset.done $0x0  }
0x82: {  	[sflag:s14] =	ssyncadd.s32 $0xFFFFFF80  }
0x83: {  	_ =	swait.ge [sflag:s14], $0x80  }
0x84: {  	[sflag:s14] =	ssyncset.done $0x0  }
0x85: {  	[sflag:s14] =	ssyncadd.s32 $0xFFFFFF80  }
0x86: {  	_ =	swait.ge [sflag:s14], $0x80  }
0x87: {  	[sflag:s14] =	ssyncset.done $0x0  }
0x88: {  	[sflag:s14] =	ssyncadd.s32 $0xFFFFFF80  }
0x89: {  	_ =	swait.ge [sflag:s14], $0x80  }
0x8a: {  	[sflag:s14] =	ssyncset.done $0x0  }
0x8b: {  	[sflag:s14] =	ssyncadd.s32 $0xFFFFFF80  }
0x8c: {  	_ =	swait.ge [sflag:s14], $0x80  }
0x8d: {  	[sflag:s14] =	ssyncset.done $0x0  }
0x8e: {  	[sflag:s14] =	ssyncadd.s32 $0xFFFFFF80  }
0x8f: {  	_ =	swait.ge [sflag:s14], $0x80  }
0x90: {  	[sflag:s14] =	ssyncset.done $0x0  }
0x91: {  	[sflag:s14] =	ssyncadd.s32 $0xFFFFFF80  }
0x92: {  	_ =	swait.ge [sflag:s14], $0x80  }
0x93: {  	[sflag:s14] =	ssyncset.done $0x0  }
0x94: {  	[sflag:s14] =	ssyncadd.s32 $0xFFFFFF80  }
0x95: {  	[bflag:$0x0] =	sbarrier.arrive $0xFFFF  }
0x96: {  	[tilespmem:s12], [sflag:$0x2] =	stream.linear.gather [spmem:s7], $0x280, $0x38;
	[tilespmem:$0x2D80] =	vst v63  }
0x97: {  	s16 =	sadd.s32 $0x1, s16;
	_ =	swait.ge [sflag:s10], $0x280  }
0x98: {  	p0 =	sne.s32 s16, s9;
	[sflag:s10] =	ssyncset.done $0x0  }
.Ltmp1:
0x99: {  	[sflag:s10] =	ssyncadd.s32 $0xFFFFFD80;
	(pc) =	sbr.rel @p0 .LBB2_1-.Ltmp1, $4  }
0x9a: {  	[hbm4b:s8+s13] =	stream.strided.scatter [tilespmem:s12], [sflag:$0x2], $0x280, s15, s13, $0x38;
	[tilespmem:$0x2D80] =	vst v63  }
0x9b: {  	_ =	swait.ge [sflag:s10], $0x280  }
0x9c: {  	[sflag:s10] =	ssyncset.done $0x0  }
0x9d: {  	[sflag:s10] =	ssyncadd.s32 $0xFFFFFD80  }
0x9e: {  	_ =	sfence.sel $0x180000  }
0x9f: {  	[bflag:$0x0] =	sbarrier.arrive $0xFFFF  }
0xa0: {  	p0 =	sne.s32 s0, $0x0;
	_ =	strace $0x90000047  }
0xa1: {  	s0 =	sadd.s32 @!p0 $0x100000, s1;
	[bflag:$0x2] =	sbarrier.arrive $0xFFFF  }
0xa2: {  	[sflag:s0] =	ssyncadd.tile.s32 @!p0 $0x1;
	_ =	shalt  }
.Lfunc_end2:
_tile_overlayer_lowered:
.L_overlay_start_2:
0xa3: {  	(tag) =	ssettag $0x2  }
0xa4: {  	s0 =	rddreg [dreg:$0x0];
	s2 =	stileid.u32  }
0xa5: {  	s1 =	rddreg [dreg:$0x1];
	p0 =	sne.s32 s2, $0x0  }
0xa6: {  	s3 =	rddreg [dreg:$0x2];
	[bflag:$0x3] =	sbarrier.arrive $0xFFFF;
	s2 =	simm.s32 @!p0 $0x1C02  }
0xa7: {  	[timem:s3], [sflag:s2] =	dma.local @!p0 [hbm:s0], s1  }
0xa8: {  	s0 =	simm.s32 @!p0 $0x2  }
0xa9: {  	_ =	swait.ge @!p0 [sflag:s0], s1  }
0xaa: {  	s1 =	ssub.s32 @!p0 $0x0, s1;
	[sflag:s0] =	ssyncset.done @!p0 $0x0  }
0xab: {  	[sflag:s0] =	ssyncadd.s32 @!p0 s1  }
0xac: {  	[bflag:$0x3] =	sbarrier.arrive $0xFFFF  }
0xad: {  	_ =	shalt  }

</sc_bundles>
